<compile_context>
chip_gen: v7x
topology: tpu7x:2x2x1
jax: 0.10.2.dev20260603
libtpu: 0.0.44.dev20260713+nightly
codegen_flags: <defaults>
</compile_context>

<pallas_src>
import functools

import jax
import jax.numpy as jnp
from jax import lax
from jax.experimental import pallas as pl
from jax.experimental.pallas import tpu as pltpu
from jax.experimental.pallas import tpu_sc as plsc

_BATCH = 16384
_EMBED = 64
_NC = 2
_NS = 16
_NW = _NC * _NS
_BPW = _BATCH // _NW
_FAN = 8


def _gather_body(uq_hbm, iq_hbm, us_hbm, is_hbm, utabT_hbm, itabT_hbm,
                 uout_hbm, iout_hbm, q_v, s_v, slab_v, out_v, sem_a, sem_b):
    wid = lax.axis_index("s") * _NC + lax.axis_index("c")
    base = wid * _BPW
    iota16 = lax.iota(jnp.int32, 16)
    nchunk = _BPW // _FAN

    for q_hbm, sl_hbm, tab_hbm, out_hbm in (
            (uq_hbm, us_hbm, utabT_hbm, uout_hbm),
            (iq_hbm, is_hbm, itabT_hbm, iout_hbm)):
        pltpu.sync_copy(q_hbm.at[pl.ds(base, _BPW)], q_v)
        pltpu.sync_copy(sl_hbm.at[pl.ds(base, _BPW)], s_v)

        def fire(c, buf, sem):
            for k in range(_FAN):
                j = c * _FAN + k
                q = jnp.max(plsc.load_gather(
                    q_v, [jnp.full((16,), j, jnp.int32)]))
                pltpu.async_copy(
                    tab_hbm.at[:, pl.ds(pl.multiple_of(q * 128, 128), 128)],
                    slab_v.at[buf * _FAN + k], sem)

        def drain(sem, buf):
            for k in range(_FAN):
                pltpu.make_async_copy(tab_hbm.at[:, pl.ds(0, 128)],
                                      slab_v.at[buf * _FAN + k], sem).wait()

        def extract(c, buf):
            for k in range(_FAN):
                j = c * _FAN + k
                sb = plsc.load_gather(s_v, [jnp.full((16,), j, jnp.int32)])
                kb = jnp.full((16,), buf * _FAN + k, jnp.int32)
                for g in range(4):
                    val = plsc.load_gather(slab_v, [kb, iota16 + 16 * g, sb])
                    out_v[pl.ds(j * _EMBED + 16 * g, 16)] = val

        def chunk(c, carry):
            fire(c, 0, sem_a)
            for k in range(_FAN):
                pltpu.make_async_copy(tab_hbm.at[:, pl.ds(0, 128)],
                                      slab_v.at[k], sem_a).wait()
                j = c * _FAN + k
                sb = plsc.load_gather(s_v, [jnp.full((16,), j, jnp.int32)])
                kb = jnp.full((16,), k, jnp.int32)
                for g in range(4):
                    val = plsc.load_gather(slab_v, [kb, iota16 + 16 * g, sb])
                    out_v[pl.ds(j * _EMBED + 16 * g, 16)] = val
            return carry

        lax.fori_loop(0, nchunk, chunk, 0)
        pltpu.sync_copy(out_v, out_hbm.at[pl.ds(base * _EMBED, _BPW * _EMBED)])


_gather = functools.partial(
    pl.kernel,
    mesh=plsc.VectorSubcoreMesh(core_axis_name="c", subcore_axis_name="s"),
    out_type=(
        jax.ShapeDtypeStruct((_BATCH * _EMBED,), jnp.float32),
        jax.ShapeDtypeStruct((_BATCH * _EMBED,), jnp.float32),
    ),
    scratch_types=[
        pltpu.VMEM((_BPW,), jnp.int32),
        pltpu.VMEM((_BPW,), jnp.int32),
        pltpu.VMEM((_FAN, _EMBED, 128), jnp.float32),
        pltpu.VMEM((_BPW * _EMBED,), jnp.float32),
        pltpu.SemaphoreType.DMA,
        pltpu.SemaphoreType.DMA,
    ],
    compiler_params=pltpu.CompilerParams(needs_layout_passes=False),
)(_gather_body)


_TILE = 1024


def _mlp_body(ue_ref, ie_ref, w1u_ref, w1i_ref, b1_ref, w2_ref, b2_ref,
              w3_ref, b3_ref, w4_ref, b4_ref, out_ref):
    dot = functools.partial(jnp.dot, preferred_element_type=jnp.float32)
    bf = jnp.bfloat16
    h = dot(ue_ref[...].astype(bf), w1u_ref[...]) + dot(
        ie_ref[...].astype(bf), w1i_ref[...])
    h = jnp.maximum(h + b1_ref[...], 0.0)
    h = jnp.maximum(dot(h.astype(bf), w2_ref[...]) + b2_ref[...], 0.0)
    h = jnp.maximum(dot(h.astype(bf), w3_ref[...]) + b3_ref[...], 0.0)
    out_ref[...] = jnp.maximum(dot(h.astype(bf), w4_ref[...]) + b4_ref[...], 0.0)


def _mlp(ue, ie, W1u, W1i, b1, W2, b2, W3, b3, W4, b4):
    full = lambda r, c: pl.BlockSpec((r, c), lambda i: (0, 0))
    return pl.pallas_call(
        _mlp_body,
        grid=(_BATCH // _TILE,),
        in_specs=[
            pl.BlockSpec((_TILE, _EMBED), lambda i: (i, 0)),
            pl.BlockSpec((_TILE, _EMBED), lambda i: (i, 0)),
            full(_EMBED, 1024), full(_EMBED, 1024), full(1, 1024),
            full(1024, 512), full(1, 512),
            full(512, 256), full(1, 256),
            full(256, 128), full(1, 128),
        ],
        out_specs=pl.BlockSpec((_TILE, 128), lambda i: (i, 0)),
        out_shape=jax.ShapeDtypeStruct((_BATCH, 128), jnp.float32),
    )(ue, ie, W1u, W1i, b1, W2, b2, W3, b3, W4, b4)


def kernel(user_batch, item_batch, user_table, item_table,
           W1, b1, W2, b2, W3, b3, W4, b4):
    ub = user_batch.astype(jnp.int32)
    ib = item_batch.astype(jnp.int32)
    uef, ief = _gather(
        jnp.right_shift(ub, 7), jnp.right_shift(ib, 7),
        jnp.bitwise_and(ub, 127), jnp.bitwise_and(ib, 127),
        user_table.T, item_table.T)
    bf = jnp.bfloat16
    return _mlp(uef.reshape(_BATCH, _EMBED), ief.reshape(_BATCH, _EMBED),
                W1[:_EMBED].astype(bf), W1[_EMBED:].astype(bf),
                b1.reshape(1, -1), W2.astype(bf), b2.reshape(1, -1),
                W3.astype(bf), b3.reshape(1, -1), W4.astype(bf),
                b4.reshape(1, -1))

# --- scband reference (transcript-rebuilt; emitter-appended) ---
"""Pipeline reference for scband-nmf-50276887167064 (READ-ONLY COPY).

The authoritative reference and input builder live on the scoring server;
editing this copy changes nothing except your own understanding.
"""

import jax, jax.numpy as jnp
import numpy as np

USER_SIZE = 1000000
ITEM_SIZE = 1000000
EMBED = 64
BATCH = 16384

def setup_inputs(seed: int = 0) -> dict:
    key = jax.random.key(seed)
    ks = jax.random.split(key, 12)
    user_batch = jax.random.randint(ks[0], (BATCH,), 0, USER_SIZE, dtype=jnp.int64 if jax.config.jax_enable_x64 else jnp.int32)
    item_batch = jax.random.randint(ks[1], (BATCH,), 0, ITEM_SIZE, dtype=jnp.int64 if jax.config.jax_enable_x64 else jnp.int32)
    # he_uniform-ish init for embeddings
    lim_u = np.sqrt(6.0 / EMBED)
    user_table = jax.random.uniform(ks[2], (USER_SIZE, EMBED), minval=-lim_u, maxval=lim_u, dtype=jnp.float32)
    item_table = jax.random.uniform(ks[3], (ITEM_SIZE, EMBED), minval=-lim_u, maxval=lim_u, dtype=jnp.float32)
    def glorot(k, fan_in, fan_out):
        lim = np.sqrt(6.0 / (fan_in + fan_out))
        return jax.random.uniform(k, (fan_in, fan_out), minval=-lim, maxval=lim, dtype=jnp.float32)
    W1 = glorot(ks[4], 2 * EMBED, 1024); b1 = jnp.zeros((1024,), jnp.float32)
    W2 = glorot(ks[5], 1024, 512); b2 = jnp.zeros((512,), jnp.float32)
    W3 = glorot(ks[6], 512, 256); b3 = jnp.zeros((256,), jnp.float32)
    W4 = glorot(ks[7], 256, 128); b4 = jnp.zeros((128,), jnp.float32)
    return {
        "user_batch": user_batch, "item_batch": item_batch,
        "user_table": user_table, "item_table": item_table,
        "W1": W1, "b1": b1, "W2": W2, "b2": b2,
        "W3": W3, "b3": b3, "W4": W4, "b4": b4,
    }

def reference(user_batch, item_batch, user_table, item_table, W1, b1, W2, b2, W3, b3, W4, b4):
    user_embed = jnp.take(user_table, user_batch, axis=0)
    item_embed = jnp.take(item_table, item_batch, axis=0)
    embed = jnp.concatenate([user_embed, item_embed], axis=-1)
    h = jax.nn.relu(embed @ W1 + b1)
    h = jax.nn.relu(h @ W2 + b2)
    h = jax.nn.relu(h @ W3 + b3)
    out = jax.nn.relu(h @ W4 + b4)
    return out

if __name__ == "__main__":
    import jax
    _d = setup_inputs()
    print(jax.jit(kernel)(*tuple(_d.values())))

</pallas_src>

<mosaic_0001>
#map = affine_map<(d0, d1) -> (0)>
#map1 = affine_map<(d0, d1) -> (0, 0)>
module attributes {stable_mosaic.version = 14 : i64} {
  func.func @_gather_body(%arg0: i32, %arg1: i32, %arg2: memref<16384xi32, #tpu.memory_space<hbm>>, %arg3: memref<16384xi32, #tpu.memory_space<hbm>>, %arg4: memref<16384xi32, #tpu.memory_space<hbm>>, %arg5: memref<16384xi32, #tpu.memory_space<hbm>>, %arg6: memref<64x1000000xf32, #tpu.memory_space<hbm>>, %arg7: memref<64x1000000xf32, #tpu.memory_space<hbm>>, %arg8: memref<1048576xf32, #tpu.memory_space<hbm>>, %arg9: memref<1048576xf32, #tpu.memory_space<hbm>>, %arg10: memref<512xi32, #tpu.memory_space<vmem>>, %arg11: memref<512xi32, #tpu.memory_space<vmem>>, %arg12: memref<8x64x128xf32, #tpu.memory_space<vmem>>, %arg13: memref<32768xf32, #tpu.memory_space<vmem>>, %arg14: memref<!tpu.dma_semaphore, #tpu.memory_space<semaphore_mem>>, %arg15: memref<!tpu.dma_semaphore, #tpu.memory_space<semaphore_mem>>) attributes {dimension_semantics = [#tpu.dimension_semantics<core_parallel>, #tpu.dimension_semantics<subcore_parallel>], iteration_bounds = array<i64: 2, 16>, scalar_prefetch = 0 : i64, scratch_operands = 6 : i64, tpu.core_type = #tpu.core_type<sc_vector_subcore>, window_params = [{transform_indices = #map}, {transform_indices = #map}, {transform_indices = #map}, {transform_indices = #map}, {transform_indices = #map1}, {transform_indices = #map1}, {transform_indices = #map}, {transform_indices = #map}]} {
    %mul3A = arith.constant 2 : i32
    %mul3A_0 = arith.muli %arg1, %mul3A : i32
    %add3A = arith.addi %mul3A_0, %arg0 : i32
    %mul3A_1 = arith.constant 512 : i32
    %mul3A_2 = arith.muli %add3A, %mul3A_1 : i32
    %iota3A = tpu.iota {dimensions = array<i32: 0>} : vector<16xi32>
    "tpu.region"() ({
      %run_scoped3A = tpu.sem_alloc : memref<!tpu.dma_semaphore, #tpu.memory_space<semaphore_mem>>
      %dma_start3A = tpu.memref_slice %arg2[%mul3A_2] : memref<16384xi32, #tpu.memory_space<hbm>> -> memref<512xi32, #tpu.memory_space<hbm>>
      %dma_start3A_18 = tpu.memref_slice %arg2[%mul3A_2] : memref<16384xi32, #tpu.memory_space<hbm>> -> memref<512xi32, #tpu.memory_space<hbm>>
      tpu.enqueue_dma source(%dma_start3A_18 : memref<512xi32, #tpu.memory_space<hbm>>) target(%arg10 : memref<512xi32, #tpu.memory_space<vmem>>) target_semaphore(%run_scoped3A : memref<!tpu.dma_semaphore, #tpu.memory_space<semaphore_mem>>)
      %dma_wait3A = tpu.memref_slice %arg2[%mul3A_2] : memref<16384xi32, #tpu.memory_space<hbm>> -> memref<512xi32, #tpu.memory_space<hbm>>
      %dma_wait3A_19 = tpu.memref_slice %arg2[%mul3A_2] : memref<16384xi32, #tpu.memory_space<hbm>> -> memref<512xi32, #tpu.memory_space<hbm>>
      tpu.wait_dma2 semaphore(%run_scoped3A : memref<!tpu.dma_semaphore, #tpu.memory_space<semaphore_mem>>) src(%dma_wait3A_19 : memref<512xi32, #tpu.memory_space<hbm>>) dst(%arg10 : memref<512xi32, #tpu.memory_space<vmem>>)
      tpu.yield
    }) : () -> ()
    "tpu.region"() ({
      %run_scoped3A = tpu.sem_alloc : memref<!tpu.dma_semaphore, #tpu.memory_space<semaphore_mem>>
      %dma_start3A = tpu.memref_slice %arg4[%mul3A_2] : memref<16384xi32, #tpu.memory_space<hbm>> -> memref<512xi32, #tpu.memory_space<hbm>>
      %dma_start3A_18 = tpu.memref_slice %arg4[%mul3A_2] : memref<16384xi32, #tpu.memory_space<hbm>> -> memref<512xi32, #tpu.memory_space<hbm>>
      tpu.enqueue_dma source(%dma_start3A_18 : memref<512xi32, #tpu.memory_space<hbm>>) target(%arg11 : memref<512xi32, #tpu.memory_space<vmem>>) target_semaphore(%run_scoped3A : memref<!tpu.dma_semaphore, #tpu.memory_space<semaphore_mem>>)
      %dma_wait3A = tpu.memref_slice %arg4[%mul3A_2] : memref<16384xi32, #tpu.memory_space<hbm>> -> memref<512xi32, #tpu.memory_space<hbm>>
      %dma_wait3A_19 = tpu.memref_slice %arg4[%mul3A_2] : memref<16384xi32, #tpu.memory_space<hbm>> -> memref<512xi32, #tpu.memory_space<hbm>>
      tpu.wait_dma2 semaphore(%run_scoped3A : memref<!tpu.dma_semaphore, #tpu.memory_space<semaphore_mem>>) src(%dma_wait3A_19 : memref<512xi32, #tpu.memory_space<hbm>>) dst(%arg11 : memref<512xi32, #tpu.memory_space<vmem>>)
      tpu.yield
    }) : () -> ()
    %scan3A = arith.constant 0 : i32
    %scan3A_3 = arith.constant 0 : i32
    %scan3A_4 = arith.constant 64 : i32
    %scan3A_5 = arith.addi %scan3A_3, %scan3A_4 : i32
    %scan3A_6 = arith.constant 1 : i32
    scf.for %scan3A_18 = %scan3A_3 to %scan3A_5 step %scan3A_6  : i32 {
      %mul3A_19 = arith.constant 8 : i32
      %mul3A_20 = arith.muli %scan3A_18, %mul3A_19 : i32
      %add3A_21 = arith.constant 0 : i32
      %add3A_22 = arith.addi %mul3A_20, %add3A_21 : i32
      %broadcast_in_dim3A = vector.broadcast %add3A_22 : i32 to vector<16xi32>
      %gather3A = tpu.vector_load_idx %arg10[%broadcast_in_dim3A] : memref<512xi32, #tpu.memory_space<vmem>>[vector<16xi32>], vector<16xi32>,
      %reduce_max3A = arith.constant true
      %reduce_max3A_23 = vector.broadcast %reduce_max3A : i1 to vector<16xi1>
      %reduce_max3A_24 = arith.constant -2147483648 : i32
      %reduce_max3A_25 = vector.broadcast %reduce_max3A_24 : i32 to vector<16xi32>
      %reduce_max3A_26 = arith.xori %gather3A, %reduce_max3A_25 : vector<16xi32>
      %reduce_max3A_27 = tpu.scan <max>, %reduce_max3A_26 masked %reduce_max3A_23 : vector<16xi32>, vector<16xi1> -> vector<16xi32>
      %reduce_max3A_28 = arith.xori %reduce_max3A_27, %reduce_max3A_25 : vector<16xi32>
      %reduce_max3A_29 = vector.extract %reduce_max3A_28[15] : i32 from vector<16xi32>
      %mul3A_30 = arith.constant 128 : i32
      %mul3A_31 = arith.muli %reduce_max3A_29, %mul3A_30 : i32
      %multiple_of3A = tpu.assume_multiple %mul3A_31, 128 : i32
      %dma_start3A = arith.constant 0 : i32
      %dma_start3A_32 = arith.constant 0 : i32
      %dma_start3A_33 = arith.constant 0 : i32
      %dma_start3A_34 = tpu.memref_slice %arg12[%dma_start3A, %dma_start3A_32, %dma_start3A_33] : memref<8x64x128xf32, #tpu.memory_space<vmem>> -> memref<1x64x128xf32, #tpu.memory_space<vmem>>
      %dma_start3A_35 = tpu.memref_squeeze %dma_start3A_34 : memref<1x64x128xf32, #tpu.memory_space<vmem>> -> memref<64x128xf32, #tpu.memory_space<vmem>>
      %dma_start3A_36 = arith.constant 0 : i32
      %dma_start3A_37 = tpu.memref_slice %arg6[%dma_start3A_36, %multiple_of3A] : memref<64x1000000xf32, #tpu.memory_space<hbm>> -> memref<64x128xf32, #tpu.memory_space<hbm>>
      %dma_start3A_38 = arith.constant 0 : i32
      %dma_start3A_39 = arith.constant 0 : i32
      %dma_start3A_40 = tpu.memref_slice %arg12[%dma_start3A, %dma_start3A_38, %dma_start3A_39] : memref<8x64x128xf32, #tpu.memory_space<vmem>> -> memref<1x64x128xf32, #tpu.memory_space<vmem>>
      %dma_start3A_41 = tpu.memref_squeeze %dma_start3A_40 : memref<1x64x128xf32, #tpu.memory_space<vmem>> -> memref<64x128xf32, #tpu.memory_space<vmem>>
      %dma_start3A_42 = arith.constant 0 : i32
      %dma_start3A_43 = tpu.memref_slice %arg6[%dma_start3A_42, %multiple_of3A] : memref<64x1000000xf32, #tpu.memory_space<hbm>> -> memref<64x128xf32, #tpu.memory_space<hbm>>
      tpu.enqueue_dma source(%dma_start3A_43 : memref<64x128xf32, #tpu.memory_space<hbm>>) target(%dma_start3A_41 : memref<64x128xf32, #tpu.memory_space<vmem>>) target_semaphore(%arg14 : memref<!tpu.dma_semaphore, #tpu.memory_space<semaphore_mem>>)
      %mul3A_44 = arith.constant 8 : i32
      %mul3A_45 = arith.muli %scan3A_18, %mul3A_44 : i32
      %add3A_46 = arith.constant 1 : i32
      %add3A_47 = arith.addi %mul3A_45, %add3A_46 : i32
      %broadcast_in_dim3A_48 = vector.broadcast %add3A_47 : i32 to vector<16xi32>
      %gather3A_49 = tpu.vector_load_idx %arg10[%broadcast_in_dim3A_48] : memref<512xi32, #tpu.memory_space<vmem>>[vector<16xi32>], vector<16xi32>,
      %reduce_max3A_50 = arith.constant true
      %reduce_max3A_51 = vector.broadcast %reduce_max3A_50 : i1 to vector<16xi1>
      %reduce_max3A_52 = arith.constant -2147483648 : i32
      %reduce_max3A_53 = vector.broadcast %reduce_max3A_52 : i32 to vector<16xi32>
      %reduce_max3A_54 = arith.xori %gather3A_49, %reduce_max3A_53 : vector<16xi32>
      %reduce_max3A_55 = tpu.scan <max>, %reduce_max3A_54 masked %reduce_max3A_51 : vector<16xi32>, vector<16xi1> -> vector<16xi32>
      %reduce_max3A_56 = arith.xori %reduce_max3A_55, %reduce_max3A_53 : vector<16xi32>
      %reduce_max3A_57 = vector.extract %reduce_max3A_56[15] : i32 from vector<16xi32>
      %mul3A_58 = arith.constant 128 : i32
      %mul3A_59 = arith.muli %reduce_max3A_57, %mul3A_58 : i32
      %multiple_of3A_60 = tpu.assume_multiple %mul3A_59, 128 : i32
      %dma_start3A_61 = arith.constant 1 : i32
      %dma_start3A_62 = arith.constant 0 : i32
      %dma_start3A_63 = arith.constant 0 : i32
      %dma_start3A_64 = tpu.memref_slice %arg12[%dma_start3A_61, %dma_start3A_62, %dma_start3A_63] : memref<8x64x128xf32, #tpu.memory_space<vmem>> -> memref<1x64x128xf32, #tpu.memory_space<vmem>>
      %dma_start3A_65 = tpu.memref_squeeze %dma_start3A_64 : memref<1x64x128xf32, #tpu.memory_space<vmem>> -> memref<64x128xf32, #tpu.memory_space<vmem>>
      %dma_start3A_66 = arith.constant 0 : i32
      %dma_start3A_67 = tpu.memref_slice %arg6[%dma_start3A_66, %multiple_of3A_60] : memref<64x1000000xf32, #tpu.memory_space<hbm>> -> memref<64x128xf32, #tpu.memory_space<hbm>>
      %dma_start3A_68 = arith.constant 0 : i32
      %dma_start3A_69 = arith.constant 0 : i32
      %dma_start3A_70 = tpu.memref_slice %arg12[%dma_start3A_61, %dma_start3A_68, %dma_start3A_69] : memref<8x64x128xf32, #tpu.memory_space<vmem>> -> memref<1x64x128xf32, #tpu.memory_space<vmem>>
      %dma_start3A_71 = tpu.memref_squeeze %dma_start3A_70 : memref<1x64x128xf32, #tpu.memory_space<vmem>> -> memref<64x128xf32, #tpu.memory_space<vmem>>
      %dma_start3A_72 = arith.constant 0 : i32
      %dma_start3A_73 = tpu.memref_slice %arg6[%dma_start3A_72, %multiple_of3A_60] : memref<64x1000000xf32, #tpu.memory_space<hbm>> -> memref<64x128xf32, #tpu.memory_space<hbm>>
      tpu.enqueue_dma source(%dma_start3A_73 : memref<64x128xf32, #tpu.memory_space<hbm>>) target(%dma_start3A_71 : memref<64x128xf32, #tpu.memory_space<vmem>>) target_semaphore(%arg14 : memref<!tpu.dma_semaphore, #tpu.memory_space<semaphore_mem>>)
      %mul3A_74 = arith.constant 8 : i32
      %mul3A_75 = arith.muli %scan3A_18, %mul3A_74 : i32
      %add3A_76 = arith.constant 2 : i32
      %add3A_77 = arith.addi %mul3A_75, %add3A_76 : i32
      %broadcast_in_dim3A_78 = vector.broadcast %add3A_77 : i32 to vector<16xi32>
      %gather3A_79 = tpu.vector_load_idx %arg10[%broadcast_in_dim3A_78] : memref<512xi32, #tpu.memory_space<vmem>>[vector<16xi32>], vector<16xi32>,
      %reduce_max3A_80 = arith.constant true
      %reduce_max3A_81 = vector.broadcast %reduce_max3A_80 : i1 to vector<16xi1>
      %reduce_max3A_82 = arith.constant -2147483648 : i32
      %reduce_max3A_83 = vector.broadcast %reduce_max3A_82 : i32 to vector<16xi32>
      %reduce_max3A_84 = arith.xori %gather3A_79, %reduce_max3A_83 : vector<16xi32>
      %reduce_max3A_85 = tpu.scan <max>, %reduce_max3A_84 masked %reduce_max3A_81 : vector<16xi32>, vector<16xi1> -> vector<16xi32>
      %reduce_max3A_86 = arith.xori %reduce_max3A_85, %reduce_max3A_83 : vector<16xi32>
      %reduce_max3A_87 = vector.extract %reduce_max3A_86[15] : i32 from vector<16xi32>
      %mul3A_88 = arith.constant 128 : i32
      %mul3A_89 = arith.muli %reduce_max3A_87, %mul3A_88 : i32
      %multiple_of3A_90 = tpu.assume_multiple %mul3A_89, 128 : i32
      %dma_start3A_91 = arith.constant 2 : i32
      %dma_start3A_92 = arith.constant 0 : i32
      %dma_start3A_93 = arith.constant 0 : i32
      %dma_start3A_94 = tpu.memref_slice %arg12[%dma_start3A_91, %dma_start3A_92, %dma_start3A_93] : memref<8x64x128xf32, #tpu.memory_space<vmem>> -> memref<1x64x128xf32, #tpu.memory_space<vmem>>
      %dma_start3A_95 = tpu.memref_squeeze %dma_start3A_94 : memref<1x64x128xf32, #tpu.memory_space<vmem>> -> memref<64x128xf32, #tpu.memory_space<vmem>>
      %dma_start3A_96 = arith.constant 0 : i32
      %dma_start3A_97 = tpu.memref_slice %arg6[%dma_start3A_96, %multiple_of3A_90] : memref<64x1000000xf32, #tpu.memory_space<hbm>> -> memref<64x128xf32, #tpu.memory_space<hbm>>
      %dma_start3A_98 = arith.constant 0 : i32
      %dma_start3A_99 = arith.constant 0 : i32
      %dma_start3A_100 = tpu.memref_slice %arg12[%dma_start3A_91, %dma_start3A_98, %dma_start3A_99] : memref<8x64x128xf32, #tpu.memory_space<vmem>> -> memref<1x64x128xf32, #tpu.memory_space<vmem>>
      %dma_start3A_101 = tpu.memref_squeeze %dma_start3A_100 : memref<1x64x128xf32, #tpu.memory_space<vmem>> -> memref<64x128xf32, #tpu.memory_space<vmem>>
      %dma_start3A_102 = arith.constant 0 : i32
      %dma_start3A_103 = tpu.memref_slice %arg6[%dma_start3A_102, %multiple_of3A_90] : memref<64x1000000xf32, #tpu.memory_space<hbm>> -> memref<64x128xf32, #tpu.memory_space<hbm>>
      tpu.enqueue_dma source(%dma_start3A_103 : memref<64x128xf32, #tpu.memory_space<hbm>>) target(%dma_start3A_101 : memref<64x128xf32, #tpu.memory_space<vmem>>) target_semaphore(%arg14 : memref<!tpu.dma_semaphore, #tpu.memory_space<semaphore_mem>>)
      %mul3A_104 = arith.constant 8 : i32
      %mul3A_105 = arith.muli %scan3A_18, %mul3A_104 : i32
      %add3A_106 = arith.constant 3 : i32
      %add3A_107 = arith.addi %mul3A_105, %add3A_106 : i32
      %broadcast_in_dim3A_108 = vector.broadcast %add3A_107 : i32 to vector<16xi32>
      %gather3A_109 = tpu.vector_load_idx %arg10[%broadcast_in_dim3A_108] : memref<512xi32, #tpu.memory_space<vmem>>[vector<16xi32>], vector<16xi32>,
      %reduce_max3A_110 = arith.constant true
      %reduce_max3A_111 = vector.broadcast %reduce_max3A_110 : i1 to vector<16xi1>
      %reduce_max3A_112 = arith.constant -2147483648 : i32
      %reduce_max3A_113 = vector.broadcast %reduce_max3A_112 : i32 to vector<16xi32>
      %reduce_max3A_114 = arith.xori %gather3A_109, %reduce_max3A_113 : vector<16xi32>
      %reduce_max3A_115 = tpu.scan <max>, %reduce_max3A_114 masked %reduce_max3A_111 : vector<16xi32>, vector<16xi1> -> vector<16xi32>
      %reduce_max3A_116 = arith.xori %reduce_max3A_115, %reduce_max3A_113 : vector<16xi32>
      %reduce_max3A_117 = vector.extract %reduce_max3A_116[15] : i32 from vector<16xi32>
      %mul3A_118 = arith.constant 128 : i32
      %mul3A_119 = arith.muli %reduce_max3A_117, %mul3A_118 : i32
      %multiple_of3A_120 = tpu.assume_multiple %mul3A_119, 128 : i32
      %dma_start3A_121 = arith.constant 3 : i32
      %dma_start3A_122 = arith.constant 0 : i32
      %dma_start3A_123 = arith.constant 0 : i32
      %dma_start3A_124 = tpu.memref_slice %arg12[%dma_start3A_121, %dma_start3A_122, %dma_start3A_123] : memref<8x64x128xf32, #tpu.memory_space<vmem>> -> memref<1x64x128xf32, #tpu.memory_space<vmem>>
      %dma_start3A_125 = tpu.memref_squeeze %dma_start3A_124 : memref<1x64x128xf32, #tpu.memory_space<vmem>> -> memref<64x128xf32, #tpu.memory_space<vmem>>
      %dma_start3A_126 = arith.constant 0 : i32
      %dma_start3A_127 = tpu.memref_slice %arg6[%dma_start3A_126, %multiple_of3A_120] : memref<64x1000000xf32, #tpu.memory_space<hbm>> -> memref<64x128xf32, #tpu.memory_space<hbm>>
      %dma_start3A_128 = arith.constant 0 : i32
      %dma_start3A_129 = arith.constant 0 : i32
      %dma_start3A_130 = tpu.memref_slice %arg12[%dma_start3A_121, %dma_start3A_128, %dma_start3A_129] : memref<8x64x128xf32, #tpu.memory_space<vmem>> -> memref<1x64x128xf32, #tpu.memory_space<vmem>>
      %dma_start3A_131 = tpu.memref_squeeze %dma_start3A_130 : memref<1x64x128xf32, #tpu.memory_space<vmem>> -> memref<64x128xf32, #tpu.memory_space<vmem>>
      %dma_start3A_132 = arith.constant 0 : i32
      %dma_start3A_133 = tpu.memref_slice %arg6[%dma_start3A_132, %multiple_of3A_120] : memref<64x1000000xf32, #tpu.memory_space<hbm>> -> memref<64x128xf32, #tpu.memory_space<hbm>>
      tpu.enqueue_dma source(%dma_start3A_133 : memref<64x128xf32, #tpu.memory_space<hbm>>) target(%dma_start3A_131 : memref<64x128xf32, #tpu.memory_space<vmem>>) target_semaphore(%arg14 : memref<!tpu.dma_semaphore, #tpu.memory_space<semaphore_mem>>)
      %mul3A_134 = arith.constant 8 : i32
      %mul3A_135 = arith.muli %scan3A_18, %mul3A_134 : i32
      %add3A_136 = arith.constant 4 : i32
      %add3A_137 = arith.addi %mul3A_135, %add3A_136 : i32
      %broadcast_in_dim3A_138 = vector.broadcast %add3A_137 : i32 to vector<16xi32>
      %gather3A_139 = tpu.vector_load_idx %arg10[%broadcast_in_dim3A_138] : memref<512xi32, #tpu.memory_space<vmem>>[vector<16xi32>], vector<16xi32>,
      %reduce_max3A_140 = arith.constant true
      %reduce_max3A_141 = vector.broadcast %reduce_max3A_140 : i1 to vector<16xi1>
      %reduce_max3A_142 = arith.constant -2147483648 : i32
      %reduce_max3A_143 = vector.broadcast %reduce_max3A_142 : i32 to vector<16xi32>
      %reduce_max3A_144 = arith.xori %gather3A_139, %reduce_max3A_143 : vector<16xi32>
      %reduce_max3A_145 = tpu.scan <max>, %reduce_max3A_144 masked %reduce_max3A_141 : vector<16xi32>, vector<16xi1> -> vector<16xi32>
      %reduce_max3A_146 = arith.xori %reduce_max3A_145, %reduce_max3A_143 : vector<16xi32>
      %reduce_max3A_147 = vector.extract %reduce_max3A_146[15] : i32 from vector<16xi32>
      %mul3A_148 = arith.constant 128 : i32
      %mul3A_149 = arith.muli %reduce_max3A_147, %mul3A_148 : i32
      %multiple_of3A_150 = tpu.assume_multiple %mul3A_149, 128 : i32
      %dma_start3A_151 = arith.constant 4 : i32
      %dma_start3A_152 = arith.constant 0 : i32
      %dma_start3A_153 = arith.constant 0 : i32
      %dma_start3A_154 = tpu.memref_slice %arg12[%dma_start3A_151, %dma_start3A_152, %dma_start3A_153] : memref<8x64x128xf32, #tpu.memory_space<vmem>> -> memref<1x64x128xf32, #tpu.memory_space<vmem>>
      %dma_start3A_155 = tpu.memref_squeeze %dma_start3A_154 : memref<1x64x128xf32, #tpu.memory_space<vmem>> -> memref<64x128xf32, #tpu.memory_space<vmem>>
      %dma_start3A_156 = arith.constant 0 : i32
      %dma_start3A_157 = tpu.memref_slice %arg6[%dma_start3A_156, %multiple_of3A_150] : memref<64x1000000xf32, #tpu.memory_space<hbm>> -> memref<64x128xf32, #tpu.memory_space<hbm>>
      %dma_start3A_158 = arith.constant 0 : i32
      %dma_start3A_159 = arith.constant 0 : i32
      %dma_start3A_160 = tpu.memref_slice %arg12[%dma_start3A_151, %dma_start3A_158, %dma_start3A_159] : memref<8x64x128xf32, #tpu.memory_space<vmem>> -> memref<1x64x128xf32, #tpu.memory_space<vmem>>
      %dma_start3A_161 = tpu.memref_squeeze %dma_start3A_160 : memref<1x64x128xf32, #tpu.memory_space<vmem>> -> memref<64x128xf32, #tpu.memory_space<vmem>>
      %dma_start3A_162 = arith.constant 0 : i32
      %dma_start3A_163 = tpu.memref_slice %arg6[%dma_start3A_162, %multiple_of3A_150] : memref<64x1000000xf32, #tpu.memory_space<hbm>> -> memref<64x128xf32, #tpu.memory_space<hbm>>
      tpu.enqueue_dma source(%dma_start3A_163 : memref<64x128xf32, #tpu.memory_space<hbm>>) target(%dma_start3A_161 : memref<64x128xf32, #tpu.memory_space<vmem>>) target_semaphore(%arg14 : memref<!tpu.dma_semaphore, #tpu.memory_space<semaphore_mem>>)
      %mul3A_164 = arith.constant 8 : i32
      %mul3A_165 = arith.muli %scan3A_18, %mul3A_164 : i32
      %add3A_166 = arith.constant 5 : i32
      %add3A_167 = arith.addi %mul3A_165, %add3A_166 : i32
      %broadcast_in_dim3A_168 = vector.broadcast %add3A_167 : i32 to vector<16xi32>
      %gather3A_169 = tpu.vector_load_idx %arg10[%broadcast_in_dim3A_168] : memref<512xi32, #tpu.memory_space<vmem>>[vector<16xi32>], vector<16xi32>,
      %reduce_max3A_170 = arith.constant true
      %reduce_max3A_171 = vector.broadcast %reduce_max3A_170 : i1 to vector<16xi1>
      %reduce_max3A_172 = arith.constant -2147483648 : i32
      %reduce_max3A_173 = vector.broadcast %reduce_max3A_172 : i32 to vector<16xi32>
      %reduce_max3A_174 = arith.xori %gather3A_169, %reduce_max3A_173 : vector<16xi32>
      %reduce_max3A_175 = tpu.scan <max>, %reduce_max3A_174 masked %reduce_max3A_171 : vector<16xi32>, vector<16xi1> -> vector<16xi32>
      %reduce_max3A_176 = arith.xori %reduce_max3A_175, %reduce_max3A_173 : vector<16xi32>
      %reduce_max3A_177 = vector.extract %reduce_max3A_176[15] : i32 from vector<16xi32>
      %mul3A_178 = arith.constant 128 : i32
      %mul3A_179 = arith.muli %reduce_max3A_177, %mul3A_178 : i32
      %multiple_of3A_180 = tpu.assume_multiple %mul3A_179, 128 : i32
      %dma_start3A_181 = arith.constant 5 : i32
      %dma_start3A_182 = arith.constant 0 : i32
      %dma_start3A_183 = arith.constant 0 : i32
      %dma_start3A_184 = tpu.memref_slice %arg12[%dma_start3A_181, %dma_start3A_182, %dma_start3A_183] : memref<8x64x128xf32, #tpu.memory_space<vmem>> -> memref<1x64x128xf32, #tpu.memory_space<vmem>>
      %dma_start3A_185 = tpu.memref_squeeze %dma_start3A_184 : memref<1x64x128xf32, #tpu.memory_space<vmem>> -> memref<64x128xf32, #tpu.memory_space<vmem>>
      %dma_start3A_186 = arith.constant 0 : i32
      %dma_start3A_187 = tpu.memref_slice %arg6[%dma_start3A_186, %multiple_of3A_180] : memref<64x1000000xf32, #tpu.memory_space<hbm>> -> memref<64x128xf32, #tpu.memory_space<hbm>>
      %dma_start3A_188 = arith.constant 0 : i32
      %dma_start3A_189 = arith.constant 0 : i32
      %dma_start3A_190 = tpu.memref_slice %arg12[%dma_start3A_181, %dma_start3A_188, %dma_start3A_189] : memref<8x64x128xf32, #tpu.memory_space<vmem>> -> memref<1x64x128xf32, #tpu.memory_space<vmem>>
      %dma_start3A_191 = tpu.memref_squeeze %dma_start3A_190 : memref<1x64x128xf32, #tpu.memory_space<vmem>> -> memref<64x128xf32, #tpu.memory_space<vmem>>
      %dma_start3A_192 = arith.constant 0 : i32
      %dma_start3A_193 = tpu.memref_slice %arg6[%dma_start3A_192, %multiple_of3A_180] : memref<64x1000000xf32, #tpu.memory_space<hbm>> -> memref<64x128xf32, #tpu.memory_space<hbm>>
      tpu.enqueue_dma source(%dma_start3A_193 : memref<64x128xf32, #tpu.memory_space<hbm>>) target(%dma_start3A_191 : memref<64x128xf32, #tpu.memory_space<vmem>>) target_semaphore(%arg14 : memref<!tpu.dma_semaphore, #tpu.memory_space<semaphore_mem>>)
      %mul3A_194 = arith.constant 8 : i32
      %mul3A_195 = arith.muli %scan3A_18, %mul3A_194 : i32
      %add3A_196 = arith.constant 6 : i32
      %add3A_197 = arith.addi %mul3A_195, %add3A_196 : i32
      %broadcast_in_dim3A_198 = vector.broadcast %add3A_197 : i32 to vector<16xi32>
      %gather3A_199 = tpu.vector_load_idx %arg10[%broadcast_in_dim3A_198] : memref<512xi32, #tpu.memory_space<vmem>>[vector<16xi32>], vector<16xi32>,
      %reduce_max3A_200 = arith.constant true
      %reduce_max3A_201 = vector.broadcast %reduce_max3A_200 : i1 to vector<16xi1>
      %reduce_max3A_202 = arith.constant -2147483648 : i32
      %reduce_max3A_203 = vector.broadcast %reduce_max3A_202 : i32 to vector<16xi32>
      %reduce_max3A_204 = arith.xori %gather3A_199, %reduce_max3A_203 : vector<16xi32>
      %reduce_max3A_205 = tpu.scan <max>, %reduce_max3A_204 masked %reduce_max3A_201 : vector<16xi32>, vector<16xi1> -> vector<16xi32>
      %reduce_max3A_206 = arith.xori %reduce_max3A_205, %reduce_max3A_203 : vector<16xi32>
      %reduce_max3A_207 = vector.extract %reduce_max3A_206[15] : i32 from vector<16xi32>
      %mul3A_208 = arith.constant 128 : i32
      %mul3A_209 = arith.muli %reduce_max3A_207, %mul3A_208 : i32
      %multiple_of3A_210 = tpu.assume_multiple %mul3A_209, 128 : i32
      %dma_start3A_211 = arith.constant 6 : i32
      %dma_start3A_212 = arith.constant 0 : i32
      %dma_start3A_213 = arith.constant 0 : i32
      %dma_start3A_214 = tpu.memref_slice %arg12[%dma_start3A_211, %dma_start3A_212, %dma_start3A_213] : memref<8x64x128xf32, #tpu.memory_space<vmem>> -> memref<1x64x128xf32, #tpu.memory_space<vmem>>
      %dma_start3A_215 = tpu.memref_squeeze %dma_start3A_214 : memref<1x64x128xf32, #tpu.memory_space<vmem>> -> memref<64x128xf32, #tpu.memory_space<vmem>>
      %dma_start3A_216 = arith.constant 0 : i32
      %dma_start3A_217 = tpu.memref_slice %arg6[%dma_start3A_216, %multiple_of3A_210] : memref<64x1000000xf32, #tpu.memory_space<hbm>> -> memref<64x128xf32, #tpu.memory_space<hbm>>
      %dma_start3A_218 = arith.constant 0 : i32
      %dma_start3A_219 = arith.constant 0 : i32
      %dma_start3A_220 = tpu.memref_slice %arg12[%dma_start3A_211, %dma_start3A_218, %dma_start3A_219] : memref<8x64x128xf32, #tpu.memory_space<vmem>> -> memref<1x64x128xf32, #tpu.memory_space<vmem>>
      %dma_start3A_221 = tpu.memref_squeeze %dma_start3A_220 : memref<1x64x128xf32, #tpu.memory_space<vmem>> -> memref<64x128xf32, #tpu.memory_space<vmem>>
      %dma_start3A_222 = arith.constant 0 : i32
      %dma_start3A_223 = tpu.memref_slice %arg6[%dma_start3A_222, %multiple_of3A_210] : memref<64x1000000xf32, #tpu.memory_space<hbm>> -> memref<64x128xf32, #tpu.memory_space<hbm>>
      tpu.enqueue_dma source(%dma_start3A_223 : memref<64x128xf32, #tpu.memory_space<hbm>>) target(%dma_start3A_221 : memref<64x128xf32, #tpu.memory_space<vmem>>) target_semaphore(%arg14 : memref<!tpu.dma_semaphore, #tpu.memory_space<semaphore_mem>>)
      %mul3A_224 = arith.constant 8 : i32
      %mul3A_225 = arith.muli %scan3A_18, %mul3A_224 : i32
      %add3A_226 = arith.constant 7 : i32
      %add3A_227 = arith.addi %mul3A_225, %add3A_226 : i32
      %broadcast_in_dim3A_228 = vector.broadcast %add3A_227 : i32 to vector<16xi32>
      %gather3A_229 = tpu.vector_load_idx %arg10[%broadcast_in_dim3A_228] : memref<512xi32, #tpu.memory_space<vmem>>[vector<16xi32>], vector<16xi32>,
      %reduce_max3A_230 = arith.constant true
      %reduce_max3A_231 = vector.broadcast %reduce_max3A_230 : i1 to vector<16xi1>
      %reduce_max3A_232 = arith.constant -2147483648 : i32
      %reduce_max3A_233 = vector.broadcast %reduce_max3A_232 : i32 to vector<16xi32>
      %reduce_max3A_234 = arith.xori %gather3A_229, %reduce_max3A_233 : vector<16xi32>
      %reduce_max3A_235 = tpu.scan <max>, %reduce_max3A_234 masked %reduce_max3A_231 : vector<16xi32>, vector<16xi1> -> vector<16xi32>
      %reduce_max3A_236 = arith.xori %reduce_max3A_235, %reduce_max3A_233 : vector<16xi32>
      %reduce_max3A_237 = vector.extract %reduce_max3A_236[15] : i32 from vector<16xi32>
      %mul3A_238 = arith.constant 128 : i32
      %mul3A_239 = arith.muli %reduce_max3A_237, %mul3A_238 : i32
      %multiple_of3A_240 = tpu.assume_multiple %mul3A_239, 128 : i32
      %dma_start3A_241 = arith.constant 7 : i32
      %dma_start3A_242 = arith.constant 0 : i32
      %dma_start3A_243 = arith.constant 0 : i32
      %dma_start3A_244 = tpu.memref_slice %arg12[%dma_start3A_241, %dma_start3A_242, %dma_start3A_243] : memref<8x64x128xf32, #tpu.memory_space<vmem>> -> memref<1x64x128xf32, #tpu.memory_space<vmem>>
      %dma_start3A_245 = tpu.memref_squeeze %dma_start3A_244 : memref<1x64x128xf32, #tpu.memory_space<vmem>> -> memref<64x128xf32, #tpu.memory_space<vmem>>
      %dma_start3A_246 = arith.constant 0 : i32
      %dma_start3A_247 = tpu.memref_slice %arg6[%dma_start3A_246, %multiple_of3A_240] : memref<64x1000000xf32, #tpu.memory_space<hbm>> -> memref<64x128xf32, #tpu.memory_space<hbm>>
      %dma_start3A_248 = arith.constant 0 : i32
      %dma_start3A_249 = arith.constant 0 : i32
      %dma_start3A_250 = tpu.memref_slice %arg12[%dma_start3A_241, %dma_start3A_248, %dma_start3A_249] : memref<8x64x128xf32, #tpu.memory_space<vmem>> -> memref<1x64x128xf32, #tpu.memory_space<vmem>>
      %dma_start3A_251 = tpu.memref_squeeze %dma_start3A_250 : memref<1x64x128xf32, #tpu.memory_space<vmem>> -> memref<64x128xf32, #tpu.memory_space<vmem>>
      %dma_start3A_252 = arith.constant 0 : i32
      %dma_start3A_253 = tpu.memref_slice %arg6[%dma_start3A_252, %multiple_of3A_240] : memref<64x1000000xf32, #tpu.memory_space<hbm>> -> memref<64x128xf32, #tpu.memory_space<hbm>>
      tpu.enqueue_dma source(%dma_start3A_253 : memref<64x128xf32, #tpu.memory_space<hbm>>) target(%dma_start3A_251 : memref<64x128xf32, #tpu.memory_space<vmem>>) target_semaphore(%arg14 : memref<!tpu.dma_semaphore, #tpu.memory_space<semaphore_mem>>)
      %dma_wait3A = arith.constant 0 : i32
      %dma_wait3A_254 = arith.constant 0 : i32
      %dma_wait3A_255 = arith.constant 0 : i32
      %dma_wait3A_256 = tpu.memref_slice %arg12[%dma_wait3A, %dma_wait3A_254, %dma_wait3A_255] : memref<8x64x128xf32, #tpu.memory_space<vmem>> -> memref<1x64x128xf32, #tpu.memory_space<vmem>>
      %dma_wait3A_257 = tpu.memref_squeeze %dma_wait3A_256 : memref<1x64x128xf32, #tpu.memory_space<vmem>> -> memref<64x128xf32, #tpu.memory_space<vmem>>
      %dma_wait3A_258 = arith.constant 0 : i32
      %dma_wait3A_259 = arith.constant 0 : i32
      %dma_wait3A_260 = tpu.memref_slice %arg6[%dma_wait3A_258, %dma_wait3A_259] : memref<64x1000000xf32, #tpu.memory_space<hbm>> -> memref<64x128xf32, #tpu.memory_space<hbm>>
      %dma_wait3A_261 = arith.constant 0 : i32
      %dma_wait3A_262 = arith.constant 0 : i32
      %dma_wait3A_263 = tpu.memref_slice %arg12[%dma_wait3A, %dma_wait3A_261, %dma_wait3A_262] : memref<8x64x128xf32, #tpu.memory_space<vmem>> -> memref<1x64x128xf32, #tpu.memory_space<vmem>>
      %dma_wait3A_264 = tpu.memref_squeeze %dma_wait3A_263 : memref<1x64x128xf32, #tpu.memory_space<vmem>> -> memref<64x128xf32, #tpu.memory_space<vmem>>
      %dma_wait3A_265 = arith.constant 0 : i32
      %dma_wait3A_266 = arith.constant 0 : i32
      %dma_wait3A_267 = tpu.memref_slice %arg6[%dma_wait3A_265, %dma_wait3A_266] : memref<64x1000000xf32, #tpu.memory_space<hbm>> -> memref<64x128xf32, #tpu.memory_space<hbm>>
      tpu.wait_dma2 semaphore(%arg14 : memref<!tpu.dma_semaphore, #tpu.memory_space<semaphore_mem>>) src(%dma_wait3A_267 : memref<64x128xf32, #tpu.memory_space<hbm>>) dst(%dma_wait3A_264 : memref<64x128xf32, #tpu.memory_space<vmem>>)
      %mul3A_268 = arith.constant 8 : i32
      %mul3A_269 = arith.muli %scan3A_18, %mul3A_268 : i32
      %add3A_270 = arith.constant 0 : i32
      %add3A_271 = arith.addi %mul3A_269, %add3A_270 : i32
      %broadcast_in_dim3A_272 = vector.broadcast %add3A_271 : i32 to vector<16xi32>
      %gather3A_273 = tpu.vector_load_idx %arg11[%broadcast_in_dim3A_272] : memref<512xi32, #tpu.memory_space<vmem>>[vector<16xi32>], vector<16xi32>,
      %broadcast_in_dim3A_274 = arith.constant 0 : i32
      %broadcast_in_dim3A_275 = vector.broadcast %broadcast_in_dim3A_274 : i32 to vector<16xi32>
      %add3A_276 = arith.constant 0 : i32
      %add3A_277 = vector.broadcast %add3A_276 : i32 to vector<16xi32>
      %add3A_278 = arith.addi %iota3A, %add3A_277 : vector<16xi32>
      %gather3A_279 = tpu.vector_load_idx %arg12[%broadcast_in_dim3A_275, %add3A_278, %gather3A_273] : memref<8x64x128xf32, #tpu.memory_space<vmem>>[vector<16xi32>, vector<16xi32>, vector<16xi32>], vector<16xf32>,
      %mul3A_280 = arith.constant 64 : i32
      %mul3A_281 = arith.muli %add3A_271, %mul3A_280 : i32
      %add3A_282 = arith.constant 0 : i32
      %add3A_283 = arith.addi %mul3A_281, %add3A_282 : i32
      %swap3A = arith.index_cast %add3A_283 : i32 to index
      %swap3A_284 = tpu.vector_load %arg13[%swap3A] {strides = array<i32>} : memref<32768xf32, #tpu.memory_space<vmem>>, vector<16xf32>,
      tpu.vector_store %arg13[%swap3A], %gather3A_279 {strides = array<i32>} : memref<32768xf32, #tpu.memory_space<vmem>>, vector<16xf32>,
      %add3A_285 = arith.constant 16 : i32
      %add3A_286 = vector.broadcast %add3A_285 : i32 to vector<16xi32>
      %add3A_287 = arith.addi %iota3A, %add3A_286 : vector<16xi32>
      %gather3A_288 = tpu.vector_load_idx %arg12[%broadcast_in_dim3A_275, %add3A_287, %gather3A_273] : memref<8x64x128xf32, #tpu.memory_space<vmem>>[vector<16xi32>, vector<16xi32>, vector<16xi32>], vector<16xf32>,
      %mul3A_289 = arith.constant 64 : i32
      %mul3A_290 = arith.muli %add3A_271, %mul3A_289 : i32
      %add3A_291 = arith.constant 16 : i32
      %add3A_292 = arith.addi %mul3A_290, %add3A_291 : i32
      %swap3A_293 = arith.index_cast %add3A_292 : i32 to index
      %swap3A_294 = tpu.vector_load %arg13[%swap3A_293] {strides = array<i32>} : memref<32768xf32, #tpu.memory_space<vmem>>, vector<16xf32>,
      tpu.vector_store %arg13[%swap3A_293], %gather3A_288 {strides = array<i32>} : memref<32768xf32, #tpu.memory_space<vmem>>, vector<16xf32>,
      %add3A_295 = arith.constant 32 : i32
      %add3A_296 = vector.broadcast %add3A_295 : i32 to vector<16xi32>
      %add3A_297 = arith.addi %iota3A, %add3A_296 : vector<16xi32>
      %gather3A_298 = tpu.vector_load_idx %arg12[%broadcast_in_dim3A_275, %add3A_297, %gather3A_273] : memref<8x64x128xf32, #tpu.memory_space<vmem>>[vector<16xi32>, vector<16xi32>, vector<16xi32>], vector<16xf32>,
      %mul3A_299 = arith.constant 64 : i32
      %mul3A_300 = arith.muli %add3A_271, %mul3A_299 : i32
      %add3A_301 = arith.constant 32 : i32
      %add3A_302 = arith.addi %mul3A_300, %add3A_301 : i32
      %swap3A_303 = arith.index_cast %add3A_302 : i32 to index
      %swap3A_304 = tpu.vector_load %arg13[%swap3A_303] {strides = array<i32>} : memref<32768xf32, #tpu.memory_space<vmem>>, vector<16xf32>,
      tpu.vector_store %arg13[%swap3A_303], %gather3A_298 {strides = array<i32>} : memref<32768xf32, #tpu.memory_space<vmem>>, vector<16xf32>,
      %add3A_305 = arith.constant 48 : i32
      %add3A_306 = vector.broadcast %add3A_305 : i32 to vector<16xi32>
      %add3A_307 = arith.addi %iota3A, %add3A_306 : vector<16xi32>
      %gather3A_308 = tpu.vector_load_idx %arg12[%broadcast_in_dim3A_275, %add3A_307, %gather3A_273] : memref<8x64x128xf32, #tpu.memory_space<vmem>>[vector<16xi32>, vector<16xi32>, vector<16xi32>], vector<16xf32>,
      %mul3A_309 = arith.constant 64 : i32
      %mul3A_310 = arith.muli %add3A_271, %mul3A_309 : i32
      %add3A_311 = arith.constant 48 : i32
      %add3A_312 = arith.addi %mul3A_310, %add3A_311 : i32
      %swap3A_313 = arith.index_cast %add3A_312 : i32 to index
      %swap3A_314 = tpu.vector_load %arg13[%swap3A_313] {strides = array<i32>} : memref<32768xf32, #tpu.memory_space<vmem>>, vector<16xf32>,
      tpu.vector_store %arg13[%swap3A_313], %gather3A_308 {strides = array<i32>} : memref<32768xf32, #tpu.memory_space<vmem>>, vector<16xf32>,
      %dma_wait3A_315 = arith.constant 1 : i32
      %dma_wait3A_316 = arith.constant 0 : i32
      %dma_wait3A_317 = arith.constant 0 : i32
      %dma_wait3A_318 = tpu.memref_slice %arg12[%dma_wait3A_315, %dma_wait3A_316, %dma_wait3A_317] : memref<8x64x128xf32, #tpu.memory_space<vmem>> -> memref<1x64x128xf32, #tpu.memory_space<vmem>>
      %dma_wait3A_319 = tpu.memref_squeeze %dma_wait3A_318 : memref<1x64x128xf32, #tpu.memory_space<vmem>> -> memref<64x128xf32, #tpu.memory_space<vmem>>
      %dma_wait3A_320 = arith.constant 0 : i32
      %dma_wait3A_321 = arith.constant 0 : i32
      %dma_wait3A_322 = tpu.memref_slice %arg6[%dma_wait3A_320, %dma_wait3A_321] : memref<64x1000000xf32, #tpu.memory_space<hbm>> -> memref<64x128xf32, #tpu.memory_space<hbm>>
      %dma_wait3A_323 = arith.constant 0 : i32
      %dma_wait3A_324 = arith.constant 0 : i32
      %dma_wait3A_325 = tpu.memref_slice %arg12[%dma_wait3A_315, %dma_wait3A_323, %dma_wait3A_324] : memref<8x64x128xf32, #tpu.memory_space<vmem>> -> memref<1x64x128xf32, #tpu.memory_space<vmem>>
      %dma_wait3A_326 = tpu.memref_squeeze %dma_wait3A_325 : memref<1x64x128xf32, #tpu.memory_space<vmem>> -> memref<64x128xf32, #tpu.memory_space<vmem>>
      %dma_wait3A_327 = arith.constant 0 : i32
      %dma_wait3A_328 = arith.constant 0 : i32
      %dma_wait3A_329 = tpu.memref_slice %arg6[%dma_wait3A_327, %dma_wait3A_328] : memref<64x1000000xf32, #tpu.memory_space<hbm>> -> memref<64x128xf32, #tpu.memory_space<hbm>>
      tpu.wait_dma2 semaphore(%arg14 : memref<!tpu.dma_semaphore, #tpu.memory_space<semaphore_mem>>) src(%dma_wait3A_329 : memref<64x128xf32, #tpu.memory_space<hbm>>) dst(%dma_wait3A_326 : memref<64x128xf32, #tpu.memory_space<vmem>>)
      %mul3A_330 = arith.constant 8 : i32
      %mul3A_331 = arith.muli %scan3A_18, %mul3A_330 : i32
      %add3A_332 = arith.constant 1 : i32
      %add3A_333 = arith.addi %mul3A_331, %add3A_332 : i32
      %broadcast_in_dim3A_334 = vector.broadcast %add3A_333 : i32 to vector<16xi32>
      %gather3A_335 = tpu.vector_load_idx %arg11[%broadcast_in_dim3A_334] : memref<512xi32, #tpu.memory_space<vmem>>[vector<16xi32>], vector<16xi32>,
      %broadcast_in_dim3A_336 = arith.constant 1 : i32
      %broadcast_in_dim3A_337 = vector.broadcast %broadcast_in_dim3A_336 : i32 to vector<16xi32>
      %add3A_338 = arith.constant 0 : i32
      %add3A_339 = vector.broadcast %add3A_338 : i32 to vector<16xi32>
      %add3A_340 = arith.addi %iota3A, %add3A_339 : vector<16xi32>
      %gather3A_341 = tpu.vector_load_idx %arg12[%broadcast_in_dim3A_337, %add3A_340, %gather3A_335] : memref<8x64x128xf32, #tpu.memory_space<vmem>>[vector<16xi32>, vector<16xi32>, vector<16xi32>], vector<16xf32>,
      %mul3A_342 = arith.constant 64 : i32
      %mul3A_343 = arith.muli %add3A_333, %mul3A_342 : i32
      %add3A_344 = arith.constant 0 : i32
      %add3A_345 = arith.addi %mul3A_343, %add3A_344 : i32
      %swap3A_346 = arith.index_cast %add3A_345 : i32 to index
      %swap3A_347 = tpu.vector_load %arg13[%swap3A_346] {strides = array<i32>} : memref<32768xf32, #tpu.memory_space<vmem>>, vector<16xf32>,
      tpu.vector_store %arg13[%swap3A_346], %gather3A_341 {strides = array<i32>} : memref<32768xf32, #tpu.memory_space<vmem>>, vector<16xf32>,
      %add3A_348 = arith.constant 16 : i32
      %add3A_349 = vector.broadcast %add3A_348 : i32 to vector<16xi32>
      %add3A_350 = arith.addi %iota3A, %add3A_349 : vector<16xi32>
      %gather3A_351 = tpu.vector_load_idx %arg12[%broadcast_in_dim3A_337, %add3A_350, %gather3A_335] : memref<8x64x128xf32, #tpu.memory_space<vmem>>[vector<16xi32>, vector<16xi32>, vector<16xi32>], vector<16xf32>,
      %mul3A_352 = arith.constant 64 : i32
      %mul3A_353 = arith.muli %add3A_333, %mul3A_352 : i32
      %add3A_354 = arith.constant 16 : i32
      %add3A_355 = arith.addi %mul3A_353, %add3A_354 : i32
      %swap3A_356 = arith.index_cast %add3A_355 : i32 to index
      %swap3A_357 = tpu.vector_load %arg13[%swap3A_356] {strides = array<i32>} : memref<32768xf32, #tpu.memory_space<vmem>>, vector<16xf32>,
      tpu.vector_store %arg13[%swap3A_356], %gather3A_351 {strides = array<i32>} : memref<32768xf32, #tpu.memory_space<vmem>>, vector<16xf32>,
      %add3A_358 = arith.constant 32 : i32
      %add3A_359 = vector.broadcast %add3A_358 : i32 to vector<16xi32>
      %add3A_360 = arith.addi %iota3A, %add3A_359 : vector<16xi32>
      %gather3A_361 = tpu.vector_load_idx %arg12[%broadcast_in_dim3A_337, %add3A_360, %gather3A_335] : memref<8x64x128xf32, #tpu.memory_space<vmem>>[vector<16xi32>, vector<16xi32>, vector<16xi32>], vector<16xf32>,
      %mul3A_362 = arith.constant 64 : i32
      %mul3A_363 = arith.muli %add3A_333, %mul3A_362 : i32
      %add3A_364 = arith.constant 32 : i32
      %add3A_365 = arith.addi %mul3A_363, %add3A_364 : i32
      %swap3A_366 = arith.index_cast %add3A_365 : i32 to index
      %swap3A_367 = tpu.vector_load %arg13[%swap3A_366] {strides = array<i32>} : memref<32768xf32, #tpu.memory_space<vmem>>, vector<16xf32>,
      tpu.vector_store %arg13[%swap3A_366], %gather3A_361 {strides = array<i32>} : memref<32768xf32, #tpu.memory_space<vmem>>, vector<16xf32>,
      %add3A_368 = arith.constant 48 : i32
      %add3A_369 = vector.broadcast %add3A_368 : i32 to vector<16xi32>
      %add3A_370 = arith.addi %iota3A, %add3A_369 : vector<16xi32>
      %gather3A_371 = tpu.vector_load_idx %arg12[%broadcast_in_dim3A_337, %add3A_370, %gather3A_335] : memref<8x64x128xf32, #tpu.memory_space<vmem>>[vector<16xi32>, vector<16xi32>, vector<16xi32>], vector<16xf32>,
      %mul3A_372 = arith.constant 64 : i32
      %mul3A_373 = arith.muli %add3A_333, %mul3A_372 : i32
      %add3A_374 = arith.constant 48 : i32
      %add3A_375 = arith.addi %mul3A_373, %add3A_374 : i32
      %swap3A_376 = arith.index_cast %add3A_375 : i32 to index
      %swap3A_377 = tpu.vector_load %arg13[%swap3A_376] {strides = array<i32>} : memref<32768xf32, #tpu.memory_space<vmem>>, vector<16xf32>,
      tpu.vector_store %arg13[%swap3A_376], %gather3A_371 {strides = array<i32>} : memref<32768xf32, #tpu.memory_space<vmem>>, vector<16xf32>,
      %dma_wait3A_378 = arith.constant 2 : i32
      %dma_wait3A_379 = arith.constant 0 : i32
      %dma_wait3A_380 = arith.constant 0 : i32
      %dma_wait3A_381 = tpu.memref_slice %arg12[%dma_wait3A_378, %dma_wait3A_379, %dma_wait3A_380] : memref<8x64x128xf32, #tpu.memory_space<vmem>> -> memref<1x64x128xf32, #tpu.memory_space<vmem>>
      %dma_wait3A_382 = tpu.memref_squeeze %dma_wait3A_381 : memref<1x64x128xf32, #tpu.memory_space<vmem>> -> memref<64x128xf32, #tpu.memory_space<vmem>>
      %dma_wait3A_383 = arith.constant 0 : i32
      %dma_wait3A_384 = arith.constant 0 : i32
      %dma_wait3A_385 = tpu.memref_slice %arg6[%dma_wait3A_383, %dma_wait3A_384] : memref<64x1000000xf32, #tpu.memory_space<hbm>> -> memref<64x128xf32, #tpu.memory_space<hbm>>
      %dma_wait3A_386 = arith.constant 0 : i32
      %dma_wait3A_387 = arith.constant 0 : i32
      %dma_wait3A_388 = tpu.memref_slice %arg12[%dma_wait3A_378, %dma_wait3A_386, %dma_wait3A_387] : memref<8x64x128xf32, #tpu.memory_space<vmem>> -> memref<1x64x128xf32, #tpu.memory_space<vmem>>
      %dma_wait3A_389 = tpu.memref_squeeze %dma_wait3A_388 : memref<1x64x128xf32, #tpu.memory_space<vmem>> -> memref<64x128xf32, #tpu.memory_space<vmem>>
      %dma_wait3A_390 = arith.constant 0 : i32
      %dma_wait3A_391 = arith.constant 0 : i32
      %dma_wait3A_392 = tpu.memref_slice %arg6[%dma_wait3A_390, %dma_wait3A_391] : memref<64x1000000xf32, #tpu.memory_space<hbm>> -> memref<64x128xf32, #tpu.memory_space<hbm>>
      tpu.wait_dma2 semaphore(%arg14 : memref<!tpu.dma_semaphore, #tpu.memory_space<semaphore_mem>>) src(%dma_wait3A_392 : memref<64x128xf32, #tpu.memory_space<hbm>>) dst(%dma_wait3A_389 : memref<64x128xf32, #tpu.memory_space<vmem>>)
      %mul3A_393 = arith.constant 8 : i32
      %mul3A_394 = arith.muli %scan3A_18, %mul3A_393 : i32
      %add3A_395 = arith.constant 2 : i32
      %add3A_396 = arith.addi %mul3A_394, %add3A_395 : i32
      %broadcast_in_dim3A_397 = vector.broadcast %add3A_396 : i32 to vector<16xi32>
      %gather3A_398 = tpu.vector_load_idx %arg11[%broadcast_in_dim3A_397] : memref<512xi32, #tpu.memory_space<vmem>>[vector<16xi32>], vector<16xi32>,
      %broadcast_in_dim3A_399 = arith.constant 2 : i32
      %broadcast_in_dim3A_400 = vector.broadcast %broadcast_in_dim3A_399 : i32 to vector<16xi32>
      %add3A_401 = arith.constant 0 : i32
      %add3A_402 = vector.broadcast %add3A_401 : i32 to vector<16xi32>
      %add3A_403 = arith.addi %iota3A, %add3A_402 : vector<16xi32>
      %gather3A_404 = tpu.vector_load_idx %arg12[%broadcast_in_dim3A_400, %add3A_403, %gather3A_398] : memref<8x64x128xf32, #tpu.memory_space<vmem>>[vector<16xi32>, vector<16xi32>, vector<16xi32>], vector<16xf32>,
      %mul3A_405 = arith.constant 64 : i32
      %mul3A_406 = arith.muli %add3A_396, %mul3A_405 : i32
      %add3A_407 = arith.constant 0 : i32
      %add3A_408 = arith.addi %mul3A_406, %add3A_407 : i32
      %swap3A_409 = arith.index_cast %add3A_408 : i32 to index
      %swap3A_410 = tpu.vector_load %arg13[%swap3A_409] {strides = array<i32>} : memref<32768xf32, #tpu.memory_space<vmem>>, vector<16xf32>,
      tpu.vector_store %arg13[%swap3A_409], %gather3A_404 {strides = array<i32>} : memref<32768xf32, #tpu.memory_space<vmem>>, vector<16xf32>,
      %add3A_411 = arith.constant 16 : i32
      %add3A_412 = vector.broadcast %add3A_411 : i32 to vector<16xi32>
      %add3A_413 = arith.addi %iota3A, %add3A_412 : vector<16xi32>
      %gather3A_414 = tpu.vector_load_idx %arg12[%broadcast_in_dim3A_400, %add3A_413, %gather3A_398] : memref<8x64x128xf32, #tpu.memory_space<vmem>>[vector<16xi32>, vector<16xi32>, vector<16xi32>], vector<16xf32>,
      %mul3A_415 = arith.constant 64 : i32
      %mul3A_416 = arith.muli %add3A_396, %mul3A_415 : i32
      %add3A_417 = arith.constant 16 : i32
      %add3A_418 = arith.addi %mul3A_416, %add3A_417 : i32
      %swap3A_419 = arith.index_cast %add3A_418 : i32 to index
      %swap3A_420 = tpu.vector_load %arg13[%swap3A_419] {strides = array<i32>} : memref<32768xf32, #tpu.memory_space<vmem>>, vector<16xf32>,
      tpu.vector_store %arg13[%swap3A_419], %gather3A_414 {strides = array<i32>} : memref<32768xf32, #tpu.memory_space<vmem>>, vector<16xf32>,
      %add3A_421 = arith.constant 32 : i32
      %add3A_422 = vector.broadcast %add3A_421 : i32 to vector<16xi32>
      %add3A_423 = arith.addi %iota3A, %add3A_422 : vector<16xi32>
      %gather3A_424 = tpu.vector_load_idx %arg12[%broadcast_in_dim3A_400, %add3A_423, %gather3A_398] : memref<8x64x128xf32, #tpu.memory_space<vmem>>[vector<16xi32>, vector<16xi32>, vector<16xi32>], vector<16xf32>,
      %mul3A_425 = arith.constant 64 : i32
      %mul3A_426 = arith.muli %add3A_396, %mul3A_425 : i32
      %add3A_427 = arith.constant 32 : i32
      %add3A_428 = arith.addi %mul3A_426, %add3A_427 : i32
      %swap3A_429 = arith.index_cast %add3A_428 : i32 to index
      %swap3A_430 = tpu.vector_load %arg13[%swap3A_429] {strides = array<i32>} : memref<32768xf32, #tpu.memory_space<vmem>>, vector<16xf32>,
      tpu.vector_store %arg13[%swap3A_429], %gather3A_424 {strides = array<i32>} : memref<32768xf32, #tpu.memory_space<vmem>>, vector<16xf32>,
      %add3A_431 = arith.constant 48 : i32
      %add3A_432 = vector.broadcast %add3A_431 : i32 to vector<16xi32>
      %add3A_433 = arith.addi %iota3A, %add3A_432 : vector<16xi32>
      %gather3A_434 = tpu.vector_load_idx %arg12[%broadcast_in_dim3A_400, %add3A_433, %gather3A_398] : memref<8x64x128xf32, #tpu.memory_space<vmem>>[vector<16xi32>, vector<16xi32>, vector<16xi32>], vector<16xf32>,
      %mul3A_435 = arith.constant 64 : i32
      %mul3A_436 = arith.muli %add3A_396, %mul3A_435 : i32
      %add3A_437 = arith.constant 48 : i32
      %add3A_438 = arith.addi %mul3A_436, %add3A_437 : i32
      %swap3A_439 = arith.index_cast %add3A_438 : i32 to index
      %swap3A_440 = tpu.vector_load %arg13[%swap3A_439] {strides = array<i32>} : memref<32768xf32, #tpu.memory_space<vmem>>, vector<16xf32>,
      tpu.vector_store %arg13[%swap3A_439], %gather3A_434 {strides = array<i32>} : memref<32768xf32, #tpu.memory_space<vmem>>, vector<16xf32>,
      %dma_wait3A_441 = arith.constant 3 : i32
      %dma_wait3A_442 = arith.constant 0 : i32
      %dma_wait3A_443 = arith.constant 0 : i32
      %dma_wait3A_444 = tpu.memref_slice %arg12[%dma_wait3A_441, %dma_wait3A_442, %dma_wait3A_443] : memref<8x64x128xf32, #tpu.memory_space<vmem>> -> memref<1x64x128xf32, #tpu.memory_space<vmem>>
      %dma_wait3A_445 = tpu.memref_squeeze %dma_wait3A_444 : memref<1x64x128xf32, #tpu.memory_space<vmem>> -> memref<64x128xf32, #tpu.memory_space<vmem>>
      %dma_wait3A_446 = arith.constant 0 : i32
      %dma_wait3A_447 = arith.constant 0 : i32
      %dma_wait3A_448 = tpu.memref_slice %arg6[%dma_wait3A_446, %dma_wait3A_447] : memref<64x1000000xf32, #tpu.memory_space<hbm>> -> memref<64x128xf32, #tpu.memory_space<hbm>>
      %dma_wait3A_449 = arith.constant 0 : i32
      %dma_wait3A_450 = arith.constant 0 : i32
      %dma_wait3A_451 = tpu.memref_slice %arg12[%dma_wait3A_441, %dma_wait3A_449, %dma_wait3A_450] : memref<8x64x128xf32, #tpu.memory_space<vmem>> -> memref<1x64x128xf32, #tpu.memory_space<vmem>>
      %dma_wait3A_452 = tpu.memref_squeeze %dma_wait3A_451 : memref<1x64x128xf32, #tpu.memory_space<vmem>> -> memref<64x128xf32, #tpu.memory_space<vmem>>
      %dma_wait3A_453 = arith.constant 0 : i32
      %dma_wait3A_454 = arith.constant 0 : i32
      %dma_wait3A_455 = tpu.memref_slice %arg6[%dma_wait3A_453, %dma_wait3A_454] : memref<64x1000000xf32, #tpu.memory_space<hbm>> -> memref<64x128xf32, #tpu.memory_space<hbm>>
      tpu.wait_dma2 semaphore(%arg14 : memref<!tpu.dma_semaphore, #tpu.memory_space<semaphore_mem>>) src(%dma_wait3A_455 : memref<64x128xf32, #tpu.memory_space<hbm>>) dst(%dma_wait3A_452 : memref<64x128xf32, #tpu.memory_space<vmem>>)
      %mul3A_456 = arith.constant 8 : i32
      %mul3A_457 = arith.muli %scan3A_18, %mul3A_456 : i32
      %add3A_458 = arith.constant 3 : i32
      %add3A_459 = arith.addi %mul3A_457, %add3A_458 : i32
      %broadcast_in_dim3A_460 = vector.broadcast %add3A_459 : i32 to vector<16xi32>
      %gather3A_461 = tpu.vector_load_idx %arg11[%broadcast_in_dim3A_460] : memref<512xi32, #tpu.memory_space<vmem>>[vector<16xi32>], vector<16xi32>,
      %broadcast_in_dim3A_462 = arith.constant 3 : i32
      %broadcast_in_dim3A_463 = vector.broadcast %broadcast_in_dim3A_462 : i32 to vector<16xi32>
      %add3A_464 = arith.constant 0 : i32
      %add3A_465 = vector.broadcast %add3A_464 : i32 to vector<16xi32>
      %add3A_466 = arith.addi %iota3A, %add3A_465 : vector<16xi32>
      %gather3A_467 = tpu.vector_load_idx %arg12[%broadcast_in_dim3A_463, %add3A_466, %gather3A_461] : memref<8x64x128xf32, #tpu.memory_space<vmem>>[vector<16xi32>, vector<16xi32>, vector<16xi32>], vector<16xf32>,
      %mul3A_468 = arith.constant 64 : i32
      %mul3A_469 = arith.muli %add3A_459, %mul3A_468 : i32
      %add3A_470 = arith.constant 0 : i32
      %add3A_471 = arith.addi %mul3A_469, %add3A_470 : i32
      %swap3A_472 = arith.index_cast %add3A_471 : i32 to index
      %swap3A_473 = tpu.vector_load %arg13[%swap3A_472] {strides = array<i32>} : memref<32768xf32, #tpu.memory_space<vmem>>, vector<16xf32>,
      tpu.vector_store %arg13[%swap3A_472], %gather3A_467 {strides = array<i32>} : memref<32768xf32, #tpu.memory_space<vmem>>, vector<16xf32>,
      %add3A_474 = arith.constant 16 : i32
      %add3A_475 = vector.broadcast %add3A_474 : i32 to vector<16xi32>
      %add3A_476 = arith.addi %iota3A, %add3A_475 : vector<16xi32>
      %gather3A_477 = tpu.vector_load_idx %arg12[%broadcast_in_dim3A_463, %add3A_476, %gather3A_461] : memref<8x64x128xf32, #tpu.memory_space<vmem>>[vector<16xi32>, vector<16xi32>, vector<16xi32>], vector<16xf32>,
      %mul3A_478 = arith.constant 64 : i32
      %mul3A_479 = arith.muli %add3A_459, %mul3A_478 : i32
      %add3A_480 = arith.constant 16 : i32
      %add3A_481 = arith.addi %mul3A_479, %add3A_480 : i32
      %swap3A_482 = arith.index_cast %add3A_481 : i32 to index
      %swap3A_483 = tpu.vector_load %arg13[%swap3A_482] {strides = array<i32>} : memref<32768xf32, #tpu.memory_space<vmem>>, vector<16xf32>,
      tpu.vector_store %arg13[%swap3A_482], %gather3A_477 {strides = array<i32>} : memref<32768xf32, #tpu.memory_space<vmem>>, vector<16xf32>,
      %add3A_484 = arith.constant 32 : i32
      %add3A_485 = vector.broadcast %add3A_484 : i32 to vector<16xi32>
      %add3A_486 = arith.addi %iota3A, %add3A_485 : vector<16xi32>
      %gather3A_487 = tpu.vector_load_idx %arg12[%broadcast_in_dim3A_463, %add3A_486, %gather3A_461] : memref<8x64x128xf32, #tpu.memory_space<vmem>>[vector<16xi32>, vector<16xi32>, vector<16xi32>], vector<16xf32>,
      %mul3A_488 = arith.constant 64 : i32
      %mul3A_489 = arith.muli %add3A_459, %mul3A_488 : i32
      %add3A_490 = arith.constant 32 : i32
      %add3A_491 = arith.addi %mul3A_489, %add3A_490 : i32
      %swap3A_492 = arith.index_cast %add3A_491 : i32 to index
      %swap3A_493 = tpu.vector_load %arg13[%swap3A_492] {strides = array<i32>} : memref<32768xf32, #tpu.memory_space<vmem>>, vector<16xf32>,
      tpu.vector_store %arg13[%swap3A_492], %gather3A_487 {strides = array<i32>} : memref<32768xf32, #tpu.memory_space<vmem>>, vector<16xf32>,
      %add3A_494 = arith.constant 48 : i32
      %add3A_495 = vector.broadcast %add3A_494 : i32 to vector<16xi32>
      %add3A_496 = arith.addi %iota3A, %add3A_495 : vector<16xi32>
      %gather3A_497 = tpu.vector_load_idx %arg12[%broadcast_in_dim3A_463, %add3A_496, %gather3A_461] : memref<8x64x128xf32, #tpu.memory_space<vmem>>[vector<16xi32>, vector<16xi32>, vector<16xi32>], vector<16xf32>,
      %mul3A_498 = arith.constant 64 : i32
      %mul3A_499 = arith.muli %add3A_459, %mul3A_498 : i32
      %add3A_500 = arith.constant 48 : i32
      %add3A_501 = arith.addi %mul3A_499, %add3A_500 : i32
      %swap3A_502 = arith.index_cast %add3A_501 : i32 to index
      %swap3A_503 = tpu.vector_load %arg13[%swap3A_502] {strides = array<i32>} : memref<32768xf32, #tpu.memory_space<vmem>>, vector<16xf32>,
      tpu.vector_store %arg13[%swap3A_502], %gather3A_497 {strides = array<i32>} : memref<32768xf32, #tpu.memory_space<vmem>>, vector<16xf32>,
      %dma_wait3A_504 = arith.constant 4 : i32
      %dma_wait3A_505 = arith.constant 0 : i32
      %dma_wait3A_506 = arith.constant 0 : i32
      %dma_wait3A_507 = tpu.memref_slice %arg12[%dma_wait3A_504, %dma_wait3A_505, %dma_wait3A_506] : memref<8x64x128xf32, #tpu.memory_space<vmem>> -> memref<1x64x128xf32, #tpu.memory_space<vmem>>
      %dma_wait3A_508 = tpu.memref_squeeze %dma_wait3A_507 : memref<1x64x128xf32, #tpu.memory_space<vmem>> -> memref<64x128xf32, #tpu.memory_space<vmem>>
      %dma_wait3A_509 = arith.constant 0 : i32
      %dma_wait3A_510 = arith.constant 0 : i32
      %dma_wait3A_511 = tpu.memref_slice %arg6[%dma_wait3A_509, %dma_wait3A_510] : memref<64x1000000xf32, #tpu.memory_space<hbm>> -> memref<64x128xf32, #tpu.memory_space<hbm>>
      %dma_wait3A_512 = arith.constant 0 : i32
      %dma_wait3A_513 = arith.constant 0 : i32
      %dma_wait3A_514 = tpu.memref_slice %arg12[%dma_wait3A_504, %dma_wait3A_512, %dma_wait3A_513] : memref<8x64x128xf32, #tpu.memory_space<vmem>> -> memref<1x64x128xf32, #tpu.memory_space<vmem>>
      %dma_wait3A_515 = tpu.memref_squeeze %dma_wait3A_514 : memref<1x64x128xf32, #tpu.memory_space<vmem>> -> memref<64x128xf32, #tpu.memory_space<vmem>>
      %dma_wait3A_516 = arith.constant 0 : i32
      %dma_wait3A_517 = arith.constant 0 : i32
      %dma_wait3A_518 = tpu.memref_slice %arg6[%dma_wait3A_516, %dma_wait3A_517] : memref<64x1000000xf32, #tpu.memory_space<hbm>> -> memref<64x128xf32, #tpu.memory_space<hbm>>
      tpu.wait_dma2 semaphore(%arg14 : memref<!tpu.dma_semaphore, #tpu.memory_space<semaphore_mem>>) src(%dma_wait3A_518 : memref<64x128xf32, #tpu.memory_space<hbm>>) dst(%dma_wait3A_515 : memref<64x128xf32, #tpu.memory_space<vmem>>)
      %mul3A_519 = arith.constant 8 : i32
      %mul3A_520 = arith.muli %scan3A_18, %mul3A_519 : i32
      %add3A_521 = arith.constant 4 : i32
      %add3A_522 = arith.addi %mul3A_520, %add3A_521 : i32
      %broadcast_in_dim3A_523 = vector.broadcast %add3A_522 : i32 to vector<16xi32>
      %gather3A_524 = tpu.vector_load_idx %arg11[%broadcast_in_dim3A_523] : memref<512xi32, #tpu.memory_space<vmem>>[vector<16xi32>], vector<16xi32>,
      %broadcast_in_dim3A_525 = arith.constant 4 : i32
      %broadcast_in_dim3A_526 = vector.broadcast %broadcast_in_dim3A_525 : i32 to vector<16xi32>
      %add3A_527 = arith.constant 0 : i32
      %add3A_528 = vector.broadcast %add3A_527 : i32 to vector<16xi32>
      %add3A_529 = arith.addi %iota3A, %add3A_528 : vector<16xi32>
      %gather3A_530 = tpu.vector_load_idx %arg12[%broadcast_in_dim3A_526, %add3A_529, %gather3A_524] : memref<8x64x128xf32, #tpu.memory_space<vmem>>[vector<16xi32>, vector<16xi32>, vector<16xi32>], vector<16xf32>,
      %mul3A_531 = arith.constant 64 : i32
      %mul3A_532 = arith.muli %add3A_522, %mul3A_531 : i32
      %add3A_533 = arith.constant 0 : i32
      %add3A_534 = arith.addi %mul3A_532, %add3A_533 : i32
      %swap3A_535 = arith.index_cast %add3A_534 : i32 to index
      %swap3A_536 = tpu.vector_load %arg13[%swap3A_535] {strides = array<i32>} : memref<32768xf32, #tpu.memory_space<vmem>>, vector<16xf32>,
      tpu.vector_store %arg13[%swap3A_535], %gather3A_530 {strides = array<i32>} : memref<32768xf32, #tpu.memory_space<vmem>>, vector<16xf32>,
      %add3A_537 = arith.constant 16 : i32
      %add3A_538 = vector.broadcast %add3A_537 : i32 to vector<16xi32>
      %add3A_539 = arith.addi %iota3A, %add3A_538 : vector<16xi32>
      %gather3A_540 = tpu.vector_load_idx %arg12[%broadcast_in_dim3A_526, %add3A_539, %gather3A_524] : memref<8x64x128xf32, #tpu.memory_space<vmem>>[vector<16xi32>, vector<16xi32>, vector<16xi32>], vector<16xf32>,
      %mul3A_541 = arith.constant 64 : i32
      %mul3A_542 = arith.muli %add3A_522, %mul3A_541 : i32
      %add3A_543 = arith.constant 16 : i32
      %add3A_544 = arith.addi %mul3A_542, %add3A_543 : i32
      %swap3A_545 = arith.index_cast %add3A_544 : i32 to index
      %swap3A_546 = tpu.vector_load %arg13[%swap3A_545] {strides = array<i32>} : memref<32768xf32, #tpu.memory_space<vmem>>, vector<16xf32>,
      tpu.vector_store %arg13[%swap3A_545], %gather3A_540 {strides = array<i32>} : memref<32768xf32, #tpu.memory_space<vmem>>, vector<16xf32>,
      %add3A_547 = arith.constant 32 : i32
      %add3A_548 = vector.broadcast %add3A_547 : i32 to vector<16xi32>
      %add3A_549 = arith.addi %iota3A, %add3A_548 : vector<16xi32>
      %gather3A_550 = tpu.vector_load_idx %arg12[%broadcast_in_dim3A_526, %add3A_549, %gather3A_524] : memref<8x64x128xf32, #tpu.memory_space<vmem>>[vector<16xi32>, vector<16xi32>, vector<16xi32>], vector<16xf32>,
      %mul3A_551 = arith.constant 64 : i32
      %mul3A_552 = arith.muli %add3A_522, %mul3A_551 : i32
      %add3A_553 = arith.constant 32 : i32
      %add3A_554 = arith.addi %mul3A_552, %add3A_553 : i32
      %swap3A_555 = arith.index_cast %add3A_554 : i32 to index
      %swap3A_556 = tpu.vector_load %arg13[%swap3A_555] {strides = array<i32>} : memref<32768xf32, #tpu.memory_space<vmem>>, vector<16xf32>,
      tpu.vector_store %arg13[%swap3A_555], %gather3A_550 {strides = array<i32>} : memref<32768xf32, #tpu.memory_space<vmem>>, vector<16xf32>,
      %add3A_557 = arith.constant 48 : i32
      %add3A_558 = vector.broadcast %add3A_557 : i32 to vector<16xi32>
      %add3A_559 = arith.addi %iota3A, %add3A_558 : vector<16xi32>
      %gather3A_560 = tpu.vector_load_idx %arg12[%broadcast_in_dim3A_526, %add3A_559, %gather3A_524] : memref<8x64x128xf32, #tpu.memory_space<vmem>>[vector<16xi32>, vector<16xi32>, vector<16xi32>], vector<16xf32>,
      %mul3A_561 = arith.constant 64 : i32
      %mul3A_562 = arith.muli %add3A_522, %mul3A_561 : i32
      %add3A_563 = arith.constant 48 : i32
      %add3A_564 = arith.addi %mul3A_562, %add3A_563 : i32
      %swap3A_565 = arith.index_cast %add3A_564 : i32 to index
      %swap3A_566 = tpu.vector_load %arg13[%swap3A_565] {strides = array<i32>} : memref<32768xf32, #tpu.memory_space<vmem>>, vector<16xf32>,
      tpu.vector_store %arg13[%swap3A_565], %gather3A_560 {strides = array<i32>} : memref<32768xf32, #tpu.memory_space<vmem>>, vector<16xf32>,
      %dma_wait3A_567 = arith.constant 5 : i32
      %dma_wait3A_568 = arith.constant 0 : i32
      %dma_wait3A_569 = arith.constant 0 : i32
      %dma_wait3A_570 = tpu.memref_slice %arg12[%dma_wait3A_567, %dma_wait3A_568, %dma_wait3A_569] : memref<8x64x128xf32, #tpu.memory_space<vmem>> -> memref<1x64x128xf32, #tpu.memory_space<vmem>>
      %dma_wait3A_571 = tpu.memref_squeeze %dma_wait3A_570 : memref<1x64x128xf32, #tpu.memory_space<vmem>> -> memref<64x128xf32, #tpu.memory_space<vmem>>
      %dma_wait3A_572 = arith.constant 0 : i32
      %dma_wait3A_573 = arith.constant 0 : i32
      %dma_wait3A_574 = tpu.memref_slice %arg6[%dma_wait3A_572, %dma_wait3A_573] : memref<64x1000000xf32, #tpu.memory_space<hbm>> -> memref<64x128xf32, #tpu.memory_space<hbm>>
      %dma_wait3A_575 = arith.constant 0 : i32
      %dma_wait3A_576 = arith.constant 0 : i32
      %dma_wait3A_577 = tpu.memref_slice %arg12[%dma_wait3A_567, %dma_wait3A_575, %dma_wait3A_576] : memref<8x64x128xf32, #tpu.memory_space<vmem>> -> memref<1x64x128xf32, #tpu.memory_space<vmem>>
      %dma_wait3A_578 = tpu.memref_squeeze %dma_wait3A_577 : memref<1x64x128xf32, #tpu.memory_space<vmem>> -> memref<64x128xf32, #tpu.memory_space<vmem>>
      %dma_wait3A_579 = arith.constant 0 : i32
      %dma_wait3A_580 = arith.constant 0 : i32
      %dma_wait3A_581 = tpu.memref_slice %arg6[%dma_wait3A_579, %dma_wait3A_580] : memref<64x1000000xf32, #tpu.memory_space<hbm>> -> memref<64x128xf32, #tpu.memory_space<hbm>>
      tpu.wait_dma2 semaphore(%arg14 : memref<!tpu.dma_semaphore, #tpu.memory_space<semaphore_mem>>) src(%dma_wait3A_581 : memref<64x128xf32, #tpu.memory_space<hbm>>) dst(%dma_wait3A_578 : memref<64x128xf32, #tpu.memory_space<vmem>>)
      %mul3A_582 = arith.constant 8 : i32
      %mul3A_583 = arith.muli %scan3A_18, %mul3A_582 : i32
      %add3A_584 = arith.constant 5 : i32
      %add3A_585 = arith.addi %mul3A_583, %add3A_584 : i32
      %broadcast_in_dim3A_586 = vector.broadcast %add3A_585 : i32 to vector<16xi32>
      %gather3A_587 = tpu.vector_load_idx %arg11[%broadcast_in_dim3A_586] : memref<512xi32, #tpu.memory_space<vmem>>[vector<16xi32>], vector<16xi32>,
      %broadcast_in_dim3A_588 = arith.constant 5 : i32
      %broadcast_in_dim3A_589 = vector.broadcast %broadcast_in_dim3A_588 : i32 to vector<16xi32>
      %add3A_590 = arith.constant 0 : i32
      %add3A_591 = vector.broadcast %add3A_590 : i32 to vector<16xi32>
      %add3A_592 = arith.addi %iota3A, %add3A_591 : vector<16xi32>
      %gather3A_593 = tpu.vector_load_idx %arg12[%broadcast_in_dim3A_589, %add3A_592, %gather3A_587] : memref<8x64x128xf32, #tpu.memory_space<vmem>>[vector<16xi32>, vector<16xi32>, vector<16xi32>], vector<16xf32>,
      %mul3A_594 = arith.constant 64 : i32
      %mul3A_595 = arith.muli %add3A_585, %mul3A_594 : i32
      %add3A_596 = arith.constant 0 : i32
      %add3A_597 = arith.addi %mul3A_595, %add3A_596 : i32
      %swap3A_598 = arith.index_cast %add3A_597 : i32 to index
      %swap3A_599 = tpu.vector_load %arg13[%swap3A_598] {strides = array<i32>} : memref<32768xf32, #tpu.memory_space<vmem>>, vector<16xf32>,
      tpu.vector_store %arg13[%swap3A_598], %gather3A_593 {strides = array<i32>} : memref<32768xf32, #tpu.memory_space<vmem>>, vector<16xf32>,
      %add3A_600 = arith.constant 16 : i32
      %add3A_601 = vector.broadcast %add3A_600 : i32 to vector<16xi32>
      %add3A_602 = arith.addi %iota3A, %add3A_601 : vector<16xi32>
      %gather3A_603 = tpu.vector_load_idx %arg12[%broadcast_in_dim3A_589, %add3A_602, %gather3A_587] : memref<8x64x128xf32, #tpu.memory_space<vmem>>[vector<16xi32>, vector<16xi32>, vector<16xi32>], vector<16xf32>,
      %mul3A_604 = arith.constant 64 : i32
      %mul3A_605 = arith.muli %add3A_585, %mul3A_604 : i32
      %add3A_606 = arith.constant 16 : i32
      %add3A_607 = arith.addi %mul3A_605, %add3A_606 : i32
      %swap3A_608 = arith.index_cast %add3A_607 : i32 to index
      %swap3A_609 = tpu.vector_load %arg13[%swap3A_608] {strides = array<i32>} : memref<32768xf32, #tpu.memory_space<vmem>>, vector<16xf32>,
      tpu.vector_store %arg13[%swap3A_608], %gather3A_603 {strides = array<i32>} : memref<32768xf32, #tpu.memory_space<vmem>>, vector<16xf32>,
      %add3A_610 = arith.constant 32 : i32
      %add3A_611 = vector.broadcast %add3A_610 : i32 to vector<16xi32>
      %add3A_612 = arith.addi %iota3A, %add3A_611 : vector<16xi32>
      %gather3A_613 = tpu.vector_load_idx %arg12[%broadcast_in_dim3A_589, %add3A_612, %gather3A_587] : memref<8x64x128xf32, #tpu.memory_space<vmem>>[vector<16xi32>, vector<16xi32>, vector<16xi32>], vector<16xf32>,
      %mul3A_614 = arith.constant 64 : i32
      %mul3A_615 = arith.muli %add3A_585, %mul3A_614 : i32
      %add3A_616 = arith.constant 32 : i32
      %add3A_617 = arith.addi %mul3A_615, %add3A_616 : i32
      %swap3A_618 = arith.index_cast %add3A_617 : i32 to index
      %swap3A_619 = tpu.vector_load %arg13[%swap3A_618] {strides = array<i32>} : memref<32768xf32, #tpu.memory_space<vmem>>, vector<16xf32>,
      tpu.vector_store %arg13[%swap3A_618], %gather3A_613 {strides = array<i32>} : memref<32768xf32, #tpu.memory_space<vmem>>, vector<16xf32>,
      %add3A_620 = arith.constant 48 : i32
      %add3A_621 = vector.broadcast %add3A_620 : i32 to vector<16xi32>
      %add3A_622 = arith.addi %iota3A, %add3A_621 : vector<16xi32>
      %gather3A_623 = tpu.vector_load_idx %arg12[%broadcast_in_dim3A_589, %add3A_622, %gather3A_587] : memref<8x64x128xf32, #tpu.memory_space<vmem>>[vector<16xi32>, vector<16xi32>, vector<16xi32>], vector<16xf32>,
      %mul3A_624 = arith.constant 64 : i32
      %mul3A_625 = arith.muli %add3A_585, %mul3A_624 : i32
      %add3A_626 = arith.constant 48 : i32
      %add3A_627 = arith.addi %mul3A_625, %add3A_626 : i32
      %swap3A_628 = arith.index_cast %add3A_627 : i32 to index
      %swap3A_629 = tpu.vector_load %arg13[%swap3A_628] {strides = array<i32>} : memref<32768xf32, #tpu.memory_space<vmem>>, vector<16xf32>,
      tpu.vector_store %arg13[%swap3A_628], %gather3A_623 {strides = array<i32>} : memref<32768xf32, #tpu.memory_space<vmem>>, vector<16xf32>,
      %dma_wait3A_630 = arith.constant 6 : i32
      %dma_wait3A_631 = arith.constant 0 : i32
      %dma_wait3A_632 = arith.constant 0 : i32
      %dma_wait3A_633 = tpu.memref_slice %arg12[%dma_wait3A_630, %dma_wait3A_631, %dma_wait3A_632] : memref<8x64x128xf32, #tpu.memory_space<vmem>> -> memref<1x64x128xf32, #tpu.memory_space<vmem>>
      %dma_wait3A_634 = tpu.memref_squeeze %dma_wait3A_633 : memref<1x64x128xf32, #tpu.memory_space<vmem>> -> memref<64x128xf32, #tpu.memory_space<vmem>>
      %dma_wait3A_635 = arith.constant 0 : i32
      %dma_wait3A_636 = arith.constant 0 : i32
      %dma_wait3A_637 = tpu.memref_slice %arg6[%dma_wait3A_635, %dma_wait3A_636] : memref<64x1000000xf32, #tpu.memory_space<hbm>> -> memref<64x128xf32, #tpu.memory_space<hbm>>
      %dma_wait3A_638 = arith.constant 0 : i32
      %dma_wait3A_639 = arith.constant 0 : i32
      %dma_wait3A_640 = tpu.memref_slice %arg12[%dma_wait3A_630, %dma_wait3A_638, %dma_wait3A_639] : memref<8x64x128xf32, #tpu.memory_space<vmem>> -> memref<1x64x128xf32, #tpu.memory_space<vmem>>
      %dma_wait3A_641 = tpu.memref_squeeze %dma_wait3A_640 : memref<1x64x128xf32, #tpu.memory_space<vmem>> -> memref<64x128xf32, #tpu.memory_space<vmem>>
      %dma_wait3A_642 = arith.constant 0 : i32
      %dma_wait3A_643 = arith.constant 0 : i32
      %dma_wait3A_644 = tpu.memref_slice %arg6[%dma_wait3A_642, %dma_wait3A_643] : memref<64x1000000xf32, #tpu.memory_space<hbm>> -> memref<64x128xf32, #tpu.memory_space<hbm>>
      tpu.wait_dma2 semaphore(%arg14 : memref<!tpu.dma_semaphore, #tpu.memory_space<semaphore_mem>>) src(%dma_wait3A_644 : memref<64x128xf32, #tpu.memory_space<hbm>>) dst(%dma_wait3A_641 : memref<64x128xf32, #tpu.memory_space<vmem>>)
      %mul3A_645 = arith.constant 8 : i32
      %mul3A_646 = arith.muli %scan3A_18, %mul3A_645 : i32
      %add3A_647 = arith.constant 6 : i32
      %add3A_648 = arith.addi %mul3A_646, %add3A_647 : i32
      %broadcast_in_dim3A_649 = vector.broadcast %add3A_648 : i32 to vector<16xi32>
      %gather3A_650 = tpu.vector_load_idx %arg11[%broadcast_in_dim3A_649] : memref<512xi32, #tpu.memory_space<vmem>>[vector<16xi32>], vector<16xi32>,
      %broadcast_in_dim3A_651 = arith.constant 6 : i32
      %broadcast_in_dim3A_652 = vector.broadcast %broadcast_in_dim3A_651 : i32 to vector<16xi32>
      %add3A_653 = arith.constant 0 : i32
      %add3A_654 = vector.broadcast %add3A_653 : i32 to vector<16xi32>
      %add3A_655 = arith.addi %iota3A, %add3A_654 : vector<16xi32>
      %gather3A_656 = tpu.vector_load_idx %arg12[%broadcast_in_dim3A_652, %add3A_655, %gather3A_650] : memref<8x64x128xf32, #tpu.memory_space<vmem>>[vector<16xi32>, vector<16xi32>, vector<16xi32>], vector<16xf32>,
      %mul3A_657 = arith.constant 64 : i32
      %mul3A_658 = arith.muli %add3A_648, %mul3A_657 : i32
      %add3A_659 = arith.constant 0 : i32
      %add3A_660 = arith.addi %mul3A_658, %add3A_659 : i32
      %swap3A_661 = arith.index_cast %add3A_660 : i32 to index
      %swap3A_662 = tpu.vector_load %arg13[%swap3A_661] {strides = array<i32>} : memref<32768xf32, #tpu.memory_space<vmem>>, vector<16xf32>,
      tpu.vector_store %arg13[%swap3A_661], %gather3A_656 {strides = array<i32>} : memref<32768xf32, #tpu.memory_space<vmem>>, vector<16xf32>,
      %add3A_663 = arith.constant 16 : i32
      %add3A_664 = vector.broadcast %add3A_663 : i32 to vector<16xi32>
      %add3A_665 = arith.addi %iota3A, %add3A_664 : vector<16xi32>
      %gather3A_666 = tpu.vector_load_idx %arg12[%broadcast_in_dim3A_652, %add3A_665, %gather3A_650] : memref<8x64x128xf32, #tpu.memory_space<vmem>>[vector<16xi32>, vector<16xi32>, vector<16xi32>], vector<16xf32>,
      %mul3A_667 = arith.constant 64 : i32
      %mul3A_668 = arith.muli %add3A_648, %mul3A_667 : i32
      %add3A_669 = arith.constant 16 : i32
      %add3A_670 = arith.addi %mul3A_668, %add3A_669 : i32
      %swap3A_671 = arith.index_cast %add3A_670 : i32 to index
      %swap3A_672 = tpu.vector_load %arg13[%swap3A_671] {strides = array<i32>} : memref<32768xf32, #tpu.memory_space<vmem>>, vector<16xf32>,
      tpu.vector_store %arg13[%swap3A_671], %gather3A_666 {strides = array<i32>} : memref<32768xf32, #tpu.memory_space<vmem>>, vector<16xf32>,
      %add3A_673 = arith.constant 32 : i32
      %add3A_674 = vector.broadcast %add3A_673 : i32 to vector<16xi32>
      %add3A_675 = arith.addi %iota3A, %add3A_674 : vector<16xi32>
      %gather3A_676 = tpu.vector_load_idx %arg12[%broadcast_in_dim3A_652, %add3A_675, %gather3A_650] : memref<8x64x128xf32, #tpu.memory_space<vmem>>[vector<16xi32>, vector<16xi32>, vector<16xi32>], vector<16xf32>,
      %mul3A_677 = arith.constant 64 : i32
      %mul3A_678 = arith.muli %add3A_648, %mul3A_677 : i32
      %add3A_679 = arith.constant 32 : i32
      %add3A_680 = arith.addi %mul3A_678, %add3A_679 : i32
      %swap3A_681 = arith.index_cast %add3A_680 : i32 to index
      %swap3A_682 = tpu.vector_load %arg13[%swap3A_681] {strides = array<i32>} : memref<32768xf32, #tpu.memory_space<vmem>>, vector<16xf32>,
      tpu.vector_store %arg13[%swap3A_681], %gather3A_676 {strides = array<i32>} : memref<32768xf32, #tpu.memory_space<vmem>>, vector<16xf32>,
      %add3A_683 = arith.constant 48 : i32
      %add3A_684 = vector.broadcast %add3A_683 : i32 to vector<16xi32>
      %add3A_685 = arith.addi %iota3A, %add3A_684 : vector<16xi32>
      %gather3A_686 = tpu.vector_load_idx %arg12[%broadcast_in_dim3A_652, %add3A_685, %gather3A_650] : memref<8x64x128xf32, #tpu.memory_space<vmem>>[vector<16xi32>, vector<16xi32>, vector<16xi32>], vector<16xf32>,
      %mul3A_687 = arith.constant 64 : i32
      %mul3A_688 = arith.muli %add3A_648, %mul3A_687 : i32
      %add3A_689 = arith.constant 48 : i32
      %add3A_690 = arith.addi %mul3A_688, %add3A_689 : i32
      %swap3A_691 = arith.index_cast %add3A_690 : i32 to index
      %swap3A_692 = tpu.vector_load %arg13[%swap3A_691] {strides = array<i32>} : memref<32768xf32, #tpu.memory_space<vmem>>, vector<16xf32>,
      tpu.vector_store %arg13[%swap3A_691], %gather3A_686 {strides = array<i32>} : memref<32768xf32, #tpu.memory_space<vmem>>, vector<16xf32>,
      %dma_wait3A_693 = arith.constant 7 : i32
      %dma_wait3A_694 = arith.constant 0 : i32
      %dma_wait3A_695 = arith.constant 0 : i32
      %dma_wait3A_696 = tpu.memref_slice %arg12[%dma_wait3A_693, %dma_wait3A_694, %dma_wait3A_695] : memref<8x64x128xf32, #tpu.memory_space<vmem>> -> memref<1x64x128xf32, #tpu.memory_space<vmem>>
      %dma_wait3A_697 = tpu.memref_squeeze %dma_wait3A_696 : memref<1x64x128xf32, #tpu.memory_space<vmem>> -> memref<64x128xf32, #tpu.memory_space<vmem>>
      %dma_wait3A_698 = arith.constant 0 : i32
      %dma_wait3A_699 = arith.constant 0 : i32
      %dma_wait3A_700 = tpu.memref_slice %arg6[%dma_wait3A_698, %dma_wait3A_699] : memref<64x1000000xf32, #tpu.memory_space<hbm>> -> memref<64x128xf32, #tpu.memory_space<hbm>>
      %dma_wait3A_701 = arith.constant 0 : i32
      %dma_wait3A_702 = arith.constant 0 : i32
      %dma_wait3A_703 = tpu.memref_slice %arg12[%dma_wait3A_693, %dma_wait3A_701, %dma_wait3A_702] : memref<8x64x128xf32, #tpu.memory_space<vmem>> -> memref<1x64x128xf32, #tpu.memory_space<vmem>>
      %dma_wait3A_704 = tpu.memref_squeeze %dma_wait3A_703 : memref<1x64x128xf32, #tpu.memory_space<vmem>> -> memref<64x128xf32, #tpu.memory_space<vmem>>
      %dma_wait3A_705 = arith.constant 0 : i32
      %dma_wait3A_706 = arith.constant 0 : i32
      %dma_wait3A_707 = tpu.memref_slice %arg6[%dma_wait3A_705, %dma_wait3A_706] : memref<64x1000000xf32, #tpu.memory_space<hbm>> -> memref<64x128xf32, #tpu.memory_space<hbm>>
      tpu.wait_dma2 semaphore(%arg14 : memref<!tpu.dma_semaphore, #tpu.memory_space<semaphore_mem>>) src(%dma_wait3A_707 : memref<64x128xf32, #tpu.memory_space<hbm>>) dst(%dma_wait3A_704 : memref<64x128xf32, #tpu.memory_space<vmem>>)
      %mul3A_708 = arith.constant 8 : i32
      %mul3A_709 = arith.muli %scan3A_18, %mul3A_708 : i32
      %add3A_710 = arith.constant 7 : i32
      %add3A_711 = arith.addi %mul3A_709, %add3A_710 : i32
      %broadcast_in_dim3A_712 = vector.broadcast %add3A_711 : i32 to vector<16xi32>
      %gather3A_713 = tpu.vector_load_idx %arg11[%broadcast_in_dim3A_712] : memref<512xi32, #tpu.memory_space<vmem>>[vector<16xi32>], vector<16xi32>,
      %broadcast_in_dim3A_714 = arith.constant 7 : i32
      %broadcast_in_dim3A_715 = vector.broadcast %broadcast_in_dim3A_714 : i32 to vector<16xi32>
      %add3A_716 = arith.constant 0 : i32
      %add3A_717 = vector.broadcast %add3A_716 : i32 to vector<16xi32>
      %add3A_718 = arith.addi %iota3A, %add3A_717 : vector<16xi32>
      %gather3A_719 = tpu.vector_load_idx %arg12[%broadcast_in_dim3A_715, %add3A_718, %gather3A_713] : memref<8x64x128xf32, #tpu.memory_space<vmem>>[vector<16xi32>, vector<16xi32>, vector<16xi32>], vector<16xf32>,
      %mul3A_720 = arith.constant 64 : i32
      %mul3A_721 = arith.muli %add3A_711, %mul3A_720 : i32
      %add3A_722 = arith.constant 0 : i32
      %add3A_723 = arith.addi %mul3A_721, %add3A_722 : i32
      %swap3A_724 = arith.index_cast %add3A_723 : i32 to index
      %swap3A_725 = tpu.vector_load %arg13[%swap3A_724] {strides = array<i32>} : memref<32768xf32, #tpu.memory_space<vmem>>, vector<16xf32>,
      tpu.vector_store %arg13[%swap3A_724], %gather3A_719 {strides = array<i32>} : memref<32768xf32, #tpu.memory_space<vmem>>, vector<16xf32>,
      %add3A_726 = arith.constant 16 : i32
      %add3A_727 = vector.broadcast %add3A_726 : i32 to vector<16xi32>
      %add3A_728 = arith.addi %iota3A, %add3A_727 : vector<16xi32>
      %gather3A_729 = tpu.vector_load_idx %arg12[%broadcast_in_dim3A_715, %add3A_728, %gather3A_713] : memref<8x64x128xf32, #tpu.memory_space<vmem>>[vector<16xi32>, vector<16xi32>, vector<16xi32>], vector<16xf32>,
      %mul3A_730 = arith.constant 64 : i32
      %mul3A_731 = arith.muli %add3A_711, %mul3A_730 : i32
      %add3A_732 = arith.constant 16 : i32
      %add3A_733 = arith.addi %mul3A_731, %add3A_732 : i32
      %swap3A_734 = arith.index_cast %add3A_733 : i32 to index
      %swap3A_735 = tpu.vector_load %arg13[%swap3A_734] {strides = array<i32>} : memref<32768xf32, #tpu.memory_space<vmem>>, vector<16xf32>,
      tpu.vector_store %arg13[%swap3A_734], %gather3A_729 {strides = array<i32>} : memref<32768xf32, #tpu.memory_space<vmem>>, vector<16xf32>,
      %add3A_736 = arith.constant 32 : i32
      %add3A_737 = vector.broadcast %add3A_736 : i32 to vector<16xi32>
      %add3A_738 = arith.addi %iota3A, %add3A_737 : vector<16xi32>
      %gather3A_739 = tpu.vector_load_idx %arg12[%broadcast_in_dim3A_715, %add3A_738, %gather3A_713] : memref<8x64x128xf32, #tpu.memory_space<vmem>>[vector<16xi32>, vector<16xi32>, vector<16xi32>], vector<16xf32>,
      %mul3A_740 = arith.constant 64 : i32
      %mul3A_741 = arith.muli %add3A_711, %mul3A_740 : i32
      %add3A_742 = arith.constant 32 : i32
      %add3A_743 = arith.addi %mul3A_741, %add3A_742 : i32
      %swap3A_744 = arith.index_cast %add3A_743 : i32 to index
      %swap3A_745 = tpu.vector_load %arg13[%swap3A_744] {strides = array<i32>} : memref<32768xf32, #tpu.memory_space<vmem>>, vector<16xf32>,
      tpu.vector_store %arg13[%swap3A_744], %gather3A_739 {strides = array<i32>} : memref<32768xf32, #tpu.memory_space<vmem>>, vector<16xf32>,
      %add3A_746 = arith.constant 48 : i32
      %add3A_747 = vector.broadcast %add3A_746 : i32 to vector<16xi32>
      %add3A_748 = arith.addi %iota3A, %add3A_747 : vector<16xi32>
      %gather3A_749 = tpu.vector_load_idx %arg12[%broadcast_in_dim3A_715, %add3A_748, %gather3A_713] : memref<8x64x128xf32, #tpu.memory_space<vmem>>[vector<16xi32>, vector<16xi32>, vector<16xi32>], vector<16xf32>,
      %mul3A_750 = arith.constant 64 : i32
      %mul3A_751 = arith.muli %add3A_711, %mul3A_750 : i32
      %add3A_752 = arith.constant 48 : i32
      %add3A_753 = arith.addi %mul3A_751, %add3A_752 : i32
      %swap3A_754 = arith.index_cast %add3A_753 : i32 to index
      %swap3A_755 = tpu.vector_load %arg13[%swap3A_754] {strides = array<i32>} : memref<32768xf32, #tpu.memory_space<vmem>>, vector<16xf32>,
      tpu.vector_store %arg13[%swap3A_754], %gather3A_749 {strides = array<i32>} : memref<32768xf32, #tpu.memory_space<vmem>>, vector<16xf32>,
    }
    %scan3A_7 = arith.constant 64 : i32
    %mul3A_8 = arith.constant 64 : i32
    %mul3A_9 = arith.muli %mul3A_2, %mul3A_8 : i32
    "tpu.region"() ({
      %run_scoped3A = tpu.sem_alloc : memref<!tpu.dma_semaphore, #tpu.memory_space<semaphore_mem>>
      %dma_start3A = tpu.memref_slice %arg8[%mul3A_9] : memref<1048576xf32, #tpu.memory_space<hbm>> -> memref<32768xf32, #tpu.memory_space<hbm>>
      %dma_start3A_18 = tpu.memref_slice %arg8[%mul3A_9] : memref<1048576xf32, #tpu.memory_space<hbm>> -> memref<32768xf32, #tpu.memory_space<hbm>>
      tpu.enqueue_dma source(%arg13 : memref<32768xf32, #tpu.memory_space<vmem>>) target(%dma_start3A_18 : memref<32768xf32, #tpu.memory_space<hbm>>) target_semaphore(%run_scoped3A : memref<!tpu.dma_semaphore, #tpu.memory_space<semaphore_mem>>)
      %dma_wait3A = tpu.memref_slice %arg8[%mul3A_9] : memref<1048576xf32, #tpu.memory_space<hbm>> -> memref<32768xf32, #tpu.memory_space<hbm>>
      %dma_wait3A_19 = tpu.memref_slice %arg8[%mul3A_9] : memref<1048576xf32, #tpu.memory_space<hbm>> -> memref<32768xf32, #tpu.memory_space<hbm>>
      tpu.wait_dma2 semaphore(%run_scoped3A : memref<!tpu.dma_semaphore, #tpu.memory_space<semaphore_mem>>) src(%arg13 : memref<32768xf32, #tpu.memory_space<vmem>>) dst(%dma_wait3A_19 : memref<32768xf32, #tpu.memory_space<hbm>>)
      tpu.yield
    }) : () -> ()
    "tpu.region"() ({
      %run_scoped3A = tpu.sem_alloc : memref<!tpu.dma_semaphore, #tpu.memory_space<semaphore_mem>>
      %dma_start3A = tpu.memref_slice %arg3[%mul3A_2] : memref<16384xi32, #tpu.memory_space<hbm>> -> memref<512xi32, #tpu.memory_space<hbm>>
      %dma_start3A_18 = tpu.memref_slice %arg3[%mul3A_2] : memref<16384xi32, #tpu.memory_space<hbm>> -> memref<512xi32, #tpu.memory_space<hbm>>
      tpu.enqueue_dma source(%dma_start3A_18 : memref<512xi32, #tpu.memory_space<hbm>>) target(%arg10 : memref<512xi32, #tpu.memory_space<vmem>>) target_semaphore(%run_scoped3A : memref<!tpu.dma_semaphore, #tpu.memory_space<semaphore_mem>>)
      %dma_wait3A = tpu.memref_slice %arg3[%mul3A_2] : memref<16384xi32, #tpu.memory_space<hbm>> -> memref<512xi32, #tpu.memory_space<hbm>>
      %dma_wait3A_19 = tpu.memref_slice %arg3[%mul3A_2] : memref<16384xi32, #tpu.memory_space<hbm>> -> memref<512xi32, #tpu.memory_space<hbm>>
      tpu.wait_dma2 semaphore(%run_scoped3A : memref<!tpu.dma_semaphore, #tpu.memory_space<semaphore_mem>>) src(%dma_wait3A_19 : memref<512xi32, #tpu.memory_space<hbm>>) dst(%arg10 : memref<512xi32, #tpu.memory_space<vmem>>)
      tpu.yield
    }) : () -> ()
    "tpu.region"() ({
      %run_scoped3A = tpu.sem_alloc : memref<!tpu.dma_semaphore, #tpu.memory_space<semaphore_mem>>
      %dma_start3A = tpu.memref_slice %arg5[%mul3A_2] : memref<16384xi32, #tpu.memory_space<hbm>> -> memref<512xi32, #tpu.memory_space<hbm>>
      %dma_start3A_18 = tpu.memref_slice %arg5[%mul3A_2] : memref<16384xi32, #tpu.memory_space<hbm>> -> memref<512xi32, #tpu.memory_space<hbm>>
      tpu.enqueue_dma source(%dma_start3A_18 : memref<512xi32, #tpu.memory_space<hbm>>) target(%arg11 : memref<512xi32, #tpu.memory_space<vmem>>) target_semaphore(%run_scoped3A : memref<!tpu.dma_semaphore, #tpu.memory_space<semaphore_mem>>)
      %dma_wait3A = tpu.memref_slice %arg5[%mul3A_2] : memref<16384xi32, #tpu.memory_space<hbm>> -> memref<512xi32, #tpu.memory_space<hbm>>
      %dma_wait3A_19 = tpu.memref_slice %arg5[%mul3A_2] : memref<16384xi32, #tpu.memory_space<hbm>> -> memref<512xi32, #tpu.memory_space<hbm>>
      tpu.wait_dma2 semaphore(%run_scoped3A : memref<!tpu.dma_semaphore, #tpu.memory_space<semaphore_mem>>) src(%dma_wait3A_19 : memref<512xi32, #tpu.memory_space<hbm>>) dst(%arg11 : memref<512xi32, #tpu.memory_space<vmem>>)
      tpu.yield
    }) : () -> ()
    %scan3A_10 = arith.constant 0 : i32
    %scan3A_11 = arith.constant 0 : i32
    %scan3A_12 = arith.constant 64 : i32
    %scan3A_13 = arith.addi %scan3A_11, %scan3A_12 : i32
    %scan3A_14 = arith.constant 1 : i32
    scf.for %scan3A_18 = %scan3A_11 to %scan3A_13 step %scan3A_14  : i32 {
      %mul3A_19 = arith.constant 8 : i32
      %mul3A_20 = arith.muli %scan3A_18, %mul3A_19 : i32
      %add3A_21 = arith.constant 0 : i32
      %add3A_22 = arith.addi %mul3A_20, %add3A_21 : i32
      %broadcast_in_dim3A = vector.broadcast %add3A_22 : i32 to vector<16xi32>
      %gather3A = tpu.vector_load_idx %arg10[%broadcast_in_dim3A] : memref<512xi32, #tpu.memory_space<vmem>>[vector<16xi32>], vector<16xi32>,
      %reduce_max3A = arith.constant true
      %reduce_max3A_23 = vector.broadcast %reduce_max3A : i1 to vector<16xi1>
      %reduce_max3A_24 = arith.constant -2147483648 : i32
      %reduce_max3A_25 = vector.broadcast %reduce_max3A_24 : i32 to vector<16xi32>
      %reduce_max3A_26 = arith.xori %gather3A, %reduce_max3A_25 : vector<16xi32>
      %reduce_max3A_27 = tpu.scan <max>, %reduce_max3A_26 masked %reduce_max3A_23 : vector<16xi32>, vector<16xi1> -> vector<16xi32>
      %reduce_max3A_28 = arith.xori %reduce_max3A_27, %reduce_max3A_25 : vector<16xi32>
      %reduce_max3A_29 = vector.extract %reduce_max3A_28[15] : i32 from vector<16xi32>
      %mul3A_30 = arith.constant 128 : i32
      %mul3A_31 = arith.muli %reduce_max3A_29, %mul3A_30 : i32
      %multiple_of3A = tpu.assume_multiple %mul3A_31, 128 : i32
      %dma_start3A = arith.constant 0 : i32
      %dma_start3A_32 = arith.constant 0 : i32
      %dma_start3A_33 = arith.constant 0 : i32
      %dma_start3A_34 = tpu.memref_slice %arg12[%dma_start3A, %dma_start3A_32, %dma_start3A_33] : memref<8x64x128xf32, #tpu.memory_space<vmem>> -> memref<1x64x128xf32, #tpu.memory_space<vmem>>
      %dma_start3A_35 = tpu.memref_squeeze %dma_start3A_34 : memref<1x64x128xf32, #tpu.memory_space<vmem>> -> memref<64x128xf32, #tpu.memory_space<vmem>>
      %dma_start3A_36 = arith.constant 0 : i32
      %dma_start3A_37 = tpu.memref_slice %arg7[%dma_start3A_36, %multiple_of3A] : memref<64x1000000xf32, #tpu.memory_space<hbm>> -> memref<64x128xf32, #tpu.memory_space<hbm>>
      %dma_start3A_38 = arith.constant 0 : i32
      %dma_start3A_39 = arith.constant 0 : i32
      %dma_start3A_40 = tpu.memref_slice %arg12[%dma_start3A, %dma_start3A_38, %dma_start3A_39] : memref<8x64x128xf32, #tpu.memory_space<vmem>> -> memref<1x64x128xf32, #tpu.memory_space<vmem>>
      %dma_start3A_41 = tpu.memref_squeeze %dma_start3A_40 : memref<1x64x128xf32, #tpu.memory_space<vmem>> -> memref<64x128xf32, #tpu.memory_space<vmem>>
      %dma_start3A_42 = arith.constant 0 : i32
      %dma_start3A_43 = tpu.memref_slice %arg7[%dma_start3A_42, %multiple_of3A] : memref<64x1000000xf32, #tpu.memory_space<hbm>> -> memref<64x128xf32, #tpu.memory_space<hbm>>
      tpu.enqueue_dma source(%dma_start3A_43 : memref<64x128xf32, #tpu.memory_space<hbm>>) target(%dma_start3A_41 : memref<64x128xf32, #tpu.memory_space<vmem>>) target_semaphore(%arg14 : memref<!tpu.dma_semaphore, #tpu.memory_space<semaphore_mem>>)
      %mul3A_44 = arith.constant 8 : i32
      %mul3A_45 = arith.muli %scan3A_18, %mul3A_44 : i32
      %add3A_46 = arith.constant 1 : i32
      %add3A_47 = arith.addi %mul3A_45, %add3A_46 : i32
      %broadcast_in_dim3A_48 = vector.broadcast %add3A_47 : i32 to vector<16xi32>
      %gather3A_49 = tpu.vector_load_idx %arg10[%broadcast_in_dim3A_48] : memref<512xi32, #tpu.memory_space<vmem>>[vector<16xi32>], vector<16xi32>,
      %reduce_max3A_50 = arith.constant true
      %reduce_max3A_51 = vector.broadcast %reduce_max3A_50 : i1 to vector<16xi1>
      %reduce_max3A_52 = arith.constant -2147483648 : i32
      %reduce_max3A_53 = vector.broadcast %reduce_max3A_52 : i32 to vector<16xi32>
      %reduce_max3A_54 = arith.xori %gather3A_49, %reduce_max3A_53 : vector<16xi32>
      %reduce_max3A_55 = tpu.scan <max>, %reduce_max3A_54 masked %reduce_max3A_51 : vector<16xi32>, vector<16xi1> -> vector<16xi32>
      %reduce_max3A_56 = arith.xori %reduce_max3A_55, %reduce_max3A_53 : vector<16xi32>
      %reduce_max3A_57 = vector.extract %reduce_max3A_56[15] : i32 from vector<16xi32>
      %mul3A_58 = arith.constant 128 : i32
      %mul3A_59 = arith.muli %reduce_max3A_57, %mul3A_58 : i32
      %multiple_of3A_60 = tpu.assume_multiple %mul3A_59, 128 : i32
      %dma_start3A_61 = arith.constant 1 : i32
      %dma_start3A_62 = arith.constant 0 : i32
      %dma_start3A_63 = arith.constant 0 : i32
      %dma_start3A_64 = tpu.memref_slice %arg12[%dma_start3A_61, %dma_start3A_62, %dma_start3A_63] : memref<8x64x128xf32, #tpu.memory_space<vmem>> -> memref<1x64x128xf32, #tpu.memory_space<vmem>>
      %dma_start3A_65 = tpu.memref_squeeze %dma_start3A_64 : memref<1x64x128xf32, #tpu.memory_space<vmem>> -> memref<64x128xf32, #tpu.memory_space<vmem>>
      %dma_start3A_66 = arith.constant 0 : i32
      %dma_start3A_67 = tpu.memref_slice %arg7[%dma_start3A_66, %multiple_of3A_60] : memref<64x1000000xf32, #tpu.memory_space<hbm>> -> memref<64x128xf32, #tpu.memory_space<hbm>>
      %dma_start3A_68 = arith.constant 0 : i32
      %dma_start3A_69 = arith.constant 0 : i32
      %dma_start3A_70 = tpu.memref_slice %arg12[%dma_start3A_61, %dma_start3A_68, %dma_start3A_69] : memref<8x64x128xf32, #tpu.memory_space<vmem>> -> memref<1x64x128xf32, #tpu.memory_space<vmem>>
      %dma_start3A_71 = tpu.memref_squeeze %dma_start3A_70 : memref<1x64x128xf32, #tpu.memory_space<vmem>> -> memref<64x128xf32, #tpu.memory_space<vmem>>
      %dma_start3A_72 = arith.constant 0 : i32
      %dma_start3A_73 = tpu.memref_slice %arg7[%dma_start3A_72, %multiple_of3A_60] : memref<64x1000000xf32, #tpu.memory_space<hbm>> -> memref<64x128xf32, #tpu.memory_space<hbm>>
      tpu.enqueue_dma source(%dma_start3A_73 : memref<64x128xf32, #tpu.memory_space<hbm>>) target(%dma_start3A_71 : memref<64x128xf32, #tpu.memory_space<vmem>>) target_semaphore(%arg14 : memref<!tpu.dma_semaphore, #tpu.memory_space<semaphore_mem>>)
      %mul3A_74 = arith.constant 8 : i32
      %mul3A_75 = arith.muli %scan3A_18, %mul3A_74 : i32
      %add3A_76 = arith.constant 2 : i32
      %add3A_77 = arith.addi %mul3A_75, %add3A_76 : i32
      %broadcast_in_dim3A_78 = vector.broadcast %add3A_77 : i32 to vector<16xi32>
      %gather3A_79 = tpu.vector_load_idx %arg10[%broadcast_in_dim3A_78] : memref<512xi32, #tpu.memory_space<vmem>>[vector<16xi32>], vector<16xi32>,
      %reduce_max3A_80 = arith.constant true
      %reduce_max3A_81 = vector.broadcast %reduce_max3A_80 : i1 to vector<16xi1>
      %reduce_max3A_82 = arith.constant -2147483648 : i32
      %reduce_max3A_83 = vector.broadcast %reduce_max3A_82 : i32 to vector<16xi32>
      %reduce_max3A_84 = arith.xori %gather3A_79, %reduce_max3A_83 : vector<16xi32>
      %reduce_max3A_85 = tpu.scan <max>, %reduce_max3A_84 masked %reduce_max3A_81 : vector<16xi32>, vector<16xi1> -> vector<16xi32>
      %reduce_max3A_86 = arith.xori %reduce_max3A_85, %reduce_max3A_83 : vector<16xi32>
      %reduce_max3A_87 = vector.extract %reduce_max3A_86[15] : i32 from vector<16xi32>
      %mul3A_88 = arith.constant 128 : i32
      %mul3A_89 = arith.muli %reduce_max3A_87, %mul3A_88 : i32
      %multiple_of3A_90 = tpu.assume_multiple %mul3A_89, 128 : i32
      %dma_start3A_91 = arith.constant 2 : i32
      %dma_start3A_92 = arith.constant 0 : i32
      %dma_start3A_93 = arith.constant 0 : i32
      %dma_start3A_94 = tpu.memref_slice %arg12[%dma_start3A_91, %dma_start3A_92, %dma_start3A_93] : memref<8x64x128xf32, #tpu.memory_space<vmem>> -> memref<1x64x128xf32, #tpu.memory_space<vmem>>
      %dma_start3A_95 = tpu.memref_squeeze %dma_start3A_94 : memref<1x64x128xf32, #tpu.memory_space<vmem>> -> memref<64x128xf32, #tpu.memory_space<vmem>>
      %dma_start3A_96 = arith.constant 0 : i32
      %dma_start3A_97 = tpu.memref_slice %arg7[%dma_start3A_96, %multiple_of3A_90] : memref<64x1000000xf32, #tpu.memory_space<hbm>> -> memref<64x128xf32, #tpu.memory_space<hbm>>
      %dma_start3A_98 = arith.constant 0 : i32
      %dma_start3A_99 = arith.constant 0 : i32
      %dma_start3A_100 = tpu.memref_slice %arg12[%dma_start3A_91, %dma_start3A_98, %dma_start3A_99] : memref<8x64x128xf32, #tpu.memory_space<vmem>> -> memref<1x64x128xf32, #tpu.memory_space<vmem>>
      %dma_start3A_101 = tpu.memref_squeeze %dma_start3A_100 : memref<1x64x128xf32, #tpu.memory_space<vmem>> -> memref<64x128xf32, #tpu.memory_space<vmem>>
      %dma_start3A_102 = arith.constant 0 : i32
      %dma_start3A_103 = tpu.memref_slice %arg7[%dma_start3A_102, %multiple_of3A_90] : memref<64x1000000xf32, #tpu.memory_space<hbm>> -> memref<64x128xf32, #tpu.memory_space<hbm>>
      tpu.enqueue_dma source(%dma_start3A_103 : memref<64x128xf32, #tpu.memory_space<hbm>>) target(%dma_start3A_101 : memref<64x128xf32, #tpu.memory_space<vmem>>) target_semaphore(%arg14 : memref<!tpu.dma_semaphore, #tpu.memory_space<semaphore_mem>>)
      %mul3A_104 = arith.constant 8 : i32
      %mul3A_105 = arith.muli %scan3A_18, %mul3A_104 : i32
      %add3A_106 = arith.constant 3 : i32
      %add3A_107 = arith.addi %mul3A_105, %add3A_106 : i32
      %broadcast_in_dim3A_108 = vector.broadcast %add3A_107 : i32 to vector<16xi32>
      %gather3A_109 = tpu.vector_load_idx %arg10[%broadcast_in_dim3A_108] : memref<512xi32, #tpu.memory_space<vmem>>[vector<16xi32>], vector<16xi32>,
      %reduce_max3A_110 = arith.constant true
      %reduce_max3A_111 = vector.broadcast %reduce_max3A_110 : i1 to vector<16xi1>
      %reduce_max3A_112 = arith.constant -2147483648 : i32
      %reduce_max3A_113 = vector.broadcast %reduce_max3A_112 : i32 to vector<16xi32>
      %reduce_max3A_114 = arith.xori %gather3A_109, %reduce_max3A_113 : vector<16xi32>
      %reduce_max3A_115 = tpu.scan <max>, %reduce_max3A_114 masked %reduce_max3A_111 : vector<16xi32>, vector<16xi1> -> vector<16xi32>
      %reduce_max3A_116 = arith.xori %reduce_max3A_115, %reduce_max3A_113 : vector<16xi32>
      %reduce_max3A_117 = vector.extract %reduce_max3A_116[15] : i32 from vector<16xi32>
      %mul3A_118 = arith.constant 128 : i32
      %mul3A_119 = arith.muli %reduce_max3A_117, %mul3A_118 : i32
      %multiple_of3A_120 = tpu.assume_multiple %mul3A_119, 128 : i32
      %dma_start3A_121 = arith.constant 3 : i32
      %dma_start3A_122 = arith.constant 0 : i32
      %dma_start3A_123 = arith.constant 0 : i32
      %dma_start3A_124 = tpu.memref_slice %arg12[%dma_start3A_121, %dma_start3A_122, %dma_start3A_123] : memref<8x64x128xf32, #tpu.memory_space<vmem>> -> memref<1x64x128xf32, #tpu.memory_space<vmem>>
      %dma_start3A_125 = tpu.memref_squeeze %dma_start3A_124 : memref<1x64x128xf32, #tpu.memory_space<vmem>> -> memref<64x128xf32, #tpu.memory_space<vmem>>
      %dma_start3A_126 = arith.constant 0 : i32
      %dma_start3A_127 = tpu.memref_slice %arg7[%dma_start3A_126, %multiple_of3A_120] : memref<64x1000000xf32, #tpu.memory_space<hbm>> -> memref<64x128xf32, #tpu.memory_space<hbm>>
      %dma_start3A_128 = arith.constant 0 : i32
      %dma_start3A_129 = arith.constant 0 : i32
      %dma_start3A_130 = tpu.memref_slice %arg12[%dma_start3A_121, %dma_start3A_128, %dma_start3A_129] : memref<8x64x128xf32, #tpu.memory_space<vmem>> -> memref<1x64x128xf32, #tpu.memory_space<vmem>>
      %dma_start3A_131 = tpu.memref_squeeze %dma_start3A_130 : memref<1x64x128xf32, #tpu.memory_space<vmem>> -> memref<64x128xf32, #tpu.memory_space<vmem>>
      %dma_start3A_132 = arith.constant 0 : i32
      %dma_start3A_133 = tpu.memref_slice %arg7[%dma_start3A_132, %multiple_of3A_120] : memref<64x1000000xf32, #tpu.memory_space<hbm>> -> memref<64x128xf32, #tpu.memory_space<hbm>>
      tpu.enqueue_dma source(%dma_start3A_133 : memref<64x128xf32, #tpu.memory_space<hbm>>) target(%dma_start3A_131 : memref<64x128xf32, #tpu.memory_space<vmem>>) target_semaphore(%arg14 : memref<!tpu.dma_semaphore, #tpu.memory_space<semaphore_mem>>)
      %mul3A_134 = arith.constant 8 : i32
      %mul3A_135 = arith.muli %scan3A_18, %mul3A_134 : i32
      %add3A_136 = arith.constant 4 : i32
      %add3A_137 = arith.addi %mul3A_135, %add3A_136 : i32
      %broadcast_in_dim3A_138 = vector.broadcast %add3A_137 : i32 to vector<16xi32>
      %gather3A_139 = tpu.vector_load_idx %arg10[%broadcast_in_dim3A_138] : memref<512xi32, #tpu.memory_space<vmem>>[vector<16xi32>], vector<16xi32>,
      %reduce_max3A_140 = arith.constant true
      %reduce_max3A_141 = vector.broadcast %reduce_max3A_140 : i1 to vector<16xi1>
      %reduce_max3A_142 = arith.constant -2147483648 : i32
      %reduce_max3A_143 = vector.broadcast %reduce_max3A_142 : i32 to vector<16xi32>
      %reduce_max3A_144 = arith.xori %gather3A_139, %reduce_max3A_143 : vector<16xi32>
      %reduce_max3A_145 = tpu.scan <max>, %reduce_max3A_144 masked %reduce_max3A_141 : vector<16xi32>, vector<16xi1> -> vector<16xi32>
      %reduce_max3A_146 = arith.xori %reduce_max3A_145, %reduce_max3A_143 : vector<16xi32>
      %reduce_max3A_147 = vector.extract %reduce_max3A_146[15] : i32 from vector<16xi32>
      %mul3A_148 = arith.constant 128 : i32
      %mul3A_149 = arith.muli %reduce_max3A_147, %mul3A_148 : i32
      %multiple_of3A_150 = tpu.assume_multiple %mul3A_149, 128 : i32
      %dma_start3A_151 = arith.constant 4 : i32
      %dma_start3A_152 = arith.constant 0 : i32
      %dma_start3A_153 = arith.constant 0 : i32
      %dma_start3A_154 = tpu.memref_slice %arg12[%dma_start3A_151, %dma_start3A_152, %dma_start3A_153] : memref<8x64x128xf32, #tpu.memory_space<vmem>> -> memref<1x64x128xf32, #tpu.memory_space<vmem>>
      %dma_start3A_155 = tpu.memref_squeeze %dma_start3A_154 : memref<1x64x128xf32, #tpu.memory_space<vmem>> -> memref<64x128xf32, #tpu.memory_space<vmem>>
      %dma_start3A_156 = arith.constant 0 : i32
      %dma_start3A_157 = tpu.memref_slice %arg7[%dma_start3A_156, %multiple_of3A_150] : memref<64x1000000xf32, #tpu.memory_space<hbm>> -> memref<64x128xf32, #tpu.memory_space<hbm>>
      %dma_start3A_158 = arith.constant 0 : i32
      %dma_start3A_159 = arith.constant 0 : i32
      %dma_start3A_160 = tpu.memref_slice %arg12[%dma_start3A_151, %dma_start3A_158, %dma_start3A_159] : memref<8x64x128xf32, #tpu.memory_space<vmem>> -> memref<1x64x128xf32, #tpu.memory_space<vmem>>
      %dma_start3A_161 = tpu.memref_squeeze %dma_start3A_160 : memref<1x64x128xf32, #tpu.memory_space<vmem>> -> memref<64x128xf32, #tpu.memory_space<vmem>>
      %dma_start3A_162 = arith.constant 0 : i32
      %dma_start3A_163 = tpu.memref_slice %arg7[%dma_start3A_162, %multiple_of3A_150] : memref<64x1000000xf32, #tpu.memory_space<hbm>> -> memref<64x128xf32, #tpu.memory_space<hbm>>
      tpu.enqueue_dma source(%dma_start3A_163 : memref<64x128xf32, #tpu.memory_space<hbm>>) target(%dma_start3A_161 : memref<64x128xf32, #tpu.memory_space<vmem>>) target_semaphore(%arg14 : memref<!tpu.dma_semaphore, #tpu.memory_space<semaphore_mem>>)
      %mul3A_164 = arith.constant 8 : i32
      %mul3A_165 = arith.muli %scan3A_18, %mul3A_164 : i32
      %add3A_166 = arith.constant 5 : i32
      %add3A_167 = arith.addi %mul3A_165, %add3A_166 : i32
      %broadcast_in_dim3A_168 = vector.broadcast %add3A_167 : i32 to vector<16xi32>
      %gather3A_169 = tpu.vector_load_idx %arg10[%broadcast_in_dim3A_168] : memref<512xi32, #tpu.memory_space<vmem>>[vector<16xi32>], vector<16xi32>,
      %reduce_max3A_170 = arith.constant true
      %reduce_max3A_171 = vector.broadcast %reduce_max3A_170 : i1 to vector<16xi1>
      %reduce_max3A_172 = arith.constant -2147483648 : i32
      %reduce_max3A_173 = vector.broadcast %reduce_max3A_172 : i32 to vector<16xi32>
      %reduce_max3A_174 = arith.xori %gather3A_169, %reduce_max3A_173 : vector<16xi32>
      %reduce_max3A_175 = tpu.scan <max>, %reduce_max3A_174 masked %reduce_max3A_171 : vector<16xi32>, vector<16xi1> -> vector<16xi32>
      %reduce_max3A_176 = arith.xori %reduce_max3A_175, %reduce_max3A_173 : vector<16xi32>
      %reduce_max3A_177 = vector.extract %reduce_max3A_176[15] : i32 from vector<16xi32>
      %mul3A_178 = arith.constant 128 : i32
      %mul3A_179 = arith.muli %reduce_max3A_177, %mul3A_178 : i32
      %multiple_of3A_180 = tpu.assume_multiple %mul3A_179, 128 : i32
      %dma_start3A_181 = arith.constant 5 : i32
      %dma_start3A_182 = arith.constant 0 : i32
      %dma_start3A_183 = arith.constant 0 : i32
      %dma_start3A_184 = tpu.memref_slice %arg12[%dma_start3A_181, %dma_start3A_182, %dma_start3A_183] : memref<8x64x128xf32, #tpu.memory_space<vmem>> -> memref<1x64x128xf32, #tpu.memory_space<vmem>>
      %dma_start3A_185 = tpu.memref_squeeze %dma_start3A_184 : memref<1x64x128xf32, #tpu.memory_space<vmem>> -> memref<64x128xf32, #tpu.memory_space<vmem>>
      %dma_start3A_186 = arith.constant 0 : i32
      %dma_start3A_187 = tpu.memref_slice %arg7[%dma_start3A_186, %multiple_of3A_180] : memref<64x1000000xf32, #tpu.memory_space<hbm>> -> memref<64x128xf32, #tpu.memory_space<hbm>>
      %dma_start3A_188 = arith.constant 0 : i32
      %dma_start3A_189 = arith.constant 0 : i32
      %dma_start3A_190 = tpu.memref_slice %arg12[%dma_start3A_181, %dma_start3A_188, %dma_start3A_189] : memref<8x64x128xf32, #tpu.memory_space<vmem>> -> memref<1x64x128xf32, #tpu.memory_space<vmem>>
      %dma_start3A_191 = tpu.memref_squeeze %dma_start3A_190 : memref<1x64x128xf32, #tpu.memory_space<vmem>> -> memref<64x128xf32, #tpu.memory_space<vmem>>
      %dma_start3A_192 = arith.constant 0 : i32
      %dma_start3A_193 = tpu.memref_slice %arg7[%dma_start3A_192, %multiple_of3A_180] : memref<64x1000000xf32, #tpu.memory_space<hbm>> -> memref<64x128xf32, #tpu.memory_space<hbm>>
      tpu.enqueue_dma source(%dma_start3A_193 : memref<64x128xf32, #tpu.memory_space<hbm>>) target(%dma_start3A_191 : memref<64x128xf32, #tpu.memory_space<vmem>>) target_semaphore(%arg14 : memref<!tpu.dma_semaphore, #tpu.memory_space<semaphore_mem>>)
      %mul3A_194 = arith.constant 8 : i32
      %mul3A_195 = arith.muli %scan3A_18, %mul3A_194 : i32
      %add3A_196 = arith.constant 6 : i32
      %add3A_197 = arith.addi %mul3A_195, %add3A_196 : i32
      %broadcast_in_dim3A_198 = vector.broadcast %add3A_197 : i32 to vector<16xi32>
      %gather3A_199 = tpu.vector_load_idx %arg10[%broadcast_in_dim3A_198] : memref<512xi32, #tpu.memory_space<vmem>>[vector<16xi32>], vector<16xi32>,
      %reduce_max3A_200 = arith.constant true
      %reduce_max3A_201 = vector.broadcast %reduce_max3A_200 : i1 to vector<16xi1>
      %reduce_max3A_202 = arith.constant -2147483648 : i32
      %reduce_max3A_203 = vector.broadcast %reduce_max3A_202 : i32 to vector<16xi32>
      %reduce_max3A_204 = arith.xori %gather3A_199, %reduce_max3A_203 : vector<16xi32>
      %reduce_max3A_205 = tpu.scan <max>, %reduce_max3A_204 masked %reduce_max3A_201 : vector<16xi32>, vector<16xi1> -> vector<16xi32>
      %reduce_max3A_206 = arith.xori %reduce_max3A_205, %reduce_max3A_203 : vector<16xi32>
      %reduce_max3A_207 = vector.extract %reduce_max3A_206[15] : i32 from vector<16xi32>
      %mul3A_208 = arith.constant 128 : i32
      %mul3A_209 = arith.muli %reduce_max3A_207, %mul3A_208 : i32
      %multiple_of3A_210 = tpu.assume_multiple %mul3A_209, 128 : i32
      %dma_start3A_211 = arith.constant 6 : i32
      %dma_start3A_212 = arith.constant 0 : i32
      %dma_start3A_213 = arith.constant 0 : i32
      %dma_start3A_214 = tpu.memref_slice %arg12[%dma_start3A_211, %dma_start3A_212, %dma_start3A_213] : memref<8x64x128xf32, #tpu.memory_space<vmem>> -> memref<1x64x128xf32, #tpu.memory_space<vmem>>
      %dma_start3A_215 = tpu.memref_squeeze %dma_start3A_214 : memref<1x64x128xf32, #tpu.memory_space<vmem>> -> memref<64x128xf32, #tpu.memory_space<vmem>>
      %dma_start3A_216 = arith.constant 0 : i32
      %dma_start3A_217 = tpu.memref_slice %arg7[%dma_start3A_216, %multiple_of3A_210] : memref<64x1000000xf32, #tpu.memory_space<hbm>> -> memref<64x128xf32, #tpu.memory_space<hbm>>
      %dma_start3A_218 = arith.constant 0 : i32
      %dma_start3A_219 = arith.constant 0 : i32
      %dma_start3A_220 = tpu.memref_slice %arg12[%dma_start3A_211, %dma_start3A_218, %dma_start3A_219] : memref<8x64x128xf32, #tpu.memory_space<vmem>> -> memref<1x64x128xf32, #tpu.memory_space<vmem>>
      %dma_start3A_221 = tpu.memref_squeeze %dma_start3A_220 : memref<1x64x128xf32, #tpu.memory_space<vmem>> -> memref<64x128xf32, #tpu.memory_space<vmem>>
      %dma_start3A_222 = arith.constant 0 : i32
      %dma_start3A_223 = tpu.memref_slice %arg7[%dma_start3A_222, %multiple_of3A_210] : memref<64x1000000xf32, #tpu.memory_space<hbm>> -> memref<64x128xf32, #tpu.memory_space<hbm>>
      tpu.enqueue_dma source(%dma_start3A_223 : memref<64x128xf32, #tpu.memory_space<hbm>>) target(%dma_start3A_221 : memref<64x128xf32, #tpu.memory_space<vmem>>) target_semaphore(%arg14 : memref<!tpu.dma_semaphore, #tpu.memory_space<semaphore_mem>>)
      %mul3A_224 = arith.constant 8 : i32
      %mul3A_225 = arith.muli %scan3A_18, %mul3A_224 : i32
      %add3A_226 = arith.constant 7 : i32
      %add3A_227 = arith.addi %mul3A_225, %add3A_226 : i32
      %broadcast_in_dim3A_228 = vector.broadcast %add3A_227 : i32 to vector<16xi32>
      %gather3A_229 = tpu.vector_load_idx %arg10[%broadcast_in_dim3A_228] : memref<512xi32, #tpu.memory_space<vmem>>[vector<16xi32>], vector<16xi32>,
      %reduce_max3A_230 = arith.constant true
      %reduce_max3A_231 = vector.broadcast %reduce_max3A_230 : i1 to vector<16xi1>
      %reduce_max3A_232 = arith.constant -2147483648 : i32
      %reduce_max3A_233 = vector.broadcast %reduce_max3A_232 : i32 to vector<16xi32>
      %reduce_max3A_234 = arith.xori %gather3A_229, %reduce_max3A_233 : vector<16xi32>
      %reduce_max3A_235 = tpu.scan <max>, %reduce_max3A_234 masked %reduce_max3A_231 : vector<16xi32>, vector<16xi1> -> vector<16xi32>
      %reduce_max3A_236 = arith.xori %reduce_max3A_235, %reduce_max3A_233 : vector<16xi32>
      %reduce_max3A_237 = vector.extract %reduce_max3A_236[15] : i32 from vector<16xi32>
      %mul3A_238 = arith.constant 128 : i32
      %mul3A_239 = arith.muli %reduce_max3A_237, %mul3A_238 : i32
      %multiple_of3A_240 = tpu.assume_multiple %mul3A_239, 128 : i32
      %dma_start3A_241 = arith.constant 7 : i32
      %dma_start3A_242 = arith.constant 0 : i32
      %dma_start3A_243 = arith.constant 0 : i32
      %dma_start3A_244 = tpu.memref_slice %arg12[%dma_start3A_241, %dma_start3A_242, %dma_start3A_243] : memref<8x64x128xf32, #tpu.memory_space<vmem>> -> memref<1x64x128xf32, #tpu.memory_space<vmem>>
      %dma_start3A_245 = tpu.memref_squeeze %dma_start3A_244 : memref<1x64x128xf32, #tpu.memory_space<vmem>> -> memref<64x128xf32, #tpu.memory_space<vmem>>
      %dma_start3A_246 = arith.constant 0 : i32
      %dma_start3A_247 = tpu.memref_slice %arg7[%dma_start3A_246, %multiple_of3A_240] : memref<64x1000000xf32, #tpu.memory_space<hbm>> -> memref<64x128xf32, #tpu.memory_space<hbm>>
      %dma_start3A_248 = arith.constant 0 : i32
      %dma_start3A_249 = arith.constant 0 : i32
      %dma_start3A_250 = tpu.memref_slice %arg12[%dma_start3A_241, %dma_start3A_248, %dma_start3A_249] : memref<8x64x128xf32, #tpu.memory_space<vmem>> -> memref<1x64x128xf32, #tpu.memory_space<vmem>>
      %dma_start3A_251 = tpu.memref_squeeze %dma_start3A_250 : memref<1x64x128xf32, #tpu.memory_space<vmem>> -> memref<64x128xf32, #tpu.memory_space<vmem>>
      %dma_start3A_252 = arith.constant 0 : i32
      %dma_start3A_253 = tpu.memref_slice %arg7[%dma_start3A_252, %multiple_of3A_240] : memref<64x1000000xf32, #tpu.memory_space<hbm>> -> memref<64x128xf32, #tpu.memory_space<hbm>>
      tpu.enqueue_dma source(%dma_start3A_253 : memref<64x128xf32, #tpu.memory_space<hbm>>) target(%dma_start3A_251 : memref<64x128xf32, #tpu.memory_space<vmem>>) target_semaphore(%arg14 : memref<!tpu.dma_semaphore, #tpu.memory_space<semaphore_mem>>)
      %dma_wait3A = arith.constant 0 : i32
      %dma_wait3A_254 = arith.constant 0 : i32
      %dma_wait3A_255 = arith.constant 0 : i32
      %dma_wait3A_256 = tpu.memref_slice %arg12[%dma_wait3A, %dma_wait3A_254, %dma_wait3A_255] : memref<8x64x128xf32, #tpu.memory_space<vmem>> -> memref<1x64x128xf32, #tpu.memory_space<vmem>>
      %dma_wait3A_257 = tpu.memref_squeeze %dma_wait3A_256 : memref<1x64x128xf32, #tpu.memory_space<vmem>> -> memref<64x128xf32, #tpu.memory_space<vmem>>
      %dma_wait3A_258 = arith.constant 0 : i32
      %dma_wait3A_259 = arith.constant 0 : i32
      %dma_wait3A_260 = tpu.memref_slice %arg7[%dma_wait3A_258, %dma_wait3A_259] : memref<64x1000000xf32, #tpu.memory_space<hbm>> -> memref<64x128xf32, #tpu.memory_space<hbm>>
      %dma_wait3A_261 = arith.constant 0 : i32
      %dma_wait3A_262 = arith.constant 0 : i32
      %dma_wait3A_263 = tpu.memref_slice %arg12[%dma_wait3A, %dma_wait3A_261, %dma_wait3A_262] : memref<8x64x128xf32, #tpu.memory_space<vmem>> -> memref<1x64x128xf32, #tpu.memory_space<vmem>>
      %dma_wait3A_264 = tpu.memref_squeeze %dma_wait3A_263 : memref<1x64x128xf32, #tpu.memory_space<vmem>> -> memref<64x128xf32, #tpu.memory_space<vmem>>
      %dma_wait3A_265 = arith.constant 0 : i32
      %dma_wait3A_266 = arith.constant 0 : i32
      %dma_wait3A_267 = tpu.memref_slice %arg7[%dma_wait3A_265, %dma_wait3A_266] : memref<64x1000000xf32, #tpu.memory_space<hbm>> -> memref<64x128xf32, #tpu.memory_space<hbm>>
      tpu.wait_dma2 semaphore(%arg14 : memref<!tpu.dma_semaphore, #tpu.memory_space<semaphore_mem>>) src(%dma_wait3A_267 : memref<64x128xf32, #tpu.memory_space<hbm>>) dst(%dma_wait3A_264 : memref<64x128xf32, #tpu.memory_space<vmem>>)
      %mul3A_268 = arith.constant 8 : i32
      %mul3A_269 = arith.muli %scan3A_18, %mul3A_268 : i32
      %add3A_270 = arith.constant 0 : i32
      %add3A_271 = arith.addi %mul3A_269, %add3A_270 : i32
      %broadcast_in_dim3A_272 = vector.broadcast %add3A_271 : i32 to vector<16xi32>
      %gather3A_273 = tpu.vector_load_idx %arg11[%broadcast_in_dim3A_272] : memref<512xi32, #tpu.memory_space<vmem>>[vector<16xi32>], vector<16xi32>,
      %broadcast_in_dim3A_274 = arith.constant 0 : i32
      %broadcast_in_dim3A_275 = vector.broadcast %broadcast_in_dim3A_274 : i32 to vector<16xi32>
      %add3A_276 = arith.constant 0 : i32
      %add3A_277 = vector.broadcast %add3A_276 : i32 to vector<16xi32>
      %add3A_278 = arith.addi %iota3A, %add3A_277 : vector<16xi32>
      %gather3A_279 = tpu.vector_load_idx %arg12[%broadcast_in_dim3A_275, %add3A_278, %gather3A_273] : memref<8x64x128xf32, #tpu.memory_space<vmem>>[vector<16xi32>, vector<16xi32>, vector<16xi32>], vector<16xf32>,
      %mul3A_280 = arith.constant 64 : i32
      %mul3A_281 = arith.muli %add3A_271, %mul3A_280 : i32
      %add3A_282 = arith.constant 0 : i32
      %add3A_283 = arith.addi %mul3A_281, %add3A_282 : i32
      %swap3A = arith.index_cast %add3A_283 : i32 to index
      %swap3A_284 = tpu.vector_load %arg13[%swap3A] {strides = array<i32>} : memref<32768xf32, #tpu.memory_space<vmem>>, vector<16xf32>,
      tpu.vector_store %arg13[%swap3A], %gather3A_279 {strides = array<i32>} : memref<32768xf32, #tpu.memory_space<vmem>>, vector<16xf32>,
      %add3A_285 = arith.constant 16 : i32
      %add3A_286 = vector.broadcast %add3A_285 : i32 to vector<16xi32>
      %add3A_287 = arith.addi %iota3A, %add3A_286 : vector<16xi32>
      %gather3A_288 = tpu.vector_load_idx %arg12[%broadcast_in_dim3A_275, %add3A_287, %gather3A_273] : memref<8x64x128xf32, #tpu.memory_space<vmem>>[vector<16xi32>, vector<16xi32>, vector<16xi32>], vector<16xf32>,
      %mul3A_289 = arith.constant 64 : i32
      %mul3A_290 = arith.muli %add3A_271, %mul3A_289 : i32
      %add3A_291 = arith.constant 16 : i32
      %add3A_292 = arith.addi %mul3A_290, %add3A_291 : i32
      %swap3A_293 = arith.index_cast %add3A_292 : i32 to index
      %swap3A_294 = tpu.vector_load %arg13[%swap3A_293] {strides = array<i32>} : memref<32768xf32, #tpu.memory_space<vmem>>, vector<16xf32>,
      tpu.vector_store %arg13[%swap3A_293], %gather3A_288 {strides = array<i32>} : memref<32768xf32, #tpu.memory_space<vmem>>, vector<16xf32>,
      %add3A_295 = arith.constant 32 : i32
      %add3A_296 = vector.broadcast %add3A_295 : i32 to vector<16xi32>
      %add3A_297 = arith.addi %iota3A, %add3A_296 : vector<16xi32>
      %gather3A_298 = tpu.vector_load_idx %arg12[%broadcast_in_dim3A_275, %add3A_297, %gather3A_273] : memref<8x64x128xf32, #tpu.memory_space<vmem>>[vector<16xi32>, vector<16xi32>, vector<16xi32>], vector<16xf32>,
      %mul3A_299 = arith.constant 64 : i32
      %mul3A_300 = arith.muli %add3A_271, %mul3A_299 : i32
      %add3A_301 = arith.constant 32 : i32
      %add3A_302 = arith.addi %mul3A_300, %add3A_301 : i32
      %swap3A_303 = arith.index_cast %add3A_302 : i32 to index
      %swap3A_304 = tpu.vector_load %arg13[%swap3A_303] {strides = array<i32>} : memref<32768xf32, #tpu.memory_space<vmem>>, vector<16xf32>,
      tpu.vector_store %arg13[%swap3A_303], %gather3A_298 {strides = array<i32>} : memref<32768xf32, #tpu.memory_space<vmem>>, vector<16xf32>,
      %add3A_305 = arith.constant 48 : i32
      %add3A_306 = vector.broadcast %add3A_305 : i32 to vector<16xi32>
      %add3A_307 = arith.addi %iota3A, %add3A_306 : vector<16xi32>
      %gather3A_308 = tpu.vector_load_idx %arg12[%broadcast_in_dim3A_275, %add3A_307, %gather3A_273] : memref<8x64x128xf32, #tpu.memory_space<vmem>>[vector<16xi32>, vector<16xi32>, vector<16xi32>], vector<16xf32>,
      %mul3A_309 = arith.constant 64 : i32
      %mul3A_310 = arith.muli %add3A_271, %mul3A_309 : i32
      %add3A_311 = arith.constant 48 : i32
      %add3A_312 = arith.addi %mul3A_310, %add3A_311 : i32
      %swap3A_313 = arith.index_cast %add3A_312 : i32 to index
      %swap3A_314 = tpu.vector_load %arg13[%swap3A_313] {strides = array<i32>} : memref<32768xf32, #tpu.memory_space<vmem>>, vector<16xf32>,
      tpu.vector_store %arg13[%swap3A_313], %gather3A_308 {strides = array<i32>} : memref<32768xf32, #tpu.memory_space<vmem>>, vector<16xf32>,
      %dma_wait3A_315 = arith.constant 1 : i32
      %dma_wait3A_316 = arith.constant 0 : i32
      %dma_wait3A_317 = arith.constant 0 : i32
      %dma_wait3A_318 = tpu.memref_slice %arg12[%dma_wait3A_315, %dma_wait3A_316, %dma_wait3A_317] : memref<8x64x128xf32, #tpu.memory_space<vmem>> -> memref<1x64x128xf32, #tpu.memory_space<vmem>>
      %dma_wait3A_319 = tpu.memref_squeeze %dma_wait3A_318 : memref<1x64x128xf32, #tpu.memory_space<vmem>> -> memref<64x128xf32, #tpu.memory_space<vmem>>
      %dma_wait3A_320 = arith.constant 0 : i32
      %dma_wait3A_321 = arith.constant 0 : i32
      %dma_wait3A_322 = tpu.memref_slice %arg7[%dma_wait3A_320, %dma_wait3A_321] : memref<64x1000000xf32, #tpu.memory_space<hbm>> -> memref<64x128xf32, #tpu.memory_space<hbm>>
      %dma_wait3A_323 = arith.constant 0 : i32
      %dma_wait3A_324 = arith.constant 0 : i32
      %dma_wait3A_325 = tpu.memref_slice %arg12[%dma_wait3A_315, %dma_wait3A_323, %dma_wait3A_324] : memref<8x64x128xf32, #tpu.memory_space<vmem>> -> memref<1x64x128xf32, #tpu.memory_space<vmem>>
      %dma_wait3A_326 = tpu.memref_squeeze %dma_wait3A_325 : memref<1x64x128xf32, #tpu.memory_space<vmem>> -> memref<64x128xf32, #tpu.memory_space<vmem>>
      %dma_wait3A_327 = arith.constant 0 : i32
      %dma_wait3A_328 = arith.constant 0 : i32
      %dma_wait3A_329 = tpu.memref_slice %arg7[%dma_wait3A_327, %dma_wait3A_328] : memref<64x1000000xf32, #tpu.memory_space<hbm>> -> memref<64x128xf32, #tpu.memory_space<hbm>>
      tpu.wait_dma2 semaphore(%arg14 : memref<!tpu.dma_semaphore, #tpu.memory_space<semaphore_mem>>) src(%dma_wait3A_329 : memref<64x128xf32, #tpu.memory_space<hbm>>) dst(%dma_wait3A_326 : memref<64x128xf32, #tpu.memory_space<vmem>>)
      %mul3A_330 = arith.constant 8 : i32
      %mul3A_331 = arith.muli %scan3A_18, %mul3A_330 : i32
      %add3A_332 = arith.constant 1 : i32
      %add3A_333 = arith.addi %mul3A_331, %add3A_332 : i32
      %broadcast_in_dim3A_334 = vector.broadcast %add3A_333 : i32 to vector<16xi32>
      %gather3A_335 = tpu.vector_load_idx %arg11[%broadcast_in_dim3A_334] : memref<512xi32, #tpu.memory_space<vmem>>[vector<16xi32>], vector<16xi32>,
      %broadcast_in_dim3A_336 = arith.constant 1 : i32
      %broadcast_in_dim3A_337 = vector.broadcast %broadcast_in_dim3A_336 : i32 to vector<16xi32>
      %add3A_338 = arith.constant 0 : i32
      %add3A_339 = vector.broadcast %add3A_338 : i32 to vector<16xi32>
      %add3A_340 = arith.addi %iota3A, %add3A_339 : vector<16xi32>
      %gather3A_341 = tpu.vector_load_idx %arg12[%broadcast_in_dim3A_337, %add3A_340, %gather3A_335] : memref<8x64x128xf32, #tpu.memory_space<vmem>>[vector<16xi32>, vector<16xi32>, vector<16xi32>], vector<16xf32>,
      %mul3A_342 = arith.constant 64 : i32
      %mul3A_343 = arith.muli %add3A_333, %mul3A_342 : i32
      %add3A_344 = arith.constant 0 : i32
      %add3A_345 = arith.addi %mul3A_343, %add3A_344 : i32
      %swap3A_346 = arith.index_cast %add3A_345 : i32 to index
      %swap3A_347 = tpu.vector_load %arg13[%swap3A_346] {strides = array<i32>} : memref<32768xf32, #tpu.memory_space<vmem>>, vector<16xf32>,
      tpu.vector_store %arg13[%swap3A_346], %gather3A_341 {strides = array<i32>} : memref<32768xf32, #tpu.memory_space<vmem>>, vector<16xf32>,
      %add3A_348 = arith.constant 16 : i32
      %add3A_349 = vector.broadcast %add3A_348 : i32 to vector<16xi32>
      %add3A_350 = arith.addi %iota3A, %add3A_349 : vector<16xi32>
      %gather3A_351 = tpu.vector_load_idx %arg12[%broadcast_in_dim3A_337, %add3A_350, %gather3A_335] : memref<8x64x128xf32, #tpu.memory_space<vmem>>[vector<16xi32>, vector<16xi32>, vector<16xi32>], vector<16xf32>,
      %mul3A_352 = arith.constant 64 : i32
      %mul3A_353 = arith.muli %add3A_333, %mul3A_352 : i32
      %add3A_354 = arith.constant 16 : i32
      %add3A_355 = arith.addi %mul3A_353, %add3A_354 : i32
      %swap3A_356 = arith.index_cast %add3A_355 : i32 to index
      %swap3A_357 = tpu.vector_load %arg13[%swap3A_356] {strides = array<i32>} : memref<32768xf32, #tpu.memory_space<vmem>>, vector<16xf32>,
      tpu.vector_store %arg13[%swap3A_356], %gather3A_351 {strides = array<i32>} : memref<32768xf32, #tpu.memory_space<vmem>>, vector<16xf32>,
      %add3A_358 = arith.constant 32 : i32
      %add3A_359 = vector.broadcast %add3A_358 : i32 to vector<16xi32>
      %add3A_360 = arith.addi %iota3A, %add3A_359 : vector<16xi32>
      %gather3A_361 = tpu.vector_load_idx %arg12[%broadcast_in_dim3A_337, %add3A_360, %gather3A_335] : memref<8x64x128xf32, #tpu.memory_space<vmem>>[vector<16xi32>, vector<16xi32>, vector<16xi32>], vector<16xf32>,
      %mul3A_362 = arith.constant 64 : i32
      %mul3A_363 = arith.muli %add3A_333, %mul3A_362 : i32
      %add3A_364 = arith.constant 32 : i32
      %add3A_365 = arith.addi %mul3A_363, %add3A_364 : i32
      %swap3A_366 = arith.index_cast %add3A_365 : i32 to index
      %swap3A_367 = tpu.vector_load %arg13[%swap3A_366] {strides = array<i32>} : memref<32768xf32, #tpu.memory_space<vmem>>, vector<16xf32>,
      tpu.vector_store %arg13[%swap3A_366], %gather3A_361 {strides = array<i32>} : memref<32768xf32, #tpu.memory_space<vmem>>, vector<16xf32>,
      %add3A_368 = arith.constant 48 : i32
      %add3A_369 = vector.broadcast %add3A_368 : i32 to vector<16xi32>
      %add3A_370 = arith.addi %iota3A, %add3A_369 : vector<16xi32>
      %gather3A_371 = tpu.vector_load_idx %arg12[%broadcast_in_dim3A_337, %add3A_370, %gather3A_335] : memref<8x64x128xf32, #tpu.memory_space<vmem>>[vector<16xi32>, vector<16xi32>, vector<16xi32>], vector<16xf32>,
      %mul3A_372 = arith.constant 64 : i32
      %mul3A_373 = arith.muli %add3A_333, %mul3A_372 : i32
      %add3A_374 = arith.constant 48 : i32
      %add3A_375 = arith.addi %mul3A_373, %add3A_374 : i32
      %swap3A_376 = arith.index_cast %add3A_375 : i32 to index
      %swap3A_377 = tpu.vector_load %arg13[%swap3A_376] {strides = array<i32>} : memref<32768xf32, #tpu.memory_space<vmem>>, vector<16xf32>,
      tpu.vector_store %arg13[%swap3A_376], %gather3A_371 {strides = array<i32>} : memref<32768xf32, #tpu.memory_space<vmem>>, vector<16xf32>,
      %dma_wait3A_378 = arith.constant 2 : i32
      %dma_wait3A_379 = arith.constant 0 : i32
      %dma_wait3A_380 = arith.constant 0 : i32
      %dma_wait3A_381 = tpu.memref_slice %arg12[%dma_wait3A_378, %dma_wait3A_379, %dma_wait3A_380] : memref<8x64x128xf32, #tpu.memory_space<vmem>> -> memref<1x64x128xf32, #tpu.memory_space<vmem>>
      %dma_wait3A_382 = tpu.memref_squeeze %dma_wait3A_381 : memref<1x64x128xf32, #tpu.memory_space<vmem>> -> memref<64x128xf32, #tpu.memory_space<vmem>>
      %dma_wait3A_383 = arith.constant 0 : i32
      %dma_wait3A_384 = arith.constant 0 : i32
      %dma_wait3A_385 = tpu.memref_slice %arg7[%dma_wait3A_383, %dma_wait3A_384] : memref<64x1000000xf32, #tpu.memory_space<hbm>> -> memref<64x128xf32, #tpu.memory_space<hbm>>
      %dma_wait3A_386 = arith.constant 0 : i32
      %dma_wait3A_387 = arith.constant 0 : i32
      %dma_wait3A_388 = tpu.memref_slice %arg12[%dma_wait3A_378, %dma_wait3A_386, %dma_wait3A_387] : memref<8x64x128xf32, #tpu.memory_space<vmem>> -> memref<1x64x128xf32, #tpu.memory_space<vmem>>
      %dma_wait3A_389 = tpu.memref_squeeze %dma_wait3A_388 : memref<1x64x128xf32, #tpu.memory_space<vmem>> -> memref<64x128xf32, #tpu.memory_space<vmem>>
      %dma_wait3A_390 = arith.constant 0 : i32
      %dma_wait3A_391 = arith.constant 0 : i32
      %dma_wait3A_392 = tpu.memref_slice %arg7[%dma_wait3A_390, %dma_wait3A_391] : memref<64x1000000xf32, #tpu.memory_space<hbm>> -> memref<64x128xf32, #tpu.memory_space<hbm>>
      tpu.wait_dma2 semaphore(%arg14 : memref<!tpu.dma_semaphore, #tpu.memory_space<semaphore_mem>>) src(%dma_wait3A_392 : memref<64x128xf32, #tpu.memory_space<hbm>>) dst(%dma_wait3A_389 : memref<64x128xf32, #tpu.memory_space<vmem>>)
      %mul3A_393 = arith.constant 8 : i32
      %mul3A_394 = arith.muli %scan3A_18, %mul3A_393 : i32
      %add3A_395 = arith.constant 2 : i32
      %add3A_396 = arith.addi %mul3A_394, %add3A_395 : i32
      %broadcast_in_dim3A_397 = vector.broadcast %add3A_396 : i32 to vector<16xi32>
      %gather3A_398 = tpu.vector_load_idx %arg11[%broadcast_in_dim3A_397] : memref<512xi32, #tpu.memory_space<vmem>>[vector<16xi32>], vector<16xi32>,
      %broadcast_in_dim3A_399 = arith.constant 2 : i32
      %broadcast_in_dim3A_400 = vector.broadcast %broadcast_in_dim3A_399 : i32 to vector<16xi32>
      %add3A_401 = arith.constant 0 : i32
      %add3A_402 = vector.broadcast %add3A_401 : i32 to vector<16xi32>
      %add3A_403 = arith.addi %iota3A, %add3A_402 : vector<16xi32>
      %gather3A_404 = tpu.vector_load_idx %arg12[%broadcast_in_dim3A_400, %add3A_403, %gather3A_398] : memref<8x64x128xf32, #tpu.memory_space<vmem>>[vector<16xi32>, vector<16xi32>, vector<16xi32>], vector<16xf32>,
      %mul3A_405 = arith.constant 64 : i32
      %mul3A_406 = arith.muli %add3A_396, %mul3A_405 : i32
      %add3A_407 = arith.constant 0 : i32
      %add3A_408 = arith.addi %mul3A_406, %add3A_407 : i32
      %swap3A_409 = arith.index_cast %add3A_408 : i32 to index
      %swap3A_410 = tpu.vector_load %arg13[%swap3A_409] {strides = array<i32>} : memref<32768xf32, #tpu.memory_space<vmem>>, vector<16xf32>,
      tpu.vector_store %arg13[%swap3A_409], %gather3A_404 {strides = array<i32>} : memref<32768xf32, #tpu.memory_space<vmem>>, vector<16xf32>,
      %add3A_411 = arith.constant 16 : i32
      %add3A_412 = vector.broadcast %add3A_411 : i32 to vector<16xi32>
      %add3A_413 = arith.addi %iota3A, %add3A_412 : vector<16xi32>
      %gather3A_414 = tpu.vector_load_idx %arg12[%broadcast_in_dim3A_400, %add3A_413, %gather3A_398] : memref<8x64x128xf32, #tpu.memory_space<vmem>>[vector<16xi32>, vector<16xi32>, vector<16xi32>], vector<16xf32>,
      %mul3A_415 = arith.constant 64 : i32
      %mul3A_416 = arith.muli %add3A_396, %mul3A_415 : i32
      %add3A_417 = arith.constant 16 : i32
      %add3A_418 = arith.addi %mul3A_416, %add3A_417 : i32
      %swap3A_419 = arith.index_cast %add3A_418 : i32 to index
      %swap3A_420 = tpu.vector_load %arg13[%swap3A_419] {strides = array<i32>} : memref<32768xf32, #tpu.memory_space<vmem>>, vector<16xf32>,
      tpu.vector_store %arg13[%swap3A_419], %gather3A_414 {strides = array<i32>} : memref<32768xf32, #tpu.memory_space<vmem>>, vector<16xf32>,
      %add3A_421 = arith.constant 32 : i32
      %add3A_422 = vector.broadcast %add3A_421 : i32 to vector<16xi32>
      %add3A_423 = arith.addi %iota3A, %add3A_422 : vector<16xi32>
      %gather3A_424 = tpu.vector_load_idx %arg12[%broadcast_in_dim3A_400, %add3A_423, %gather3A_398] : memref<8x64x128xf32, #tpu.memory_space<vmem>>[vector<16xi32>, vector<16xi32>, vector<16xi32>], vector<16xf32>,
      %mul3A_425 = arith.constant 64 : i32
      %mul3A_426 = arith.muli %add3A_396, %mul3A_425 : i32
      %add3A_427 = arith.constant 32 : i32
      %add3A_428 = arith.addi %mul3A_426, %add3A_427 : i32
      %swap3A_429 = arith.index_cast %add3A_428 : i32 to index
      %swap3A_430 = tpu.vector_load %arg13[%swap3A_429] {strides = array<i32>} : memref<32768xf32, #tpu.memory_space<vmem>>, vector<16xf32>,
      tpu.vector_store %arg13[%swap3A_429], %gather3A_424 {strides = array<i32>} : memref<32768xf32, #tpu.memory_space<vmem>>, vector<16xf32>,
      %add3A_431 = arith.constant 48 : i32
      %add3A_432 = vector.broadcast %add3A_431 : i32 to vector<16xi32>
      %add3A_433 = arith.addi %iota3A, %add3A_432 : vector<16xi32>
      %gather3A_434 = tpu.vector_load_idx %arg12[%broadcast_in_dim3A_400, %add3A_433, %gather3A_398] : memref<8x64x128xf32, #tpu.memory_space<vmem>>[vector<16xi32>, vector<16xi32>, vector<16xi32>], vector<16xf32>,
      %mul3A_435 = arith.constant 64 : i32
      %mul3A_436 = arith.muli %add3A_396, %mul3A_435 : i32
      %add3A_437 = arith.constant 48 : i32
      %add3A_438 = arith.addi %mul3A_436, %add3A_437 : i32
      %swap3A_439 = arith.index_cast %add3A_438 : i32 to index
      %swap3A_440 = tpu.vector_load %arg13[%swap3A_439] {strides = array<i32>} : memref<32768xf32, #tpu.memory_space<vmem>>, vector<16xf32>,
      tpu.vector_store %arg13[%swap3A_439], %gather3A_434 {strides = array<i32>} : memref<32768xf32, #tpu.memory_space<vmem>>, vector<16xf32>,
      %dma_wait3A_441 = arith.constant 3 : i32
      %dma_wait3A_442 = arith.constant 0 : i32
      %dma_wait3A_443 = arith.constant 0 : i32
      %dma_wait3A_444 = tpu.memref_slice %arg12[%dma_wait3A_441, %dma_wait3A_442, %dma_wait3A_443] : memref<8x64x128xf32, #tpu.memory_space<vmem>> -> memref<1x64x128xf32, #tpu.memory_space<vmem>>
      %dma_wait3A_445 = tpu.memref_squeeze %dma_wait3A_444 : memref<1x64x128xf32, #tpu.memory_space<vmem>> -> memref<64x128xf32, #tpu.memory_space<vmem>>
      %dma_wait3A_446 = arith.constant 0 : i32
      %dma_wait3A_447 = arith.constant 0 : i32
      %dma_wait3A_448 = tpu.memref_slice %arg7[%dma_wait3A_446, %dma_wait3A_447] : memref<64x1000000xf32, #tpu.memory_space<hbm>> -> memref<64x128xf32, #tpu.memory_space<hbm>>
      %dma_wait3A_449 = arith.constant 0 : i32
      %dma_wait3A_450 = arith.constant 0 : i32
      %dma_wait3A_451 = tpu.memref_slice %arg12[%dma_wait3A_441, %dma_wait3A_449, %dma_wait3A_450] : memref<8x64x128xf32, #tpu.memory_space<vmem>> -> memref<1x64x128xf32, #tpu.memory_space<vmem>>
      %dma_wait3A_452 = tpu.memref_squeeze %dma_wait3A_451 : memref<1x64x128xf32, #tpu.memory_space<vmem>> -> memref<64x128xf32, #tpu.memory_space<vmem>>
      %dma_wait3A_453 = arith.constant 0 : i32
      %dma_wait3A_454 = arith.constant 0 : i32
      %dma_wait3A_455 = tpu.memref_slice %arg7[%dma_wait3A_453, %dma_wait3A_454] : memref<64x1000000xf32, #tpu.memory_space<hbm>> -> memref<64x128xf32, #tpu.memory_space<hbm>>
      tpu.wait_dma2 semaphore(%arg14 : memref<!tpu.dma_semaphore, #tpu.memory_space<semaphore_mem>>) src(%dma_wait3A_455 : memref<64x128xf32, #tpu.memory_space<hbm>>) dst(%dma_wait3A_452 : memref<64x128xf32, #tpu.memory_space<vmem>>)
      %mul3A_456 = arith.constant 8 : i32
      %mul3A_457 = arith.muli %scan3A_18, %mul3A_456 : i32
      %add3A_458 = arith.constant 3 : i32
      %add3A_459 = arith.addi %mul3A_457, %add3A_458 : i32
      %broadcast_in_dim3A_460 = vector.broadcast %add3A_459 : i32 to vector<16xi32>
      %gather3A_461 = tpu.vector_load_idx %arg11[%broadcast_in_dim3A_460] : memref<512xi32, #tpu.memory_space<vmem>>[vector<16xi32>], vector<16xi32>,
      %broadcast_in_dim3A_462 = arith.constant 3 : i32
      %broadcast_in_dim3A_463 = vector.broadcast %broadcast_in_dim3A_462 : i32 to vector<16xi32>
      %add3A_464 = arith.constant 0 : i32
      %add3A_465 = vector.broadcast %add3A_464 : i32 to vector<16xi32>
      %add3A_466 = arith.addi %iota3A, %add3A_465 : vector<16xi32>
      %gather3A_467 = tpu.vector_load_idx %arg12[%broadcast_in_dim3A_463, %add3A_466, %gather3A_461] : memref<8x64x128xf32, #tpu.memory_space<vmem>>[vector<16xi32>, vector<16xi32>, vector<16xi32>], vector<16xf32>,
      %mul3A_468 = arith.constant 64 : i32
      %mul3A_469 = arith.muli %add3A_459, %mul3A_468 : i32
      %add3A_470 = arith.constant 0 : i32
      %add3A_471 = arith.addi %mul3A_469, %add3A_470 : i32
      %swap3A_472 = arith.index_cast %add3A_471 : i32 to index
      %swap3A_473 = tpu.vector_load %arg13[%swap3A_472] {strides = array<i32>} : memref<32768xf32, #tpu.memory_space<vmem>>, vector<16xf32>,
      tpu.vector_store %arg13[%swap3A_472], %gather3A_467 {strides = array<i32>} : memref<32768xf32, #tpu.memory_space<vmem>>, vector<16xf32>,
      %add3A_474 = arith.constant 16 : i32
      %add3A_475 = vector.broadcast %add3A_474 : i32 to vector<16xi32>
      %add3A_476 = arith.addi %iota3A, %add3A_475 : vector<16xi32>
      %gather3A_477 = tpu.vector_load_idx %arg12[%broadcast_in_dim3A_463, %add3A_476, %gather3A_461] : memref<8x64x128xf32, #tpu.memory_space<vmem>>[vector<16xi32>, vector<16xi32>, vector<16xi32>], vector<16xf32>,
      %mul3A_478 = arith.constant 64 : i32
      %mul3A_479 = arith.muli %add3A_459, %mul3A_478 : i32
      %add3A_480 = arith.constant 16 : i32
      %add3A_481 = arith.addi %mul3A_479, %add3A_480 : i32
      %swap3A_482 = arith.index_cast %add3A_481 : i32 to index
      %swap3A_483 = tpu.vector_load %arg13[%swap3A_482] {strides = array<i32>} : memref<32768xf32, #tpu.memory_space<vmem>>, vector<16xf32>,
      tpu.vector_store %arg13[%swap3A_482], %gather3A_477 {strides = array<i32>} : memref<32768xf32, #tpu.memory_space<vmem>>, vector<16xf32>,
      %add3A_484 = arith.constant 32 : i32
      %add3A_485 = vector.broadcast %add3A_484 : i32 to vector<16xi32>
      %add3A_486 = arith.addi %iota3A, %add3A_485 : vector<16xi32>
      %gather3A_487 = tpu.vector_load_idx %arg12[%broadcast_in_dim3A_463, %add3A_486, %gather3A_461] : memref<8x64x128xf32, #tpu.memory_space<vmem>>[vector<16xi32>, vector<16xi32>, vector<16xi32>], vector<16xf32>,
      %mul3A_488 = arith.constant 64 : i32
      %mul3A_489 = arith.muli %add3A_459, %mul3A_488 : i32
      %add3A_490 = arith.constant 32 : i32
      %add3A_491 = arith.addi %mul3A_489, %add3A_490 : i32
      %swap3A_492 = arith.index_cast %add3A_491 : i32 to index
      %swap3A_493 = tpu.vector_load %arg13[%swap3A_492] {strides = array<i32>} : memref<32768xf32, #tpu.memory_space<vmem>>, vector<16xf32>,
      tpu.vector_store %arg13[%swap3A_492], %gather3A_487 {strides = array<i32>} : memref<32768xf32, #tpu.memory_space<vmem>>, vector<16xf32>,
      %add3A_494 = arith.constant 48 : i32
      %add3A_495 = vector.broadcast %add3A_494 : i32 to vector<16xi32>
      %add3A_496 = arith.addi %iota3A, %add3A_495 : vector<16xi32>
      %gather3A_497 = tpu.vector_load_idx %arg12[%broadcast_in_dim3A_463, %add3A_496, %gather3A_461] : memref<8x64x128xf32, #tpu.memory_space<vmem>>[vector<16xi32>, vector<16xi32>, vector<16xi32>], vector<16xf32>,
      %mul3A_498 = arith.constant 64 : i32
      %mul3A_499 = arith.muli %add3A_459, %mul3A_498 : i32
      %add3A_500 = arith.constant 48 : i32
      %add3A_501 = arith.addi %mul3A_499, %add3A_500 : i32
      %swap3A_502 = arith.index_cast %add3A_501 : i32 to index
      %swap3A_503 = tpu.vector_load %arg13[%swap3A_502] {strides = array<i32>} : memref<32768xf32, #tpu.memory_space<vmem>>, vector<16xf32>,
      tpu.vector_store %arg13[%swap3A_502], %gather3A_497 {strides = array<i32>} : memref<32768xf32, #tpu.memory_space<vmem>>, vector<16xf32>,
      %dma_wait3A_504 = arith.constant 4 : i32
      %dma_wait3A_505 = arith.constant 0 : i32
      %dma_wait3A_506 = arith.constant 0 : i32
      %dma_wait3A_507 = tpu.memref_slice %arg12[%dma_wait3A_504, %dma_wait3A_505, %dma_wait3A_506] : memref<8x64x128xf32, #tpu.memory_space<vmem>> -> memref<1x64x128xf32, #tpu.memory_space<vmem>>
      %dma_wait3A_508 = tpu.memref_squeeze %dma_wait3A_507 : memref<1x64x128xf32, #tpu.memory_space<vmem>> -> memref<64x128xf32, #tpu.memory_space<vmem>>
      %dma_wait3A_509 = arith.constant 0 : i32
      %dma_wait3A_510 = arith.constant 0 : i32
      %dma_wait3A_511 = tpu.memref_slice %arg7[%dma_wait3A_509, %dma_wait3A_510] : memref<64x1000000xf32, #tpu.memory_space<hbm>> -> memref<64x128xf32, #tpu.memory_space<hbm>>
      %dma_wait3A_512 = arith.constant 0 : i32
      %dma_wait3A_513 = arith.constant 0 : i32
      %dma_wait3A_514 = tpu.memref_slice %arg12[%dma_wait3A_504, %dma_wait3A_512, %dma_wait3A_513] : memref<8x64x128xf32, #tpu.memory_space<vmem>> -> memref<1x64x128xf32, #tpu.memory_space<vmem>>
      %dma_wait3A_515 = tpu.memref_squeeze %dma_wait3A_514 : memref<1x64x128xf32, #tpu.memory_space<vmem>> -> memref<64x128xf32, #tpu.memory_space<vmem>>
      %dma_wait3A_516 = arith.constant 0 : i32
      %dma_wait3A_517 = arith.constant 0 : i32
      %dma_wait3A_518 = tpu.memref_slice %arg7[%dma_wait3A_516, %dma_wait3A_517] : memref<64x1000000xf32, #tpu.memory_space<hbm>> -> memref<64x128xf32, #tpu.memory_space<hbm>>
      tpu.wait_dma2 semaphore(%arg14 : memref<!tpu.dma_semaphore, #tpu.memory_space<semaphore_mem>>) src(%dma_wait3A_518 : memref<64x128xf32, #tpu.memory_space<hbm>>) dst(%dma_wait3A_515 : memref<64x128xf32, #tpu.memory_space<vmem>>)
      %mul3A_519 = arith.constant 8 : i32
      %mul3A_520 = arith.muli %scan3A_18, %mul3A_519 : i32
      %add3A_521 = arith.constant 4 : i32
      %add3A_522 = arith.addi %mul3A_520, %add3A_521 : i32
      %broadcast_in_dim3A_523 = vector.broadcast %add3A_522 : i32 to vector<16xi32>
      %gather3A_524 = tpu.vector_load_idx %arg11[%broadcast_in_dim3A_523] : memref<512xi32, #tpu.memory_space<vmem>>[vector<16xi32>], vector<16xi32>,
      %broadcast_in_dim3A_525 = arith.constant 4 : i32
      %broadcast_in_dim3A_526 = vector.broadcast %broadcast_in_dim3A_525 : i32 to vector<16xi32>
      %add3A_527 = arith.constant 0 : i32
      %add3A_528 = vector.broadcast %add3A_527 : i32 to vector<16xi32>
      %add3A_529 = arith.addi %iota3A, %add3A_528 : vector<16xi32>
      %gather3A_530 = tpu.vector_load_idx %arg12[%broadcast_in_dim3A_526, %add3A_529, %gather3A_524] : memref<8x64x128xf32, #tpu.memory_space<vmem>>[vector<16xi32>, vector<16xi32>, vector<16xi32>], vector<16xf32>,
      %mul3A_531 = arith.constant 64 : i32
      %mul3A_532 = arith.muli %add3A_522, %mul3A_531 : i32
      %add3A_533 = arith.constant 0 : i32
      %add3A_534 = arith.addi %mul3A_532, %add3A_533 : i32
      %swap3A_535 = arith.index_cast %add3A_534 : i32 to index
      %swap3A_536 = tpu.vector_load %arg13[%swap3A_535] {strides = array<i32>} : memref<32768xf32, #tpu.memory_space<vmem>>, vector<16xf32>,
      tpu.vector_store %arg13[%swap3A_535], %gather3A_530 {strides = array<i32>} : memref<32768xf32, #tpu.memory_space<vmem>>, vector<16xf32>,
      %add3A_537 = arith.constant 16 : i32
      %add3A_538 = vector.broadcast %add3A_537 : i32 to vector<16xi32>
      %add3A_539 = arith.addi %iota3A, %add3A_538 : vector<16xi32>
      %gather3A_540 = tpu.vector_load_idx %arg12[%broadcast_in_dim3A_526, %add3A_539, %gather3A_524] : memref<8x64x128xf32, #tpu.memory_space<vmem>>[vector<16xi32>, vector<16xi32>, vector<16xi32>], vector<16xf32>,
      %mul3A_541 = arith.constant 64 : i32
      %mul3A_542 = arith.muli %add3A_522, %mul3A_541 : i32
      %add3A_543 = arith.constant 16 : i32
      %add3A_544 = arith.addi %mul3A_542, %add3A_543 : i32
      %swap3A_545 = arith.index_cast %add3A_544 : i32 to index
      %swap3A_546 = tpu.vector_load %arg13[%swap3A_545] {strides = array<i32>} : memref<32768xf32, #tpu.memory_space<vmem>>, vector<16xf32>,
      tpu.vector_store %arg13[%swap3A_545], %gather3A_540 {strides = array<i32>} : memref<32768xf32, #tpu.memory_space<vmem>>, vector<16xf32>,
      %add3A_547 = arith.constant 32 : i32
      %add3A_548 = vector.broadcast %add3A_547 : i32 to vector<16xi32>
      %add3A_549 = arith.addi %iota3A, %add3A_548 : vector<16xi32>
      %gather3A_550 = tpu.vector_load_idx %arg12[%broadcast_in_dim3A_526, %add3A_549, %gather3A_524] : memref<8x64x128xf32, #tpu.memory_space<vmem>>[vector<16xi32>, vector<16xi32>, vector<16xi32>], vector<16xf32>,
      %mul3A_551 = arith.constant 64 : i32
      %mul3A_552 = arith.muli %add3A_522, %mul3A_551 : i32
      %add3A_553 = arith.constant 32 : i32
      %add3A_554 = arith.addi %mul3A_552, %add3A_553 : i32
      %swap3A_555 = arith.index_cast %add3A_554 : i32 to index
      %swap3A_556 = tpu.vector_load %arg13[%swap3A_555] {strides = array<i32>} : memref<32768xf32, #tpu.memory_space<vmem>>, vector<16xf32>,
      tpu.vector_store %arg13[%swap3A_555], %gather3A_550 {strides = array<i32>} : memref<32768xf32, #tpu.memory_space<vmem>>, vector<16xf32>,
      %add3A_557 = arith.constant 48 : i32
      %add3A_558 = vector.broadcast %add3A_557 : i32 to vector<16xi32>
      %add3A_559 = arith.addi %iota3A, %add3A_558 : vector<16xi32>
      %gather3A_560 = tpu.vector_load_idx %arg12[%broadcast_in_dim3A_526, %add3A_559, %gather3A_524] : memref<8x64x128xf32, #tpu.memory_space<vmem>>[vector<16xi32>, vector<16xi32>, vector<16xi32>], vector<16xf32>,
      %mul3A_561 = arith.constant 64 : i32
      %mul3A_562 = arith.muli %add3A_522, %mul3A_561 : i32
      %add3A_563 = arith.constant 48 : i32
      %add3A_564 = arith.addi %mul3A_562, %add3A_563 : i32
      %swap3A_565 = arith.index_cast %add3A_564 : i32 to index
      %swap3A_566 = tpu.vector_load %arg13[%swap3A_565] {strides = array<i32>} : memref<32768xf32, #tpu.memory_space<vmem>>, vector<16xf32>,
      tpu.vector_store %arg13[%swap3A_565], %gather3A_560 {strides = array<i32>} : memref<32768xf32, #tpu.memory_space<vmem>>, vector<16xf32>,
      %dma_wait3A_567 = arith.constant 5 : i32
      %dma_wait3A_568 = arith.constant 0 : i32
      %dma_wait3A_569 = arith.constant 0 : i32
      %dma_wait3A_570 = tpu.memref_slice %arg12[%dma_wait3A_567, %dma_wait3A_568, %dma_wait3A_569] : memref<8x64x128xf32, #tpu.memory_space<vmem>> -> memref<1x64x128xf32, #tpu.memory_space<vmem>>
      %dma_wait3A_571 = tpu.memref_squeeze %dma_wait3A_570 : memref<1x64x128xf32, #tpu.memory_space<vmem>> -> memref<64x128xf32, #tpu.memory_space<vmem>>
      %dma_wait3A_572 = arith.constant 0 : i32
      %dma_wait3A_573 = arith.constant 0 : i32
      %dma_wait3A_574 = tpu.memref_slice %arg7[%dma_wait3A_572, %dma_wait3A_573] : memref<64x1000000xf32, #tpu.memory_space<hbm>> -> memref<64x128xf32, #tpu.memory_space<hbm>>
      %dma_wait3A_575 = arith.constant 0 : i32
      %dma_wait3A_576 = arith.constant 0 : i32
      %dma_wait3A_577 = tpu.memref_slice %arg12[%dma_wait3A_567, %dma_wait3A_575, %dma_wait3A_576] : memref<8x64x128xf32, #tpu.memory_space<vmem>> -> memref<1x64x128xf32, #tpu.memory_space<vmem>>
      %dma_wait3A_578 = tpu.memref_squeeze %dma_wait3A_577 : memref<1x64x128xf32, #tpu.memory_space<vmem>> -> memref<64x128xf32, #tpu.memory_space<vmem>>
      %dma_wait3A_579 = arith.constant 0 : i32
      %dma_wait3A_580 = arith.constant 0 : i32
      %dma_wait3A_581 = tpu.memref_slice %arg7[%dma_wait3A_579, %dma_wait3A_580] : memref<64x1000000xf32, #tpu.memory_space<hbm>> -> memref<64x128xf32, #tpu.memory_space<hbm>>
      tpu.wait_dma2 semaphore(%arg14 : memref<!tpu.dma_semaphore, #tpu.memory_space<semaphore_mem>>) src(%dma_wait3A_581 : memref<64x128xf32, #tpu.memory_space<hbm>>) dst(%dma_wait3A_578 : memref<64x128xf32, #tpu.memory_space<vmem>>)
      %mul3A_582 = arith.constant 8 : i32
      %mul3A_583 = arith.muli %scan3A_18, %mul3A_582 : i32
      %add3A_584 = arith.constant 5 : i32
      %add3A_585 = arith.addi %mul3A_583, %add3A_584 : i32
      %broadcast_in_dim3A_586 = vector.broadcast %add3A_585 : i32 to vector<16xi32>
      %gather3A_587 = tpu.vector_load_idx %arg11[%broadcast_in_dim3A_586] : memref<512xi32, #tpu.memory_space<vmem>>[vector<16xi32>], vector<16xi32>,
      %broadcast_in_dim3A_588 = arith.constant 5 : i32
      %broadcast_in_dim3A_589 = vector.broadcast %broadcast_in_dim3A_588 : i32 to vector<16xi32>
      %add3A_590 = arith.constant 0 : i32
      %add3A_591 = vector.broadcast %add3A_590 : i32 to vector<16xi32>
      %add3A_592 = arith.addi %iota3A, %add3A_591 : vector<16xi32>
      %gather3A_593 = tpu.vector_load_idx %arg12[%broadcast_in_dim3A_589, %add3A_592, %gather3A_587] : memref<8x64x128xf32, #tpu.memory_space<vmem>>[vector<16xi32>, vector<16xi32>, vector<16xi32>], vector<16xf32>,
      %mul3A_594 = arith.constant 64 : i32
      %mul3A_595 = arith.muli %add3A_585, %mul3A_594 : i32
      %add3A_596 = arith.constant 0 : i32
      %add3A_597 = arith.addi %mul3A_595, %add3A_596 : i32
      %swap3A_598 = arith.index_cast %add3A_597 : i32 to index
      %swap3A_599 = tpu.vector_load %arg13[%swap3A_598] {strides = array<i32>} : memref<32768xf32, #tpu.memory_space<vmem>>, vector<16xf32>,
      tpu.vector_store %arg13[%swap3A_598], %gather3A_593 {strides = array<i32>} : memref<32768xf32, #tpu.memory_space<vmem>>, vector<16xf32>,
      %add3A_600 = arith.constant 16 : i32
      %add3A_601 = vector.broadcast %add3A_600 : i32 to vector<16xi32>
      %add3A_602 = arith.addi %iota3A, %add3A_601 : vector<16xi32>
      %gather3A_603 = tpu.vector_load_idx %arg12[%broadcast_in_dim3A_589, %add3A_602, %gather3A_587] : memref<8x64x128xf32, #tpu.memory_space<vmem>>[vector<16xi32>, vector<16xi32>, vector<16xi32>], vector<16xf32>,
      %mul3A_604 = arith.constant 64 : i32
      %mul3A_605 = arith.muli %add3A_585, %mul3A_604 : i32
      %add3A_606 = arith.constant 16 : i32
      %add3A_607 = arith.addi %mul3A_605, %add3A_606 : i32
      %swap3A_608 = arith.index_cast %add3A_607 : i32 to index
      %swap3A_609 = tpu.vector_load %arg13[%swap3A_608] {strides = array<i32>} : memref<32768xf32, #tpu.memory_space<vmem>>, vector<16xf32>,
      tpu.vector_store %arg13[%swap3A_608], %gather3A_603 {strides = array<i32>} : memref<32768xf32, #tpu.memory_space<vmem>>, vector<16xf32>,
      %add3A_610 = arith.constant 32 : i32
      %add3A_611 = vector.broadcast %add3A_610 : i32 to vector<16xi32>
      %add3A_612 = arith.addi %iota3A, %add3A_611 : vector<16xi32>
      %gather3A_613 = tpu.vector_load_idx %arg12[%broadcast_in_dim3A_589, %add3A_612, %gather3A_587] : memref<8x64x128xf32, #tpu.memory_space<vmem>>[vector<16xi32>, vector<16xi32>, vector<16xi32>], vector<16xf32>,
      %mul3A_614 = arith.constant 64 : i32
      %mul3A_615 = arith.muli %add3A_585, %mul3A_614 : i32
      %add3A_616 = arith.constant 32 : i32
      %add3A_617 = arith.addi %mul3A_615, %add3A_616 : i32
      %swap3A_618 = arith.index_cast %add3A_617 : i32 to index
      %swap3A_619 = tpu.vector_load %arg13[%swap3A_618] {strides = array<i32>} : memref<32768xf32, #tpu.memory_space<vmem>>, vector<16xf32>,
      tpu.vector_store %arg13[%swap3A_618], %gather3A_613 {strides = array<i32>} : memref<32768xf32, #tpu.memory_space<vmem>>, vector<16xf32>,
      %add3A_620 = arith.constant 48 : i32
      %add3A_621 = vector.broadcast %add3A_620 : i32 to vector<16xi32>
      %add3A_622 = arith.addi %iota3A, %add3A_621 : vector<16xi32>
      %gather3A_623 = tpu.vector_load_idx %arg12[%broadcast_in_dim3A_589, %add3A_622, %gather3A_587] : memref<8x64x128xf32, #tpu.memory_space<vmem>>[vector<16xi32>, vector<16xi32>, vector<16xi32>], vector<16xf32>,
      %mul3A_624 = arith.constant 64 : i32
      %mul3A_625 = arith.muli %add3A_585, %mul3A_624 : i32
      %add3A_626 = arith.constant 48 : i32
      %add3A_627 = arith.addi %mul3A_625, %add3A_626 : i32
      %swap3A_628 = arith.index_cast %add3A_627 : i32 to index
      %swap3A_629 = tpu.vector_load %arg13[%swap3A_628] {strides = array<i32>} : memref<32768xf32, #tpu.memory_space<vmem>>, vector<16xf32>,
      tpu.vector_store %arg13[%swap3A_628], %gather3A_623 {strides = array<i32>} : memref<32768xf32, #tpu.memory_space<vmem>>, vector<16xf32>,
      %dma_wait3A_630 = arith.constant 6 : i32
      %dma_wait3A_631 = arith.constant 0 : i32
      %dma_wait3A_632 = arith.constant 0 : i32
      %dma_wait3A_633 = tpu.memref_slice %arg12[%dma_wait3A_630, %dma_wait3A_631, %dma_wait3A_632] : memref<8x64x128xf32, #tpu.memory_space<vmem>> -> memref<1x64x128xf32, #tpu.memory_space<vmem>>
      %dma_wait3A_634 = tpu.memref_squeeze %dma_wait3A_633 : memref<1x64x128xf32, #tpu.memory_space<vmem>> -> memref<64x128xf32, #tpu.memory_space<vmem>>
      %dma_wait3A_635 = arith.constant 0 : i32
      %dma_wait3A_636 = arith.constant 0 : i32
      %dma_wait3A_637 = tpu.memref_slice %arg7[%dma_wait3A_635, %dma_wait3A_636] : memref<64x1000000xf32, #tpu.memory_space<hbm>> -> memref<64x128xf32, #tpu.memory_space<hbm>>
      %dma_wait3A_638 = arith.constant 0 : i32
      %dma_wait3A_639 = arith.constant 0 : i32
      %dma_wait3A_640 = tpu.memref_slice %arg12[%dma_wait3A_630, %dma_wait3A_638, %dma_wait3A_639] : memref<8x64x128xf32, #tpu.memory_space<vmem>> -> memref<1x64x128xf32, #tpu.memory_space<vmem>>
      %dma_wait3A_641 = tpu.memref_squeeze %dma_wait3A_640 : memref<1x64x128xf32, #tpu.memory_space<vmem>> -> memref<64x128xf32, #tpu.memory_space<vmem>>
      %dma_wait3A_642 = arith.constant 0 : i32
      %dma_wait3A_643 = arith.constant 0 : i32
      %dma_wait3A_644 = tpu.memref_slice %arg7[%dma_wait3A_642, %dma_wait3A_643] : memref<64x1000000xf32, #tpu.memory_space<hbm>> -> memref<64x128xf32, #tpu.memory_space<hbm>>
      tpu.wait_dma2 semaphore(%arg14 : memref<!tpu.dma_semaphore, #tpu.memory_space<semaphore_mem>>) src(%dma_wait3A_644 : memref<64x128xf32, #tpu.memory_space<hbm>>) dst(%dma_wait3A_641 : memref<64x128xf32, #tpu.memory_space<vmem>>)
      %mul3A_645 = arith.constant 8 : i32
      %mul3A_646 = arith.muli %scan3A_18, %mul3A_645 : i32
      %add3A_647 = arith.constant 6 : i32
      %add3A_648 = arith.addi %mul3A_646, %add3A_647 : i32
      %broadcast_in_dim3A_649 = vector.broadcast %add3A_648 : i32 to vector<16xi32>
      %gather3A_650 = tpu.vector_load_idx %arg11[%broadcast_in_dim3A_649] : memref<512xi32, #tpu.memory_space<vmem>>[vector<16xi32>], vector<16xi32>,
      %broadcast_in_dim3A_651 = arith.constant 6 : i32
      %broadcast_in_dim3A_652 = vector.broadcast %broadcast_in_dim3A_651 : i32 to vector<16xi32>
      %add3A_653 = arith.constant 0 : i32
      %add3A_654 = vector.broadcast %add3A_653 : i32 to vector<16xi32>
      %add3A_655 = arith.addi %iota3A, %add3A_654 : vector<16xi32>
      %gather3A_656 = tpu.vector_load_idx %arg12[%broadcast_in_dim3A_652, %add3A_655, %gather3A_650] : memref<8x64x128xf32, #tpu.memory_space<vmem>>[vector<16xi32>, vector<16xi32>, vector<16xi32>], vector<16xf32>,
      %mul3A_657 = arith.constant 64 : i32
      %mul3A_658 = arith.muli %add3A_648, %mul3A_657 : i32
      %add3A_659 = arith.constant 0 : i32
      %add3A_660 = arith.addi %mul3A_658, %add3A_659 : i32
      %swap3A_661 = arith.index_cast %add3A_660 : i32 to index
      %swap3A_662 = tpu.vector_load %arg13[%swap3A_661] {strides = array<i32>} : memref<32768xf32, #tpu.memory_space<vmem>>, vector<16xf32>,
      tpu.vector_store %arg13[%swap3A_661], %gather3A_656 {strides = array<i32>} : memref<32768xf32, #tpu.memory_space<vmem>>, vector<16xf32>,
      %add3A_663 = arith.constant 16 : i32
      %add3A_664 = vector.broadcast %add3A_663 : i32 to vector<16xi32>
      %add3A_665 = arith.addi %iota3A, %add3A_664 : vector<16xi32>
      %gather3A_666 = tpu.vector_load_idx %arg12[%broadcast_in_dim3A_652, %add3A_665, %gather3A_650] : memref<8x64x128xf32, #tpu.memory_space<vmem>>[vector<16xi32>, vector<16xi32>, vector<16xi32>], vector<16xf32>,
      %mul3A_667 = arith.constant 64 : i32
      %mul3A_668 = arith.muli %add3A_648, %mul3A_667 : i32
      %add3A_669 = arith.constant 16 : i32
      %add3A_670 = arith.addi %mul3A_668, %add3A_669 : i32
      %swap3A_671 = arith.index_cast %add3A_670 : i32 to index
      %swap3A_672 = tpu.vector_load %arg13[%swap3A_671] {strides = array<i32>} : memref<32768xf32, #tpu.memory_space<vmem>>, vector<16xf32>,
      tpu.vector_store %arg13[%swap3A_671], %gather3A_666 {strides = array<i32>} : memref<32768xf32, #tpu.memory_space<vmem>>, vector<16xf32>,
      %add3A_673 = arith.constant 32 : i32
      %add3A_674 = vector.broadcast %add3A_673 : i32 to vector<16xi32>
      %add3A_675 = arith.addi %iota3A, %add3A_674 : vector<16xi32>
      %gather3A_676 = tpu.vector_load_idx %arg12[%broadcast_in_dim3A_652, %add3A_675, %gather3A_650] : memref<8x64x128xf32, #tpu.memory_space<vmem>>[vector<16xi32>, vector<16xi32>, vector<16xi32>], vector<16xf32>,
      %mul3A_677 = arith.constant 64 : i32
      %mul3A_678 = arith.muli %add3A_648, %mul3A_677 : i32
      %add3A_679 = arith.constant 32 : i32
      %add3A_680 = arith.addi %mul3A_678, %add3A_679 : i32
      %swap3A_681 = arith.index_cast %add3A_680 : i32 to index
      %swap3A_682 = tpu.vector_load %arg13[%swap3A_681] {strides = array<i32>} : memref<32768xf32, #tpu.memory_space<vmem>>, vector<16xf32>,
      tpu.vector_store %arg13[%swap3A_681], %gather3A_676 {strides = array<i32>} : memref<32768xf32, #tpu.memory_space<vmem>>, vector<16xf32>,
      %add3A_683 = arith.constant 48 : i32
      %add3A_684 = vector.broadcast %add3A_683 : i32 to vector<16xi32>
      %add3A_685 = arith.addi %iota3A, %add3A_684 : vector<16xi32>
      %gather3A_686 = tpu.vector_load_idx %arg12[%broadcast_in_dim3A_652, %add3A_685, %gather3A_650] : memref<8x64x128xf32, #tpu.memory_space<vmem>>[vector<16xi32>, vector<16xi32>, vector<16xi32>], vector<16xf32>,
      %mul3A_687 = arith.constant 64 : i32
      %mul3A_688 = arith.muli %add3A_648, %mul3A_687 : i32
      %add3A_689 = arith.constant 48 : i32
      %add3A_690 = arith.addi %mul3A_688, %add3A_689 : i32
      %swap3A_691 = arith.index_cast %add3A_690 : i32 to index
      %swap3A_692 = tpu.vector_load %arg13[%swap3A_691] {strides = array<i32>} : memref<32768xf32, #tpu.memory_space<vmem>>, vector<16xf32>,
      tpu.vector_store %arg13[%swap3A_691], %gather3A_686 {strides = array<i32>} : memref<32768xf32, #tpu.memory_space<vmem>>, vector<16xf32>,
      %dma_wait3A_693 = arith.constant 7 : i32
      %dma_wait3A_694 = arith.constant 0 : i32
      %dma_wait3A_695 = arith.constant 0 : i32
      %dma_wait3A_696 = tpu.memref_slice %arg12[%dma_wait3A_693, %dma_wait3A_694, %dma_wait3A_695] : memref<8x64x128xf32, #tpu.memory_space<vmem>> -> memref<1x64x128xf32, #tpu.memory_space<vmem>>
      %dma_wait3A_697 = tpu.memref_squeeze %dma_wait3A_696 : memref<1x64x128xf32, #tpu.memory_space<vmem>> -> memref<64x128xf32, #tpu.memory_space<vmem>>
      %dma_wait3A_698 = arith.constant 0 : i32
      %dma_wait3A_699 = arith.constant 0 : i32
      %dma_wait3A_700 = tpu.memref_slice %arg7[%dma_wait3A_698, %dma_wait3A_699] : memref<64x1000000xf32, #tpu.memory_space<hbm>> -> memref<64x128xf32, #tpu.memory_space<hbm>>
      %dma_wait3A_701 = arith.constant 0 : i32
      %dma_wait3A_702 = arith.constant 0 : i32
      %dma_wait3A_703 = tpu.memref_slice %arg12[%dma_wait3A_693, %dma_wait3A_701, %dma_wait3A_702] : memref<8x64x128xf32, #tpu.memory_space<vmem>> -> memref<1x64x128xf32, #tpu.memory_space<vmem>>
      %dma_wait3A_704 = tpu.memref_squeeze %dma_wait3A_703 : memref<1x64x128xf32, #tpu.memory_space<vmem>> -> memref<64x128xf32, #tpu.memory_space<vmem>>
      %dma_wait3A_705 = arith.constant 0 : i32
      %dma_wait3A_706 = arith.constant 0 : i32
      %dma_wait3A_707 = tpu.memref_slice %arg7[%dma_wait3A_705, %dma_wait3A_706] : memref<64x1000000xf32, #tpu.memory_space<hbm>> -> memref<64x128xf32, #tpu.memory_space<hbm>>
      tpu.wait_dma2 semaphore(%arg14 : memref<!tpu.dma_semaphore, #tpu.memory_space<semaphore_mem>>) src(%dma_wait3A_707 : memref<64x128xf32, #tpu.memory_space<hbm>>) dst(%dma_wait3A_704 : memref<64x128xf32, #tpu.memory_space<vmem>>)
      %mul3A_708 = arith.constant 8 : i32
      %mul3A_709 = arith.muli %scan3A_18, %mul3A_708 : i32
      %add3A_710 = arith.constant 7 : i32
      %add3A_711 = arith.addi %mul3A_709, %add3A_710 : i32
      %broadcast_in_dim3A_712 = vector.broadcast %add3A_711 : i32 to vector<16xi32>
      %gather3A_713 = tpu.vector_load_idx %arg11[%broadcast_in_dim3A_712] : memref<512xi32, #tpu.memory_space<vmem>>[vector<16xi32>], vector<16xi32>,
      %broadcast_in_dim3A_714 = arith.constant 7 : i32
      %broadcast_in_dim3A_715 = vector.broadcast %broadcast_in_dim3A_714 : i32 to vector<16xi32>
      %add3A_716 = arith.constant 0 : i32
      %add3A_717 = vector.broadcast %add3A_716 : i32 to vector<16xi32>
      %add3A_718 = arith.addi %iota3A, %add3A_717 : vector<16xi32>
      %gather3A_719 = tpu.vector_load_idx %arg12[%broadcast_in_dim3A_715, %add3A_718, %gather3A_713] : memref<8x64x128xf32, #tpu.memory_space<vmem>>[vector<16xi32>, vector<16xi32>, vector<16xi32>], vector<16xf32>,
      %mul3A_720 = arith.constant 64 : i32
      %mul3A_721 = arith.muli %add3A_711, %mul3A_720 : i32
      %add3A_722 = arith.constant 0 : i32
      %add3A_723 = arith.addi %mul3A_721, %add3A_722 : i32
      %swap3A_724 = arith.index_cast %add3A_723 : i32 to index
      %swap3A_725 = tpu.vector_load %arg13[%swap3A_724] {strides = array<i32>} : memref<32768xf32, #tpu.memory_space<vmem>>, vector<16xf32>,
      tpu.vector_store %arg13[%swap3A_724], %gather3A_719 {strides = array<i32>} : memref<32768xf32, #tpu.memory_space<vmem>>, vector<16xf32>,
      %add3A_726 = arith.constant 16 : i32
      %add3A_727 = vector.broadcast %add3A_726 : i32 to vector<16xi32>
      %add3A_728 = arith.addi %iota3A, %add3A_727 : vector<16xi32>
      %gather3A_729 = tpu.vector_load_idx %arg12[%broadcast_in_dim3A_715, %add3A_728, %gather3A_713] : memref<8x64x128xf32, #tpu.memory_space<vmem>>[vector<16xi32>, vector<16xi32>, vector<16xi32>], vector<16xf32>,
      %mul3A_730 = arith.constant 64 : i32
      %mul3A_731 = arith.muli %add3A_711, %mul3A_730 : i32
      %add3A_732 = arith.constant 16 : i32
      %add3A_733 = arith.addi %mul3A_731, %add3A_732 : i32
      %swap3A_734 = arith.index_cast %add3A_733 : i32 to index
      %swap3A_735 = tpu.vector_load %arg13[%swap3A_734] {strides = array<i32>} : memref<32768xf32, #tpu.memory_space<vmem>>, vector<16xf32>,
      tpu.vector_store %arg13[%swap3A_734], %gather3A_729 {strides = array<i32>} : memref<32768xf32, #tpu.memory_space<vmem>>, vector<16xf32>,
      %add3A_736 = arith.constant 32 : i32
      %add3A_737 = vector.broadcast %add3A_736 : i32 to vector<16xi32>
      %add3A_738 = arith.addi %iota3A, %add3A_737 : vector<16xi32>
      %gather3A_739 = tpu.vector_load_idx %arg12[%broadcast_in_dim3A_715, %add3A_738, %gather3A_713] : memref<8x64x128xf32, #tpu.memory_space<vmem>>[vector<16xi32>, vector<16xi32>, vector<16xi32>], vector<16xf32>,
      %mul3A_740 = arith.constant 64 : i32
      %mul3A_741 = arith.muli %add3A_711, %mul3A_740 : i32
      %add3A_742 = arith.constant 32 : i32
      %add3A_743 = arith.addi %mul3A_741, %add3A_742 : i32
      %swap3A_744 = arith.index_cast %add3A_743 : i32 to index
      %swap3A_745 = tpu.vector_load %arg13[%swap3A_744] {strides = array<i32>} : memref<32768xf32, #tpu.memory_space<vmem>>, vector<16xf32>,
      tpu.vector_store %arg13[%swap3A_744], %gather3A_739 {strides = array<i32>} : memref<32768xf32, #tpu.memory_space<vmem>>, vector<16xf32>,
      %add3A_746 = arith.constant 48 : i32
      %add3A_747 = vector.broadcast %add3A_746 : i32 to vector<16xi32>
      %add3A_748 = arith.addi %iota3A, %add3A_747 : vector<16xi32>
      %gather3A_749 = tpu.vector_load_idx %arg12[%broadcast_in_dim3A_715, %add3A_748, %gather3A_713] : memref<8x64x128xf32, #tpu.memory_space<vmem>>[vector<16xi32>, vector<16xi32>, vector<16xi32>], vector<16xf32>,
      %mul3A_750 = arith.constant 64 : i32
      %mul3A_751 = arith.muli %add3A_711, %mul3A_750 : i32
      %add3A_752 = arith.constant 48 : i32
      %add3A_753 = arith.addi %mul3A_751, %add3A_752 : i32
      %swap3A_754 = arith.index_cast %add3A_753 : i32 to index
      %swap3A_755 = tpu.vector_load %arg13[%swap3A_754] {strides = array<i32>} : memref<32768xf32, #tpu.memory_space<vmem>>, vector<16xf32>,
      tpu.vector_store %arg13[%swap3A_754], %gather3A_749 {strides = array<i32>} : memref<32768xf32, #tpu.memory_space<vmem>>, vector<16xf32>,
    }
    %scan3A_15 = arith.constant 64 : i32
    %mul3A_16 = arith.constant 64 : i32
    %mul3A_17 = arith.muli %mul3A_2, %mul3A_16 : i32
    "tpu.region"() ({
      %run_scoped3A = tpu.sem_alloc : memref<!tpu.dma_semaphore, #tpu.memory_space<semaphore_mem>>
      %dma_start3A = tpu.memref_slice %arg9[%mul3A_17] : memref<1048576xf32, #tpu.memory_space<hbm>> -> memref<32768xf32, #tpu.memory_space<hbm>>
      %dma_start3A_18 = tpu.memref_slice %arg9[%mul3A_17] : memref<1048576xf32, #tpu.memory_space<hbm>> -> memref<32768xf32, #tpu.memory_space<hbm>>
      tpu.enqueue_dma source(%arg13 : memref<32768xf32, #tpu.memory_space<vmem>>) target(%dma_start3A_18 : memref<32768xf32, #tpu.memory_space<hbm>>) target_semaphore(%run_scoped3A : memref<!tpu.dma_semaphore, #tpu.memory_space<semaphore_mem>>)
      %dma_wait3A = tpu.memref_slice %arg9[%mul3A_17] : memref<1048576xf32, #tpu.memory_space<hbm>> -> memref<32768xf32, #tpu.memory_space<hbm>>
      %dma_wait3A_19 = tpu.memref_slice %arg9[%mul3A_17] : memref<1048576xf32, #tpu.memory_space<hbm>> -> memref<32768xf32, #tpu.memory_space<hbm>>
      tpu.wait_dma2 semaphore(%run_scoped3A : memref<!tpu.dma_semaphore, #tpu.memory_space<semaphore_mem>>) src(%arg13 : memref<32768xf32, #tpu.memory_space<vmem>>) dst(%dma_wait3A_19 : memref<32768xf32, #tpu.memory_space<hbm>>)
      tpu.yield
    }) : () -> ()
    return
  }
}

module attributes {stable_mosaic.version = 14 : i64} {
  func.func @_mlp_body(%arg0: i32, %arg1: memref<1024x64xf32, #tpu.memory_space<vmem>>, %arg2: memref<1024x64xf32, #tpu.memory_space<vmem>>, %arg3: memref<64x1024xbf16, #tpu.memory_space<vmem>>, %arg4: memref<64x1024xbf16, #tpu.memory_space<vmem>>, %arg5: memref<1x1024xf32, #tpu.memory_space<vmem>>, %arg6: memref<1024x512xbf16, #tpu.memory_space<vmem>>, %arg7: memref<1x512xf32, #tpu.memory_space<vmem>>, %arg8: memref<512x256xbf16, #tpu.memory_space<vmem>>, %arg9: memref<1x256xf32, #tpu.memory_space<vmem>>, %arg10: memref<256x128xbf16, #tpu.memory_space<vmem>>, %arg11: memref<1x128xf32, #tpu.memory_space<vmem>>, %arg12: memref<1024x128xf32, #tpu.memory_space<vmem>>) attributes {dimension_semantics = [#tpu.dimension_semantics<arbitrary>], iteration_bounds = array<i64: 16>, scalar_prefetch = 0 : i64, scratch_operands = 0 : i64, tpu.core_type = #tpu.core_type<tc>, window_params = [{transform_indices = @transform_0, window_bounds = array<i64: 1024, 64>}, {transform_indices = @transform_1, window_bounds = array<i64: 1024, 64>}, {pipeline_mode = #tpu.pipeline_mode<synchronous>, transform_indices = @transform_2, window_bounds = array<i64: 64, 1024>}, {pipeline_mode = #tpu.pipeline_mode<synchronous>, transform_indices = @transform_3, window_bounds = array<i64: 64, 1024>}, {pipeline_mode = #tpu.pipeline_mode<synchronous>, transform_indices = @transform_4, window_bounds = array<i64: 1, 1024>}, {pipeline_mode = #tpu.pipeline_mode<synchronous>, transform_indices = @transform_5, window_bounds = array<i64: 1024, 512>}, {pipeline_mode = #tpu.pipeline_mode<synchronous>, transform_indices = @transform_6, window_bounds = array<i64: 1, 512>}, {pipeline_mode = #tpu.pipeline_mode<synchronous>, transform_indices = @transform_7, window_bounds = array<i64: 512, 256>}, {pipeline_mode = #tpu.pipeline_mode<synchronous>, transform_indices = @transform_8, window_bounds = array<i64: 1, 256>}, {pipeline_mode = #tpu.pipeline_mode<synchronous>, transform_indices = @transform_9, window_bounds = array<i64: 256, 128>}, {pipeline_mode = #tpu.pipeline_mode<synchronous>, transform_indices = @transform_10, window_bounds = array<i64: 1, 128>}, {transform_indices = @transform_11, window_bounds = array<i64: 1024, 128>}]} {
    %get3A = arith.constant 0 : index
    %get3A_0 = arith.constant 0 : index
    %get3A_1 = vector.load %arg1[%get3A, %get3A_0] : memref<1024x64xf32, #tpu.memory_space<vmem>>, vector<1024x64xf32>
    %convert_element_type3A = arith.truncf %get3A_1 : vector<1024x64xf32> to vector<1024x64xbf16>
    %get3A_2 = arith.constant 0 : index
    %get3A_3 = arith.constant 0 : index
    %get3A_4 = vector.load %arg3[%get3A_2, %get3A_3] : memref<64x1024xbf16, #tpu.memory_space<vmem>>, vector<64x1024xbf16>
    %dot_general3A = arith.constant dense<0.000000e+00> : vector<1024x1024xf32>
    %dot_general3A_5 = tpu.matmul %convert_element_type3A, %get3A_4, %dot_general3A {dimension_numbers = #tpu.dot_dimension_numbers<[1], [0], [0], [1], [0, 0, 1, 1], [], []>, transpose_lhs_hint = false} : vector<1024x64xbf16>, vector<64x1024xbf16>, vector<1024x1024xf32> -> vector<1024x1024xf32>
    %get3A_6 = arith.constant 0 : index
    %get3A_7 = arith.constant 0 : index
    %get3A_8 = vector.load %arg2[%get3A_6, %get3A_7] : memref<1024x64xf32, #tpu.memory_space<vmem>>, vector<1024x64xf32>
    %convert_element_type3A_9 = arith.truncf %get3A_8 : vector<1024x64xf32> to vector<1024x64xbf16>
    %get3A_10 = arith.constant 0 : index
    %get3A_11 = arith.constant 0 : index
    %get3A_12 = vector.load %arg4[%get3A_10, %get3A_11] : memref<64x1024xbf16, #tpu.memory_space<vmem>>, vector<64x1024xbf16>
    %dot_general3A_13 = arith.constant dense<0.000000e+00> : vector<1024x1024xf32>
    %dot_general3A_14 = tpu.matmul %convert_element_type3A_9, %get3A_12, %dot_general3A_13 {dimension_numbers = #tpu.dot_dimension_numbers<[1], [0], [0], [1], [0, 0, 1, 1], [], []>, transpose_lhs_hint = false} : vector<1024x64xbf16>, vector<64x1024xbf16>, vector<1024x1024xf32> -> vector<1024x1024xf32>
    %add3A = arith.addf %dot_general3A_5, %dot_general3A_14 : vector<1024x1024xf32>
    %get3A_15 = arith.constant 0 : index
    %get3A_16 = arith.constant 0 : index
    %get3A_17 = vector.load %arg5[%get3A_15, %get3A_16] : memref<1x1024xf32, #tpu.memory_space<vmem>>, vector<1x1024xf32>
    %add3A_18 = vector.broadcast %get3A_17 : vector<1x1024xf32> to vector<1024x1024xf32>
    %add3A_19 = arith.addf %add3A, %add3A_18 : vector<1024x1024xf32>
    %max3A = arith.constant 0.000000e+00 : f32
    %max3A_20 = vector.broadcast %max3A : f32 to vector<1024x1024xf32>
    %max3A_21 = arith.maximumf %add3A_19, %max3A_20 : vector<1024x1024xf32>
    %convert_element_type3A_22 = arith.truncf %max3A_21 : vector<1024x1024xf32> to vector<1024x1024xbf16>
    %get3A_23 = arith.constant 0 : index
    %get3A_24 = arith.constant 0 : index
    %get3A_25 = vector.load %arg6[%get3A_23, %get3A_24] : memref<1024x512xbf16, #tpu.memory_space<vmem>>, vector<1024x512xbf16>
    %dot_general3A_26 = arith.constant dense<0.000000e+00> : vector<1024x512xf32>
    %dot_general3A_27 = tpu.matmul %convert_element_type3A_22, %get3A_25, %dot_general3A_26 {dimension_numbers = #tpu.dot_dimension_numbers<[1], [0], [0], [1], [0, 0, 1, 1], [], []>, transpose_lhs_hint = false} : vector<1024x1024xbf16>, vector<1024x512xbf16>, vector<1024x512xf32> -> vector<1024x512xf32>
    %get3A_28 = arith.constant 0 : index
    %get3A_29 = arith.constant 0 : index
    %get3A_30 = vector.load %arg7[%get3A_28, %get3A_29] : memref<1x512xf32, #tpu.memory_space<vmem>>, vector<1x512xf32>
    %add3A_31 = vector.broadcast %get3A_30 : vector<1x512xf32> to vector<1024x512xf32>
    %add3A_32 = arith.addf %dot_general3A_27, %add3A_31 : vector<1024x512xf32>
    %max3A_33 = arith.constant 0.000000e+00 : f32
    %max3A_34 = vector.broadcast %max3A_33 : f32 to vector<1024x512xf32>
    %max3A_35 = arith.maximumf %add3A_32, %max3A_34 : vector<1024x512xf32>
    %convert_element_type3A_36 = arith.truncf %max3A_35 : vector<1024x512xf32> to vector<1024x512xbf16>
    %get3A_37 = arith.constant 0 : index
    %get3A_38 = arith.constant 0 : index
    %get3A_39 = vector.load %arg8[%get3A_37, %get3A_38] : memref<512x256xbf16, #tpu.memory_space<vmem>>, vector<512x256xbf16>
    %dot_general3A_40 = arith.constant dense<0.000000e+00> : vector<1024x256xf32>
    %dot_general3A_41 = tpu.matmul %convert_element_type3A_36, %get3A_39, %dot_general3A_40 {dimension_numbers = #tpu.dot_dimension_numbers<[1], [0], [0], [1], [0, 0, 1, 1], [], []>, transpose_lhs_hint = false} : vector<1024x512xbf16>, vector<512x256xbf16>, vector<1024x256xf32> -> vector<1024x256xf32>
    %get3A_42 = arith.constant 0 : index
    %get3A_43 = arith.constant 0 : index
    %get3A_44 = vector.load %arg9[%get3A_42, %get3A_43] : memref<1x256xf32, #tpu.memory_space<vmem>>, vector<1x256xf32>
    %add3A_45 = vector.broadcast %get3A_44 : vector<1x256xf32> to vector<1024x256xf32>
    %add3A_46 = arith.addf %dot_general3A_41, %add3A_45 : vector<1024x256xf32>
    %max3A_47 = arith.constant 0.000000e+00 : f32
    %max3A_48 = vector.broadcast %max3A_47 : f32 to vector<1024x256xf32>
    %max3A_49 = arith.maximumf %add3A_46, %max3A_48 : vector<1024x256xf32>
    %convert_element_type3A_50 = arith.truncf %max3A_49 : vector<1024x256xf32> to vector<1024x256xbf16>
    %get3A_51 = arith.constant 0 : index
    %get3A_52 = arith.constant 0 : index
    %get3A_53 = vector.load %arg10[%get3A_51, %get3A_52] : memref<256x128xbf16, #tpu.memory_space<vmem>>, vector<256x128xbf16>
    %dot_general3A_54 = arith.constant dense<0.000000e+00> : vector<1024x128xf32>
    %dot_general3A_55 = tpu.matmul %convert_element_type3A_50, %get3A_53, %dot_general3A_54 {dimension_numbers = #tpu.dot_dimension_numbers<[1], [0], [0], [1], [0, 0, 1, 1], [], []>, transpose_lhs_hint = false} : vector<1024x256xbf16>, vector<256x128xbf16>, vector<1024x128xf32> -> vector<1024x128xf32>
    %get3A_56 = arith.constant 0 : index
    %get3A_57 = arith.constant 0 : index
    %get3A_58 = vector.load %arg11[%get3A_56, %get3A_57] : memref<1x128xf32, #tpu.memory_space<vmem>>, vector<1x128xf32>
    %add3A_59 = vector.broadcast %get3A_58 : vector<1x128xf32> to vector<1024x128xf32>
    %add3A_60 = arith.addf %dot_general3A_55, %add3A_59 : vector<1024x128xf32>
    %max3A_61 = arith.constant 0.000000e+00 : f32
    %max3A_62 = vector.broadcast %max3A_61 : f32 to vector<1024x128xf32>
    %max3A_63 = arith.maximumf %add3A_60, %max3A_62 : vector<1024x128xf32>
    %swap3A = arith.constant 0 : index
    %swap3A_64 = arith.constant 0 : index
    %swap3A_65 = vector.load %arg12[%swap3A, %swap3A_64] : memref<1024x128xf32, #tpu.memory_space<vmem>>, vector<1024x128xf32>
    tpu.vector_store %arg12[%swap3A, %swap3A_64], %max3A_63 {strides = array<i32>} : memref<1024x128xf32, #tpu.memory_space<vmem>>, vector<1024x128xf32>,
    return
  }
  func.func @transform_0(%arg0: i32) -> (i32, i32) {
    %c0_i32 = arith.constant 0 : i32
    %c0_i32_0 = arith.constant 0 : i32
    return %arg0, %c0_i32 : i32, i32
  }
  func.func @transform_1(%arg0: i32) -> (i32, i32) {
    %c0_i32 = arith.constant 0 : i32
    %c0_i32_0 = arith.constant 0 : i32
    return %arg0, %c0_i32 : i32, i32
  }
  func.func @transform_2(%arg0: i32) -> (i32, i32) {
    %c0_i32 = arith.constant 0 : i32
    %c0_i32_0 = arith.constant 0 : i32
    %c0_i32_1 = arith.constant 0 : i32
    return %c0_i32, %c0_i32_0 : i32, i32
  }
  func.func @transform_3(%arg0: i32) -> (i32, i32) {
    %c0_i32 = arith.constant 0 : i32
    %c0_i32_0 = arith.constant 0 : i32
    %c0_i32_1 = arith.constant 0 : i32
    return %c0_i32, %c0_i32_0 : i32, i32
  }
  func.func @transform_4(%arg0: i32) -> (i32, i32) {
    %c0_i32 = arith.constant 0 : i32
    %c0_i32_0 = arith.constant 0 : i32
    %c0_i32_1 = arith.constant 0 : i32
    return %c0_i32, %c0_i32_0 : i32, i32
  }
  func.func @transform_5(%arg0: i32) -> (i32, i32) {
    %c0_i32 = arith.constant 0 : i32
    %c0_i32_0 = arith.constant 0 : i32
    %c0_i32_1 = arith.constant 0 : i32
    return %c0_i32, %c0_i32_0 : i32, i32
  }
  func.func @transform_6(%arg0: i32) -> (i32, i32) {
    %c0_i32 = arith.constant 0 : i32
    %c0_i32_0 = arith.constant 0 : i32
    %c0_i32_1 = arith.constant 0 : i32
    return %c0_i32, %c0_i32_0 : i32, i32
  }
  func.func @transform_7(%arg0: i32) -> (i32, i32) {
    %c0_i32 = arith.constant 0 : i32
    %c0_i32_0 = arith.constant 0 : i32
    %c0_i32_1 = arith.constant 0 : i32
    return %c0_i32, %c0_i32_0 : i32, i32
  }
  func.func @transform_8(%arg0: i32) -> (i32, i32) {
    %c0_i32 = arith.constant 0 : i32
    %c0_i32_0 = arith.constant 0 : i32
    %c0_i32_1 = arith.constant 0 : i32
    return %c0_i32, %c0_i32_0 : i32, i32
  }
  func.func @transform_9(%arg0: i32) -> (i32, i32) {
    %c0_i32 = arith.constant 0 : i32
    %c0_i32_0 = arith.constant 0 : i32
    %c0_i32_1 = arith.constant 0 : i32
    return %c0_i32, %c0_i32_0 : i32, i32
  }
  func.func @transform_10(%arg0: i32) -> (i32, i32) {
    %c0_i32 = arith.constant 0 : i32
    %c0_i32_0 = arith.constant 0 : i32
    %c0_i32_1 = arith.constant 0 : i32
    return %c0_i32, %c0_i32_0 : i32, i32
  }
  func.func @transform_11(%arg0: i32) -> (i32, i32) {
    %c0_i32 = arith.constant 0 : i32
    %c0_i32_0 = arith.constant 0 : i32
    return %arg0, %c0_i32 : i32, i32
  }
}

</mosaic_0001>

<sc_bundles>
// kernel: kernel.4.cloned.1.call-start
scs
__scs_entry_jumppad:
0x0: {  	(pc) =	sbr.rel $0x88, $3  }
0x1: {  	(tag) =	ssettag $0x0;
	lr =	simm.s32 $0x1  }
0x2: {  	[smem:$0x3F95] =	sst lr;
	_ =	strace $0xD0000000  }
0x3: {  	_ = 	snop  }
0x4: {  	_ = 	snop  }
0x5: {  	_ = 	snop  }
0x6: {  	_ = 	snop  }
0x7: {  	_ = 	snop  }
__scs_overlays_trampoline_lowered:
0x8: {  	[smem:$0x3FA4] =	sst s0  }
0x9: {  	[smem:$0x3FA5] =	sst s1  }
0xa: {  	[smem:$0x3FA6] =	sst s2  }
0xb: {  	[smem:$0x3FA7] =	sst s3  }
0xc: {  	[smem:$0x3FA8] =	sst s4  }
0xd: {  	[smem:$0x3FA9] =	sst s5  }
0xe: {  	[smem:$0x3FAA] =	sst s6  }
0xf: {  	[smem:$0x3FAB] =	sst s7  }
0x10: {  	[smem:$0x3FAC] =	sst s8  }
0x11: {  	[smem:$0x3FAD] =	sst s9;
	s0 =	simm.s32 @!p0 $0x0  }
0x12: {  	s1 =	sld [smem:$0x3F93];
	s0 =	simm.s32 @p0 $0x1  }
0x13: {  	[smem:$0x3FAE] =	sst s0;
	s0 =	simm.s32 @!p1 $0x0  }
0x14: {  	s2 =	sld [smem:$0x3F92];
	s0 =	simm.s32 @p1 $0x1  }
0x15: {  	[smem:$0x3FAF] =	sst s0;
	s0 =	simm.s32 @!p2 $0x0  }
0x16: {  	s3 =	sld [smem:$0x3FDB];
	s0 =	simm.s32 @p2 $0x1  }
0x17: {  	s4 =	simm.s32 $0x1BF5;
	[smem:$0x3FB1] =	sst s0  }
0x18: {  	s0 =	sld [smem:$0x3F94];
	_ =	swait.ge [sflag:s4], $0x0  }
0x19: {  	s7 =	sld [smem:$0x3F95]  }
0x1a: {  	s8 =	sadd.s32 $0xFFFFE003, lr  }
0x1b: {  	s9 =	sadd.s32 $0xFFFFFEF7, lr;
	s5 =	simm.s32 $0xFFFFFFFF;
	p2 =	slt.u32 s8, $0xFFFFF086  }
0x1c: {  	p1 =	slt.u32 s9, $0xF7A;
	s5 =	simm.s32 @!p2 $0x0  }
0x1d: {  	s5 =	simm.s32 @p1 $0x1;
	p0 =	seq.s32 s7, s2  }
0x1e: {  	s7 =	smul.u32 @!p0 $0xF7A, s2;
	p2 =	seq.s32 @!p0 s5, $0x0  }
0x1f: {  	s9 =	smul.u32 $0xF7A, s1;
	s8 =	simm.s32 @!p0 $0x1BF5;
	p2 =	por !p2, p0  }
0x20: {  	[sflag:s8] =	ssyncset.s32 @!p0 $0xFFFFF086;
	s6 =	sadd.s32 @!p0 s3, s7;
	s7 =	simm.s32 @!p0 $0x108  }
0x21: {  	s3 =	sadd.s32 s3, s9;
	s6 =	sadd.s32 @!p0 $0x88, s6;
	s7 =	simm.s32 @p2 $0x1082  }
0x22: {  	[simem:s7], [sflag:s8] =	dma.local @!p0 [hbm:s6], $0xF7A  }
0x23: {  	s9 =	sor.u32 $0xD0000000, s2;
	s6 =	simm.s32 $0x108;
	_ =	swait.ge @!p0 [sflag:s8], $0x0  }
0x24: {  	s3 =	sadd.s32 $0x88, s3;
	s6 =	simm.s32 @!p1 $0x1082;
	[sflag:s4] =	ssyncset.s32 $0xFFFFF086  }
0x25: {  	[simem:s6], [sflag:s4] =	dma.local [hbm:s3], $0xF7A  }
0x26: {  	[smem:$0x3F95] =	sst s1;
	(tag) =	ssettag s2;
	_ =	strace s9  }
0x27: {  	s1 =	sld [smem:$0x3FA5]  }
0x28: {  	s2 =	sld [smem:$0x3FA6]  }
0x29: {  	s4 =	sld [smem:$0x3FA8]  }
0x2a: {  	p0 =	seq.s32 s5, $0x0;
	s5 =	sld [smem:$0x3FA9]  }
0x2b: {  	s6 =	sld [smem:$0x3FAA]  }
0x2c: {  	s7 =	sld [smem:$0x3FAB]  }
0x2d: {  	s3 =	simm.s32 $0x108;
	s8 =	sld [smem:$0x3FAC]  }
0x2e: {  	s3 =	simm.s32 @!p0 $0x1082;
	s9 =	sld [smem:$0x3FAD]  }
0x2f: {  	lr =	sadd.s32 s0, s3;
	s0 =	sld [smem:$0x3FA4]  }
0x30: {  	s3 =	sld [smem:$0x3FA7]  }
0x31: {  	[smem:$0x3FB0] =	sst s10  }
0x32: {  	s10 =	sld [smem:$0x3FAE];
	_ =	sdelay $0x3  }
0x33: {  	p0 =	seq.s32 s10, $0x1;
	s10 =	sld [smem:$0x3FB0];
	_ =	sdelay $0x3  }
0x34: {  	[smem:$0x3FB0] =	sst s10  }
0x35: {  	s10 =	sld [smem:$0x3FAF];
	_ =	sdelay $0x3  }
0x36: {  	p1 =	seq.s32 s10, $0x1;
	s10 =	sld [smem:$0x3FB0];
	_ =	sdelay $0x3  }
0x37: {  	[smem:$0x3FB0] =	sst s10  }
0x38: {  	s10 =	sld [smem:$0x3FB1]  }
0x39: {  	_ = 	snop;
	(pc) =	sbr.ind lr, $3  }
0x3a: {  	_ = 	snop  }
0x3b: {  	_ = 	snop  }
0x3c: {  	p2 =	seq.s32 s10, $0x1;
	s10 =	sld [smem:$0x3FB0]  }
0x3d: {  	_ =	shalt  }
0x3e: {  	_ =	shalt  }
0x3f: {  	_ =	shalt  }
0x40: {  	_ =	shalt  }
0x41: {  	_ =	shalt  }
0x42: {  	_ =	shalt  }
0x43: {  	_ =	shalt  }
0x44: {  	_ =	shalt  }
0x45: {  	_ =	shalt  }
0x46: {  	_ =	shalt  }
0x47: {  	_ =	shalt  }
0x48: {  	_ =	shalt  }
0x49: {  	_ =	shalt  }
0x4a: {  	_ =	shalt  }
0x4b: {  	_ =	shalt  }
0x4c: {  	_ =	shalt  }
0x4d: {  	_ =	shalt  }
0x4e: {  	_ =	shalt  }
0x4f: {  	_ =	shalt  }
0x50: {  	_ =	shalt  }
0x51: {  	_ =	shalt  }
0x52: {  	_ =	shalt  }
0x53: {  	_ =	shalt  }
0x54: {  	_ =	shalt  }
0x55: {  	_ =	shalt  }
0x56: {  	_ =	shalt  }
0x57: {  	_ =	shalt  }
0x58: {  	_ =	shalt  }
0x59: {  	_ =	shalt  }
0x5a: {  	_ =	shalt  }
0x5b: {  	_ =	shalt  }
0x5c: {  	_ =	shalt  }
0x5d: {  	_ =	shalt  }
0x5e: {  	_ =	shalt  }
0x5f: {  	_ =	shalt  }
0x60: {  	_ =	shalt  }
0x61: {  	_ =	shalt  }
0x62: {  	_ =	shalt  }
0x63: {  	_ =	shalt  }
0x64: {  	_ =	shalt  }
0x65: {  	_ =	shalt  }
0x66: {  	_ =	shalt  }
0x67: {  	_ =	shalt  }
0x68: {  	_ =	shalt  }
0x69: {  	_ =	shalt  }
0x6a: {  	_ =	shalt  }
0x6b: {  	_ =	shalt  }
0x6c: {  	_ =	shalt  }
0x6d: {  	_ =	shalt  }
0x6e: {  	_ =	shalt  }
0x6f: {  	_ =	shalt  }
0x70: {  	_ =	shalt  }
0x71: {  	_ =	shalt  }
0x72: {  	_ =	shalt  }
0x73: {  	_ =	shalt  }
0x74: {  	_ =	shalt  }
0x75: {  	_ =	shalt  }
0x76: {  	_ =	shalt  }
0x77: {  	_ =	shalt  }
0x78: {  	_ =	shalt  }
0x79: {  	_ =	shalt  }
0x7a: {  	_ =	shalt  }
0x7b: {  	_ =	shalt  }
0x7c: {  	_ =	shalt  }
0x7d: {  	_ =	shalt  }
0x7e: {  	_ =	shalt  }
0x7f: {  	_ =	shalt  }
0x80: {  	_ =	shalt  }
0x81: {  	_ =	shalt  }
0x82: {  	_ =	shalt  }
0x83: {  	_ =	shalt  }
0x84: {  	_ =	shalt  }
0x85: {  	_ =	shalt  }
0x86: {  	_ =	shalt  }
0x87: {  	_ =	shalt  }
.Lfunc_end0:
.L_simem_size_0:
called_computation_lowered:
.L_overlay_start_0:
0x88: {  	s2 =	sld [smem:$0x3FD9]  }
0x89: {  	s3 =	sld [smem:$0x3FFE];
	_ =	sdelay $0x1  }
0x8a: {  	s1 =	srdreg.scid  }
0x8b: {  	s0 =	sand.u32 $0x1, s1  }
0x8c: {  	s17 =	sshll.u32 s0, $0xA;
	s2 =	sadd.s32 s3, s2  }
0x8d: {  	s2 =	sadd.s32 s2, s17  }
0x8e: {  	[smem:$0x3FBC] =	sst s2  }
0x8f: {  	_ = 	snop  }
0x90: {  	s2 =	sld [smem:$0x3FC7]  }
0x91: {  	s18 =	sld [smem:$0x3FC6]  }
0x92: {  	s4 =	sld [smem:$0x3FD0];
	(tm) =	ssettm $0x1  }
0x93: {  	s5 =	sld [smem:$0x3FFB];
	_ =	sdelay $0x3  }
0x94: {  	_ =	strace s5  }
0x95: {  	s5 =	sld [smem:$0x3FFC];
	_ =	sdelay $0x3  }
0x96: {  	_ =	strace s5  }
0x97: {  	s5 =	sld [smem:$0x3FFD];
	_ =	sdelay $0x3  }
0x98: {  	_ =	strace s5  }
0x99: {  	_ =	strace $0x8FFFFFFF  }
0x9a: {  	s19 =	sld [smem:$0x3FDB];
	_ =	sdelay $0x1  }
0x9b: {  	s6 =	simm.s32 $_scs_section_size  }
0x9c: {  	s7 =	simm.s32 $_size__tile_overlayer_lowered;
	s8 =	simm.s32 $_tile_overlayer_lowered  }
0x9d: {  	s22 =	simm.s32 $0x1BFF;
	s21 =	sshll.u32 s8, $0x1;
	s5 =	sadd.s32 s6, s19  }
0x9e: {  	s9 =	simm.s32 $0x0;
	s20 =	sshll.u32 s7, $0x1;
	s7 =	sadd.s32 s21, s5  }
0x9f: {  	[timem:s9], [sflag:s22] =	dma.local [hbm:s7], s20  }
0xa0: {  	_ =	swait.ge [sflag:s22], s20  }
0xa1: {  	s6 =	ssub.s32 $0x0, s20;
	[sflag:s22] =	ssyncset.done $0x0  }
0xa2: {  	[sflag:s22] =	ssyncadd.s32 s6;
	_ =	sdelay $0x1  }
0xa3: {  	s23 =	simm.s32 $0x1B8B  }
0xa4: {  	_ =	swait.ge [sflag:s23], $0x1  }
0xa5: {  	[sflag:s23] =	ssyncset.done $0x0  }
0xa6: {  	s25 =	simm.s32 $0x1B8E;
	s24 =	sld [smem:$0x3FFE];
	[sflag:s23] =	ssyncadd.s32 $0xFFFFFFFF  }
0xa7: {  	s26 =	simm.s32 $execute0_lowered;
	[smem:$0x3FD2] =	sst s25  }
0xa8: {  	s7 =	sshll.u32 s26, $0x1;
	_ =	strace $0x80000046;
	[dreg:$0x1] =	wrdreg $0xFFFFFFFF  }
0xa9: {  	s28 =	simm.s32 $_size_execute0_lowered;
	s5 =	sadd.s32 s5, s7;
	[dreg:$0x0] =	wrdreg $0x0  }
0xaa: {  	s7 =	sshll.u32 s28, $0x1;
	[dreg:$0x2] =	wrdreg s5  }
0xab: {  	[dreg:$0x3] =	wrdreg s7  }
0xac: {  	[dreg:$0x4] =	wrdreg $0xC0  }
0xad: {  	_ =	task [dreg:s9], $0x5FFFF  }
0xae: {  	[dreg:$0x1] =	wrdreg $0xFFFFFFFF  }
0xaf: {  	[dreg:$0x0] =	wrdreg $0x60  }
0xb0: {  	[dreg:$0x2] =	wrdreg s24  }
0xb1: {  	[dreg:$0x3] =	wrdreg s2  }
0xb2: {  	[dreg:$0x4] =	wrdreg s18  }
0xb3: {  	[dreg:$0x5] =	wrdreg s4  }
0xb4: {  	[dreg:$0x6] =	wrdreg $0x9  }
0xb5: {  	_ =	task.clear_ibuf [dreg:s9], $0x7FFFF;
	_ =	strace $0x90000046  }
0xb6: {  	s29 =	simm.s32 $0x9;
	_ =	strace $0x80000048  }
0xb7: {  	_ =	swait.ge [sflag:s29], $0x1  }
0xb8: {  	[sflag:s29] =	ssyncadd.s32 $0xFFFFFFFF  }
0xb9: {  	_ =	strace $0x90000048  }
0xba: {  	_ =	sfence  }
0xbb: {  	s30 =	sld [smem:$0x0];
	_ =	sdelay $0x2  }
0xbc: {  	s31 =	sshll.u32 s1, $0xD;
	s1 =	sshrl.u32 s1, $0x2  }
0xbd: {  	s3 =	sand.u32 $0x4000, s31;
	s1 =	sadd.s32 s1, s30  }
0xbe: {  	s0 =	sor.u32 s3, s0;
	s1 =	sshll.u32 s1, $0x11  }
0xbf: {  	s0 =	sor.u32 s1, s0  }
0xc0: {  	s0 =	sadd.s32 $0x8F2B, s0  }
0xc1: {  	[sflag:s0] =	ssyncadd.remote.s32 $0x1  }
0xc2: {  	_ =	sfence.sel $0xFFFF  }
0xc3: {  	[dreg:$0x0] =	wrdreg $0xFFFFFFFF;
	(pc) =	sbr.abs _section_cstart, $3  }
0xc4: {  	[dreg:$0x1] =	wrdreg $0xFFFFFFFF  }
0xc5: {  	_ =	task.clear_ibuf [dreg:s9], $0x2FFFF;
	_ =	strace $0x9FFFFFFF  }
0xc6: {  	(tm) =	ssettm $0x7FFFFFFF  }
0xc7: {  	_ =	shalt  }
tec
execute0_lowered:
.L_overlay_start_1:
0x0: {  	(tag) =	ssettag $0x1  }
0x1: {  	s5 =	rddreg [dreg:$0x0]  }
0x2: {  	s1 =	rddreg [dreg:$0x1]  }
0x3: {  	s2 =	rddreg [dreg:$0x2]  }
0x4: {  	s7 =	rddreg [dreg:$0x3];
	v0 =	vlaneseq.u32  }
0x5: {  	s0 =	rddreg [dreg:$0x4];
	v0 =	vmul.u32 $0x80, v0  }
0x6: {  	s4 =	simm.s32 $0x0;
	s6 =	srdreg.scid;
	s3 =	stileid.u32  }
0x7: {  	s13 =	simm.s32 $0x7A1400;
	s14 =	simm.s32 $0x200;
	s15 =	simm.s32 $0x400;
	v1 =	vor.u32 $0x800, v0  }
0x8: {  	s16 =	simm.s32 $0x2400;
	s17 =	simm.s32 $0x4400;
	s18 =	simm.s32 $0x6400;
	v2 =	vor.u32 $0x1000, v0;
	v3 =	vor.u32 $0x1800, v0;
	v4 =	vor.u32 $0x2000, v0  }
0x9: {  	s19 =	simm.s32 $0x8400;
	s20 =	simm.s32 $0xA400;
	s21 =	simm.s32 $0xC400;
	v5 =	vor.u32 $0x2800, v0;
	v6 =	vor.u32 $0x3000, v0;
	v7 =	vor.u32 $0x3800, v0  }
0xa: {  	s22 =	simm.s32 $0xE400;
	s23 =	simm.s32 $0x1;
	s24 =	simm.s32 $0x10400;
	v8 =	vor.u32 $0x4000, v0;
	v9 =	vor.u32 $0x4800, v0;
	v10 =	vor.u32 $0x5000, v0  }
0xb: {  	[smem:$0x7FF] =	sst s4;
	s6 =	sand.u32 $0x1, s6;
	s8 =	sshll.u32 s3, $0x1;
	v11 =	vor.u32 $0x5800, v0;
	v12 =	vor.u32 $0x6000, v0;
	v13 =	vor.u32 $0x6800, v0  }
0xc: {  	s25 =	simm.s32 $0x0;
	_ =	strace $0x80000047;
	s8 =	sor.u32 s6, s8;
	v14 =	vor.u32 $0x7000, v0;
	v15 =	vor.u32 $0x7800, v0;
	v16 =	vor.u32 $0x8000, v0  }
0xd: {  	s6 =	ssub.s32 $0x2, s6;
	s9 =	sshll.u32 s8, $0x6;
	s8 =	sshll.u32 s8, $0xC;
	v17 =	vor.u32 $0x8800, v0;
	v18 =	vor.u32 $0x9000, v0;
	v19 =	vor.u32 $0x9800, v0  }
0xe: {  	s10 =	sshrl.u32 s6, $0x1;
	v20 =	vor.u32 $0xA000, v0;
	v21 =	vor.u32 $0xA800, v0;
	v22 =	vor.u32 $0xB000, v0;
	s9 =	sadd.s32 s9, s5;
	s11 =	sadd.s32 s8, s5  }
0xf: {  	v23 =	vor.u32 $0xB800, v0;
	v24 =	vor.u32 $0xC000, v0;
	v25 =	vor.u32 $0xC800, v0;
	s12 =	ssub.s32 s6, s10;
	s7 =	sadd.s32 s7, s8;
	s5 =	sadd.s32 $0x2E00, s9  }
0x10: {  	v26 =	vor.u32 $0xD000, v0;
	v27 =	vor.u32 $0xD800, v0;
	v28 =	vor.u32 $0xE000, v0;
	s6 =	sadd.s32 $0x3600, s9;
	s8 =	sadd.s32 $0x2600, s9;
	s9 =	sadd.s32 $0x1E00, s9  }
0x11: {  	v29 =	vor.u32 $0xE800, v0;
	v30 =	vor.u32 $0xF000, v0;
	v31 =	vor.u32 $0xF800, v0;
	s10 =	sadd.s32 $0x3E00, s11;
	s11 =	smax.u32 s12, $0x1;
	s12 =	simm.s32 $0x2  }
.LBB2_1:
0x12: {  	[tilespmem:s4], [sflag:$0x2] =	stream.linear.gather [hbm4b:s5+s4], $0x200, $0x38;
	[tilespmem:$0x18400] =	vst v63  }
0x13: {  	_ =	swait.ge [sflag:s12], $0x200  }
0x14: {  	[sflag:s12] =	ssyncset.done $0x0  }
0x15: {  	[sflag:s12] =	ssyncadd.s32 $0xFFFFFE00  }
0x16: {  	[tilespmem:s14], [sflag:$0x2] =	stream.linear.gather [hbm4b:s6+s4], $0x200, $0x38;
	[tilespmem:$0x18400] =	vst v63  }
0x17: {  	_ =	swait.ge [sflag:s12], $0x200  }
0x18: {  	s26 =	simm.s32 $0x7;
	[sflag:s12] =	ssyncset.done $0x0  }
0x19: {  	s28 =	simm.s32 $0x1C0;
	s29 =	simm.s32 $0x10500;
	[sflag:s12] =	ssyncadd.s32 $0xFFFFFE00  }
.LBB2_2:
0x1a: {  	s30 =	sadd.s32 $0xFFFFFFF9, s26  }
0x1b: {  	v32 =	vmov s30  }
0x1c: {  	v32 =	vand.u32 $0xFFFFFFF8, v32  }
0x1d: {  	v36 =	vbroadcast v32, $0x0;
	_ =	sdelay $0x5  }
0x1e: {  	v32 =	vld.idx.msk [tilespmem:v36+s4+$0x0], $0xffff;
	_ =	sdelay $0x4  }
0x1f: {  	v32 =	vxor.u32 $0x80000000, v32  }
0x20: {  	(xrf0) =	vmax.scan.msk.u32 $0xffff, v32;
	_ =	sdelay $0x5  }
0x21: {  	v32, _, _ =	vpop (xrf0)  }
0x22: {  	(v2sf) =	vpush v32, $0xF;
	_ =	sdelay $0xa  }
0x23: {  	s31 =	sadd.s32 $0xFFFFFFFA, s26  }
0x24: {  	v54 =	vmov s31  }
0x25: {  	v32 =	vand.u32 $0xFFFFFFF9, v54  }
0x26: {  	v37 =	vbroadcast v32, $0x0  }
0x27: {  	s31 =	spop (v2sf)  }
0x28: {  	s30 =	sshll.u32 s31, $0x7  }
0x29: {  	s30 =	sand.u32 $0x1FFFFF80, s30  }
0x2a: {  	s30 =	sadd.s32 s1, s30  }
0x2b: {  	[tilespmem:s15], [sflag:$0x1] =	stream.strided.gather [hbm4b:s30+s15], $0x2000, s13, s15, $0x38;
	[tilespmem:$0x18400] =	vst v63  }
0x2c: {  	v32 =	vld.idx.msk [tilespmem:v37+s4+$0x0], $0xffff;
	_ =	sdelay $0x4  }
0x2d: {  	v32 =	vxor.u32 $0x80000000, v32  }
0x2e: {  	(xrf0) =	vmax.scan.msk.u32 $0xffff, v32;
	_ =	sdelay $0x5  }
0x2f: {  	v32, _, _ =	vpop (xrf0)  }
0x30: {  	(v2sf) =	vpush v32, $0xF;
	_ =	sdelay $0xa  }
0x31: {  	s31 =	sadd.s32 $0xFFFFFFFB, s26  }
0x32: {  	v55 =	vmov s31  }
0x33: {  	v32 =	vand.u32 $0xFFFFFFFA, v55  }
0x34: {  	v38 =	vbroadcast v32, $0x0  }
0x35: {  	s31 =	spop (v2sf)  }
0x36: {  	s30 =	sshll.u32 s31, $0x7  }
0x37: {  	s30 =	sand.u32 $0x1FFFFF80, s30  }
0x38: {  	s30 =	sadd.s32 s1, s30  }
0x39: {  	[tilespmem:s16], [sflag:$0x1] =	stream.strided.gather [hbm4b:s30+s15], $0x2000, s13, s15, $0x38;
	[tilespmem:$0x18400] =	vst v63  }
0x3a: {  	v32 =	vld.idx.msk [tilespmem:v38+s4+$0x0], $0xffff;
	_ =	sdelay $0x4  }
0x3b: {  	v32 =	vxor.u32 $0x80000000, v32  }
0x3c: {  	(xrf0) =	vmax.scan.msk.u32 $0xffff, v32;
	_ =	sdelay $0x5  }
0x3d: {  	v32, _, _ =	vpop (xrf0)  }
0x3e: {  	(v2sf) =	vpush v32, $0xF;
	_ =	sdelay $0xa  }
0x3f: {  	s31 =	sadd.s32 $0xFFFFFFFC, s26  }
0x40: {  	v56 =	vmov s31  }
0x41: {  	v32 =	vand.u32 $0xFFFFFFFB, v56  }
0x42: {  	v39 =	vbroadcast v32, $0x0  }
0x43: {  	s31 =	spop (v2sf)  }
0x44: {  	s30 =	sshll.u32 s31, $0x7  }
0x45: {  	s30 =	sand.u32 $0x1FFFFF80, s30  }
0x46: {  	s30 =	sadd.s32 s1, s30  }
0x47: {  	[tilespmem:s17], [sflag:$0x1] =	stream.strided.gather [hbm4b:s30+s15], $0x2000, s13, s15, $0x38;
	[tilespmem:$0x18400] =	vst v63  }
0x48: {  	v32 =	vld.idx.msk [tilespmem:v39+s4+$0x0], $0xffff;
	_ =	sdelay $0x4  }
0x49: {  	v32 =	vxor.u32 $0x80000000, v32  }
0x4a: {  	(xrf0) =	vmax.scan.msk.u32 $0xffff, v32;
	_ =	sdelay $0x5  }
0x4b: {  	v32, _, _ =	vpop (xrf0)  }
0x4c: {  	(v2sf) =	vpush v32, $0xF;
	_ =	sdelay $0xa  }
0x4d: {  	s31 =	sadd.s32 $0xFFFFFFFD, s26  }
0x4e: {  	v57 =	vmov s31  }
0x4f: {  	v32 =	vand.u32 $0xFFFFFFFC, v57  }
0x50: {  	v35 =	vbroadcast v32, $0x0  }
0x51: {  	s31 =	spop (v2sf)  }
0x52: {  	s30 =	sshll.u32 s31, $0x7  }
0x53: {  	s30 =	sand.u32 $0x1FFFFF80, s30  }
0x54: {  	s30 =	sadd.s32 s1, s30  }
0x55: {  	[tilespmem:s18], [sflag:$0x1] =	stream.strided.gather [hbm4b:s30+s15], $0x2000, s13, s15, $0x38;
	[tilespmem:$0x18400] =	vst v63  }
0x56: {  	v32 =	vld.idx.msk [tilespmem:v35+s4+$0x0], $0xffff;
	_ =	sdelay $0x4  }
0x57: {  	v32 =	vxor.u32 $0x80000000, v32  }
0x58: {  	(xrf0) =	vmax.scan.msk.u32 $0xffff, v32;
	_ =	sdelay $0x5  }
0x59: {  	v32, _, _ =	vpop (xrf0)  }
0x5a: {  	(v2sf) =	vpush v32, $0xF;
	_ =	sdelay $0xa  }
0x5b: {  	s31 =	sadd.s32 $0xFFFFFFFE, s26  }
0x5c: {  	v58 =	vmov s31  }
0x5d: {  	v32 =	vand.u32 $0xFFFFFFFD, v58  }
0x5e: {  	v34 =	vbroadcast v32, $0x0  }
0x5f: {  	s31 =	spop (v2sf)  }
0x60: {  	s30 =	sshll.u32 s31, $0x7  }
0x61: {  	s30 =	sand.u32 $0x1FFFFF80, s30  }
0x62: {  	s30 =	sadd.s32 s1, s30  }
0x63: {  	[tilespmem:s19], [sflag:$0x1] =	stream.strided.gather [hbm4b:s30+s15], $0x2000, s13, s15, $0x38;
	[tilespmem:$0x18400] =	vst v63  }
0x64: {  	v32 =	vld.idx.msk [tilespmem:v34+s4+$0x0], $0xffff;
	_ =	sdelay $0x4  }
0x65: {  	v32 =	vxor.u32 $0x80000000, v32  }
0x66: {  	(xrf0) =	vmax.scan.msk.u32 $0xffff, v32;
	_ =	sdelay $0x5  }
0x67: {  	v32, _, _ =	vpop (xrf0)  }
0x68: {  	(v2sf) =	vpush v32, $0xF;
	_ =	sdelay $0xa  }
0x69: {  	s31 =	sadd.s32 $0xFFFFFFFF, s26  }
0x6a: {  	v59 =	vmov s31  }
0x6b: {  	v32 =	vand.u32 $0xFFFFFFFE, v59  }
0x6c: {  	v33 =	vbroadcast v32, $0x0  }
0x6d: {  	s31 =	spop (v2sf)  }
0x6e: {  	s30 =	sshll.u32 s31, $0x7  }
0x6f: {  	s30 =	sand.u32 $0x1FFFFF80, s30  }
0x70: {  	s30 =	sadd.s32 s1, s30  }
0x71: {  	[tilespmem:s20], [sflag:$0x1] =	stream.strided.gather [hbm4b:s30+s15], $0x2000, s13, s15, $0x38;
	[tilespmem:$0x18400] =	vst v63  }
0x72: {  	v32 =	vld.idx.msk [tilespmem:v33+s4+$0x0], $0xffff;
	_ =	sdelay $0x4  }
0x73: {  	v32 =	vxor.u32 $0x80000000, v32  }
0x74: {  	(xrf0) =	vmax.scan.msk.u32 $0xffff, v32;
	_ =	sdelay $0x5  }
0x75: {  	v32, _, _ =	vpop (xrf0)  }
0x76: {  	(v2sf) =	vpush v32, $0xF;
	_ =	sdelay $0xe  }
0x77: {  	v32 =	vmov s26;
	s31 =	spop (v2sf)  }
0x78: {  	s30 =	sshll.u32 s31, $0x7  }
0x79: {  	s30 =	sand.u32 $0x1FFFFF80, s30  }
0x7a: {  	s30 =	sadd.s32 s1, s30  }
0x7b: {  	[tilespmem:s21], [sflag:$0x1] =	stream.strided.gather [hbm4b:s30+s15], $0x2000, s13, s15, $0x38;
	[tilespmem:$0x18400] =	vst v63  }
0x7c: {  	v40 =	vld.idx.msk [tilespmem:v32+s4+$0x0], $0xffff;
	_ =	sdelay $0x4  }
0x7d: {  	v40 =	vxor.u32 $0x80000000, v40  }
0x7e: {  	(xrf0) =	vmax.scan.msk.u32 $0xffff, v40;
	_ =	sdelay $0x5  }
0x7f: {  	v40, _, _ =	vpop (xrf0)  }
0x80: {  	(v2sf) =	vpush v40, $0xF;
	_ =	sdelay $0xe  }
0x81: {  	s31 =	spop (v2sf)  }
0x82: {  	s30 =	sshll.u32 s31, $0x7  }
0x83: {  	s30 =	sand.u32 $0x1FFFFF80, s30  }
0x84: {  	s30 =	sadd.s32 s1, s30  }
0x85: {  	[tilespmem:s22], [sflag:$0x1] =	stream.strided.gather [hbm4b:s30+s15], $0x2000, s13, s15, $0x38;
	[tilespmem:$0x18400] =	vst v63  }
0x86: {  	_ =	swait.ge [sflag:s23], $0x2000  }
0x87: {  	[sflag:s23] =	ssyncset.done $0x0  }
0x88: {  	[sflag:s23] =	ssyncadd.s32 $0xFFFFE000  }
0x89: {  	v36 =	vld.idx.msk [tilespmem:v36+s14+$0x0], $0xffff;
	_ =	sdelay $0x4  }
0x8a: {  	v60 =	vadd.s32 v0, v36;
	_ =	sdelay $0x4  }
0x8b: {  	v40 =	vld.idx.msk [tilespmem:v60+s15+$0x0], $0xffff  }
0x8c: {  	v41 =	vadd.s32 v1, v36;
	_ =	sdelay $0x3  }
0x8d: {  	[tilespmem:s29+$0xFFFFFF00] =	vst v40  }
0x8e: {  	v40 =	vld.idx.msk [tilespmem:v41+s15+$0x0], $0xffff  }
0x8f: {  	v61 =	vadd.s32 v2, v36;
	_ =	sdelay $0x3  }
0x90: {  	[tilespmem:s29+$0xFFFFFF10] =	vst v40  }
0x91: {  	v40 =	vld.idx.msk [tilespmem:v61+s15+$0x0], $0xffff  }
0x92: {  	v36 =	vadd.s32 v3, v36;
	_ =	sdelay $0x3  }
0x93: {  	[tilespmem:s29+$0xFFFFFF20] =	vst v40  }
0x94: {  	v36 =	vld.idx.msk [tilespmem:v36+s15+$0x0], $0xffff;
	_ =	sdelay $0x4  }
0x95: {  	[tilespmem:s29+$0xFFFFFF30] =	vst v36  }
0x96: {  	_ =	swait.ge [sflag:s23], $0x2000  }
0x97: {  	[sflag:s23] =	ssyncset.done $0x0  }
0x98: {  	[sflag:s23] =	ssyncadd.s32 $0xFFFFE000  }
0x99: {  	v62 =	vld.idx.msk [tilespmem:v37+s14+$0x0], $0xffff;
	_ =	sdelay $0x4  }
0x9a: {  	v37 =	vadd.s32 v4, v62;
	_ =	sdelay $0x4  }
0x9b: {  	v37 =	vld.idx.msk [tilespmem:v37+s15+$0x0], $0xffff  }
0x9c: {  	v63 =	vadd.s32 v5, v62;
	_ =	sdelay $0x3  }
0x9d: {  	[tilespmem:s29+$0xFFFFFF40] =	vst v37  }
0x9e: {  	v37 =	vld.idx.msk [tilespmem:v63+s15+$0x0], $0xffff  }
0x9f: {  	v44 =	vadd.s32 v6, v62;
	_ =	sdelay $0x1  }
0xa0: {  	s30 =	sadd.s32 $0xFFFFFE80, s28  }
0xa1: {  	s31 =	sor.u32 $0x50, s30  }
0xa2: {  	[tilespmem:s31+$0x10400] =	vst v37  }
0xa3: {  	v37 =	vld.idx.msk [tilespmem:v44+s15+$0x0], $0xffff  }
0xa4: {  	v36 =	vadd.s32 v7, v62;
	_ =	sdelay $0x2  }
0xa5: {  	s31 =	sor.u32 $0x60, s30  }
0xa6: {  	[tilespmem:s31+$0x10400] =	vst v37  }
0xa7: {  	v36 =	vld.idx.msk [tilespmem:v36+s15+$0x0], $0xffff;
	_ =	sdelay $0x3  }
0xa8: {  	s30 =	sor.u32 $0x70, s30  }
0xa9: {  	[tilespmem:s30+$0x10400] =	vst v36  }
0xaa: {  	_ =	swait.ge [sflag:s23], $0x2000  }
0xab: {  	[sflag:s23] =	ssyncset.done $0x0  }
0xac: {  	[sflag:s23] =	ssyncadd.s32 $0xFFFFE000  }
0xad: {  	v45 =	vld.idx.msk [tilespmem:v38+s14+$0x0], $0xffff;
	_ =	sdelay $0x4  }
0xae: {  	v46 =	vadd.s32 v8, v45;
	_ =	sdelay $0x4  }
0xaf: {  	v37 =	vld.idx.msk [tilespmem:v46+s15+$0x0], $0xffff  }
0xb0: {  	v38 =	vadd.s32 v9, v45;
	_ =	sdelay $0x3  }
0xb1: {  	[tilespmem:s29+$0xFFFFFF80] =	vst v37  }
0xb2: {  	v37 =	vld.idx.msk [tilespmem:v38+s15+$0x0], $0xffff  }
0xb3: {  	v47 =	vadd.s32 v10, v45;
	_ =	sdelay $0x3  }
0xb4: {  	[tilespmem:s29+$0xFFFFFF90] =	vst v37  }
0xb5: {  	v37 =	vld.idx.msk [tilespmem:v47+s15+$0x0], $0xffff  }
0xb6: {  	v36 =	vadd.s32 v11, v45;
	_ =	sdelay $0x3  }
0xb7: {  	[tilespmem:s29+$0xFFFFFFA0] =	vst v37  }
0xb8: {  	v36 =	vld.idx.msk [tilespmem:v36+s15+$0x0], $0xffff;
	_ =	sdelay $0x4  }
0xb9: {  	[tilespmem:s29+$0xFFFFFFB0] =	vst v36  }
0xba: {  	_ =	swait.ge [sflag:s23], $0x2000  }
0xbb: {  	[sflag:s23] =	ssyncset.done $0x0  }
0xbc: {  	[sflag:s23] =	ssyncadd.s32 $0xFFFFE000  }
0xbd: {  	v48 =	vld.idx.msk [tilespmem:v39+s14+$0x0], $0xffff;
	_ =	sdelay $0x4  }
0xbe: {  	v49 =	vadd.s32 v12, v48;
	_ =	sdelay $0x4  }
0xbf: {  	v37 =	vld.idx.msk [tilespmem:v49+s15+$0x0], $0xffff  }
0xc0: {  	v50 =	vadd.s32 v13, v48;
	_ =	sdelay $0x3  }
0xc1: {  	[tilespmem:s29+$0xFFFFFFC0] =	vst v37  }
0xc2: {  	v37 =	vld.idx.msk [tilespmem:v50+s15+$0x0], $0xffff  }
0xc3: {  	v51 =	vadd.s32 v14, v48;
	_ =	sdelay $0x1  }
0xc4: {  	s30 =	sadd.s32 $0xFFFFFF00, s28  }
0xc5: {  	s31 =	sor.u32 $0x50, s30  }
0xc6: {  	[tilespmem:s31+$0x10400] =	vst v37  }
0xc7: {  	v37 =	vld.idx.msk [tilespmem:v51+s15+$0x0], $0xffff  }
0xc8: {  	v36 =	vadd.s32 v15, v48;
	_ =	sdelay $0x2  }
0xc9: {  	s31 =	sor.u32 $0x60, s30  }
0xca: {  	[tilespmem:s31+$0x10400] =	vst v37  }
0xcb: {  	v36 =	vld.idx.msk [tilespmem:v36+s15+$0x0], $0xffff;
	_ =	sdelay $0x3  }
0xcc: {  	s30 =	sor.u32 $0x70, s30  }
0xcd: {  	[tilespmem:s30+$0x10400] =	vst v36  }
0xce: {  	_ =	swait.ge [sflag:s23], $0x2000  }
0xcf: {  	[sflag:s23] =	ssyncset.done $0x0  }
0xd0: {  	[sflag:s23] =	ssyncadd.s32 $0xFFFFE000  }
0xd1: {  	v35 =	vld.idx.msk [tilespmem:v35+s14+$0x0], $0xffff;
	_ =	sdelay $0x4  }
0xd2: {  	v52 =	vadd.s32 v16, v35;
	_ =	sdelay $0x4  }
0xd3: {  	v36 =	vld.idx.msk [tilespmem:v52+s15+$0x0], $0xffff  }
0xd4: {  	v53 =	vadd.s32 v17, v35;
	_ =	sdelay $0x3  }
0xd5: {  	[tilespmem:s29+$0x0] =	vst v36  }
0xd6: {  	v36 =	vld.idx.msk [tilespmem:v53+s15+$0x0], $0xffff  }
0xd7: {  	v54 =	vadd.s32 v18, v35;
	_ =	sdelay $0x3  }
0xd8: {  	[tilespmem:s29+$0x10] =	vst v36  }
0xd9: {  	v36 =	vld.idx.msk [tilespmem:v54+s15+$0x0], $0xffff  }
0xda: {  	v35 =	vadd.s32 v19, v35;
	_ =	sdelay $0x3  }
0xdb: {  	[tilespmem:s29+$0x20] =	vst v36  }
0xdc: {  	v35 =	vld.idx.msk [tilespmem:v35+s15+$0x0], $0xffff;
	_ =	sdelay $0x4  }
0xdd: {  	[tilespmem:s29+$0x30] =	vst v35  }
0xde: {  	_ =	swait.ge [sflag:s23], $0x2000  }
0xdf: {  	[sflag:s23] =	ssyncset.done $0x0  }
0xe0: {  	[sflag:s23] =	ssyncadd.s32 $0xFFFFE000  }
0xe1: {  	v34 =	vld.idx.msk [tilespmem:v34+s14+$0x0], $0xffff;
	_ =	sdelay $0x4  }
0xe2: {  	v55 =	vadd.s32 v20, v34;
	_ =	sdelay $0x4  }
0xe3: {  	v35 =	vld.idx.msk [tilespmem:v55+s15+$0x0], $0xffff  }
0xe4: {  	v56 =	vadd.s32 v21, v34;
	_ =	sdelay $0x3  }
0xe5: {  	[tilespmem:s29+$0x40] =	vst v35  }
0xe6: {  	v35 =	vld.idx.msk [tilespmem:v56+s15+$0x0], $0xffff  }
0xe7: {  	v57 =	vadd.s32 v22, v34;
	_ =	sdelay $0x1  }
0xe8: {  	s30 =	sadd.s32 $0xFFFFFF80, s28  }
0xe9: {  	s31 =	sor.u32 $0x50, s30  }
0xea: {  	[tilespmem:s31+$0x10400] =	vst v35  }
0xeb: {  	v35 =	vld.idx.msk [tilespmem:v57+s15+$0x0], $0xffff  }
0xec: {  	v34 =	vadd.s32 v23, v34;
	_ =	sdelay $0x2  }
0xed: {  	s31 =	sor.u32 $0x60, s30  }
0xee: {  	[tilespmem:s31+$0x10400] =	vst v35  }
0xef: {  	v34 =	vld.idx.msk [tilespmem:v34+s15+$0x0], $0xffff;
	_ =	sdelay $0x3  }
0xf0: {  	s30 =	sor.u32 $0x70, s30  }
0xf1: {  	[tilespmem:s30+$0x10400] =	vst v34  }
0xf2: {  	_ =	swait.ge [sflag:s23], $0x2000  }
0xf3: {  	[sflag:s23] =	ssyncset.done $0x0  }
0xf4: {  	[sflag:s23] =	ssyncadd.s32 $0xFFFFE000  }
0xf5: {  	v33 =	vld.idx.msk [tilespmem:v33+s14+$0x0], $0xffff;
	_ =	sdelay $0x4  }
0xf6: {  	v58 =	vadd.s32 v24, v33;
	_ =	sdelay $0x4  }
0xf7: {  	v34 =	vld.idx.msk [tilespmem:v58+s15+$0x0], $0xffff  }
0xf8: {  	v59 =	vadd.s32 v25, v33;
	_ =	sdelay $0x3  }
0xf9: {  	[tilespmem:s29+$0x80] =	vst v34  }
0xfa: {  	v34 =	vld.idx.msk [tilespmem:v59+s15+$0x0], $0xffff  }
0xfb: {  	v60 =	vadd.s32 v26, v33;
	_ =	sdelay $0x3  }
0xfc: {  	[tilespmem:s29+$0x90] =	vst v34  }
0xfd: {  	v34 =	vld.idx.msk [tilespmem:v60+s15+$0x0], $0xffff  }
0xfe: {  	v33 =	vadd.s32 v27, v33;
	_ =	sdelay $0x3  }
0xff: {  	[tilespmem:s29+$0xA0] =	vst v34  }
0x100: {  	v33 =	vld.idx.msk [tilespmem:v33+s15+$0x0], $0xffff;
	_ =	sdelay $0x4  }
0x101: {  	[tilespmem:s29+$0xB0] =	vst v33  }
0x102: {  	_ =	swait.ge [sflag:s23], $0x2000  }
0x103: {  	[sflag:s23] =	ssyncset.done $0x0  }
0x104: {  	[sflag:s23] =	ssyncadd.s32 $0xFFFFE000  }
0x105: {  	v32 =	vld.idx.msk [tilespmem:v32+s14+$0x0], $0xffff;
	_ =	sdelay $0x4  }
0x106: {  	v61 =	vadd.s32 v28, v32;
	_ =	sdelay $0x4  }
0x107: {  	v33 =	vld.idx.msk [tilespmem:v61+s15+$0x0], $0xffff  }
0x108: {  	v62 =	vadd.s32 v29, v32;
	_ =	sdelay $0x3  }
0x109: {  	[tilespmem:s29+$0xC0] =	vst v33  }
0x10a: {  	v33 =	vld.idx.msk [tilespmem:v62+s15+$0x0], $0xffff  }
0x10b: {  	v63 =	vadd.s32 v30, v32;
	_ =	sdelay $0x2  }
0x10c: {  	s31 =	sor.u32 $0x50, s28  }
0x10d: {  	[tilespmem:s31+$0x10400] =	vst v33  }
0x10e: {  	v33 =	vld.idx.msk [tilespmem:v63+s15+$0x0], $0xffff  }
0x10f: {  	v32 =	vadd.s32 v31, v32;
	_ =	sdelay $0x2  }
0x110: {  	s31 =	sor.u32 $0x60, s28  }
0x111: {  	[tilespmem:s31+$0x10400] =	vst v33  }
0x112: {  	p0 =	sne.s32 s26, $0x1FF;
	v32 =	vld.idx.msk [tilespmem:v32+s15+$0x0], $0xffff  }
.Ltmp0:
0x113: {  	_ = 	snop;
	(pc) =	sbr.rel @p0 .LBB2_2-.Ltmp0, $3  }
0x114: {  	_ =	sdelay $0x1  }
0x115: {  	s31 =	sor.u32 $0x70, s28  }
0x116: {  	s26 =	sadd.s32 $0x8, s26;
	s29 =	sadd.s32 $0x200, s29;
	s28 =	sadd.s32 $0x200, s28;
	[tilespmem:s31+$0x10400] =	vst v32  }
0x117: {  	[hbm4b:s7+s4] =	stream.linear.scatter [tilespmem:s24], [sflag:$0x2], $0x8000, $0x38;
	[tilespmem:$0x18400] =	vst v63  }
0x118: {  	_ =	swait.ge [sflag:s12], $0x8000  }
0x119: {  	[sflag:s12] =	ssyncset.done $0x0  }
0x11a: {  	[sflag:s12] =	ssyncadd.s32 $0xFFFF8000  }
0x11b: {  	[tilespmem:s4], [sflag:$0x2] =	stream.linear.gather [hbm4b:s8+s4], $0x200, $0x38;
	[tilespmem:$0x18400] =	vst v63  }
0x11c: {  	_ =	swait.ge [sflag:s12], $0x200  }
0x11d: {  	[sflag:s12] =	ssyncset.done $0x0  }
0x11e: {  	[sflag:s12] =	ssyncadd.s32 $0xFFFFFE00  }
0x11f: {  	[tilespmem:s14], [sflag:$0x2] =	stream.linear.gather [hbm4b:s9+s4], $0x200, $0x38;
	[tilespmem:$0x18400] =	vst v63  }
0x120: {  	_ =	swait.ge [sflag:s12], $0x200  }
0x121: {  	s26 =	simm.s32 $0x7;
	[sflag:s12] =	ssyncset.done $0x0  }
0x122: {  	s28 =	simm.s32 $0x1C0;
	s29 =	simm.s32 $0x10500;
	[sflag:s12] =	ssyncadd.s32 $0xFFFFFE00  }
.LBB2_4:
0x123: {  	s30 =	sadd.s32 $0xFFFFFFF9, s26  }
0x124: {  	v32 =	vmov s30  }
0x125: {  	v32 =	vand.u32 $0xFFFFFFF8, v32  }
0x126: {  	v36 =	vbroadcast v32, $0x0;
	_ =	sdelay $0x5  }
0x127: {  	v32 =	vld.idx.msk [tilespmem:v36+s4+$0x0], $0xffff;
	_ =	sdelay $0x4  }
0x128: {  	v32 =	vxor.u32 $0x80000000, v32  }
0x129: {  	(xrf0) =	vmax.scan.msk.u32 $0xffff, v32;
	_ =	sdelay $0x5  }
0x12a: {  	v32, _, _ =	vpop (xrf0)  }
0x12b: {  	(v2sf) =	vpush v32, $0xF;
	_ =	sdelay $0xa  }
0x12c: {  	s31 =	sadd.s32 $0xFFFFFFFA, s26  }
0x12d: {  	v54 =	vmov s31  }
0x12e: {  	v32 =	vand.u32 $0xFFFFFFF9, v54  }
0x12f: {  	v37 =	vbroadcast v32, $0x0  }
0x130: {  	s31 =	spop (v2sf)  }
0x131: {  	s30 =	sshll.u32 s31, $0x7  }
0x132: {  	s30 =	sand.u32 $0x1FFFFF80, s30  }
0x133: {  	s30 =	sadd.s32 s2, s30  }
0x134: {  	[tilespmem:s15], [sflag:$0x1] =	stream.strided.gather [hbm4b:s30+s15], $0x2000, s13, s15, $0x38;
	[tilespmem:$0x18400] =	vst v63  }
0x135: {  	v32 =	vld.idx.msk [tilespmem:v37+s4+$0x0], $0xffff;
	_ =	sdelay $0x4  }
0x136: {  	v32 =	vxor.u32 $0x80000000, v32  }
0x137: {  	(xrf0) =	vmax.scan.msk.u32 $0xffff, v32;
	_ =	sdelay $0x5  }
0x138: {  	v32, _, _ =	vpop (xrf0)  }
0x139: {  	(v2sf) =	vpush v32, $0xF;
	_ =	sdelay $0xa  }
0x13a: {  	s31 =	sadd.s32 $0xFFFFFFFB, s26  }
0x13b: {  	v55 =	vmov s31  }
0x13c: {  	v32 =	vand.u32 $0xFFFFFFFA, v55  }
0x13d: {  	v38 =	vbroadcast v32, $0x0  }
0x13e: {  	s31 =	spop (v2sf)  }
0x13f: {  	s30 =	sshll.u32 s31, $0x7  }
0x140: {  	s30 =	sand.u32 $0x1FFFFF80, s30  }
0x141: {  	s30 =	sadd.s32 s2, s30  }
0x142: {  	[tilespmem:s16], [sflag:$0x1] =	stream.strided.gather [hbm4b:s30+s15], $0x2000, s13, s15, $0x38;
	[tilespmem:$0x18400] =	vst v63  }
0x143: {  	v32 =	vld.idx.msk [tilespmem:v38+s4+$0x0], $0xffff;
	_ =	sdelay $0x4  }
0x144: {  	v32 =	vxor.u32 $0x80000000, v32  }
0x145: {  	(xrf0) =	vmax.scan.msk.u32 $0xffff, v32;
	_ =	sdelay $0x5  }
0x146: {  	v32, _, _ =	vpop (xrf0)  }
0x147: {  	(v2sf) =	vpush v32, $0xF;
	_ =	sdelay $0xa  }
0x148: {  	s31 =	sadd.s32 $0xFFFFFFFC, s26  }
0x149: {  	v56 =	vmov s31  }
0x14a: {  	v32 =	vand.u32 $0xFFFFFFFB, v56  }
0x14b: {  	v39 =	vbroadcast v32, $0x0  }
0x14c: {  	s31 =	spop (v2sf)  }
0x14d: {  	s30 =	sshll.u32 s31, $0x7  }
0x14e: {  	s30 =	sand.u32 $0x1FFFFF80, s30  }
0x14f: {  	s30 =	sadd.s32 s2, s30  }
0x150: {  	[tilespmem:s17], [sflag:$0x1] =	stream.strided.gather [hbm4b:s30+s15], $0x2000, s13, s15, $0x38;
	[tilespmem:$0x18400] =	vst v63  }
0x151: {  	v32 =	vld.idx.msk [tilespmem:v39+s4+$0x0], $0xffff;
	_ =	sdelay $0x4  }
0x152: {  	v32 =	vxor.u32 $0x80000000, v32  }
0x153: {  	(xrf0) =	vmax.scan.msk.u32 $0xffff, v32;
	_ =	sdelay $0x5  }
0x154: {  	v32, _, _ =	vpop (xrf0)  }
0x155: {  	(v2sf) =	vpush v32, $0xF;
	_ =	sdelay $0xa  }
0x156: {  	s31 =	sadd.s32 $0xFFFFFFFD, s26  }
0x157: {  	v57 =	vmov s31  }
0x158: {  	v32 =	vand.u32 $0xFFFFFFFC, v57  }
0x159: {  	v35 =	vbroadcast v32, $0x0  }
0x15a: {  	s31 =	spop (v2sf)  }
0x15b: {  	s30 =	sshll.u32 s31, $0x7  }
0x15c: {  	s30 =	sand.u32 $0x1FFFFF80, s30  }
0x15d: {  	s30 =	sadd.s32 s2, s30  }
0x15e: {  	[tilespmem:s18], [sflag:$0x1] =	stream.strided.gather [hbm4b:s30+s15], $0x2000, s13, s15, $0x38;
	[tilespmem:$0x18400] =	vst v63  }
0x15f: {  	v32 =	vld.idx.msk [tilespmem:v35+s4+$0x0], $0xffff;
	_ =	sdelay $0x4  }
0x160: {  	v32 =	vxor.u32 $0x80000000, v32  }
0x161: {  	(xrf0) =	vmax.scan.msk.u32 $0xffff, v32;
	_ =	sdelay $0x5  }
0x162: {  	v32, _, _ =	vpop (xrf0)  }
0x163: {  	(v2sf) =	vpush v32, $0xF;
	_ =	sdelay $0xa  }
0x164: {  	s31 =	sadd.s32 $0xFFFFFFFE, s26  }
0x165: {  	v58 =	vmov s31  }
0x166: {  	v32 =	vand.u32 $0xFFFFFFFD, v58  }
0x167: {  	v34 =	vbroadcast v32, $0x0  }
0x168: {  	s31 =	spop (v2sf)  }
0x169: {  	s30 =	sshll.u32 s31, $0x7  }
0x16a: {  	s30 =	sand.u32 $0x1FFFFF80, s30  }
0x16b: {  	s30 =	sadd.s32 s2, s30  }
0x16c: {  	[tilespmem:s19], [sflag:$0x1] =	stream.strided.gather [hbm4b:s30+s15], $0x2000, s13, s15, $0x38;
	[tilespmem:$0x18400] =	vst v63  }
0x16d: {  	v32 =	vld.idx.msk [tilespmem:v34+s4+$0x0], $0xffff;
	_ =	sdelay $0x4  }
0x16e: {  	v32 =	vxor.u32 $0x80000000, v32  }
0x16f: {  	(xrf0) =	vmax.scan.msk.u32 $0xffff, v32;
	_ =	sdelay $0x5  }
0x170: {  	v32, _, _ =	vpop (xrf0)  }
0x171: {  	(v2sf) =	vpush v32, $0xF;
	_ =	sdelay $0xa  }
0x172: {  	s31 =	sadd.s32 $0xFFFFFFFF, s26  }
0x173: {  	v59 =	vmov s31  }
0x174: {  	v32 =	vand.u32 $0xFFFFFFFE, v59  }
0x175: {  	v33 =	vbroadcast v32, $0x0  }
0x176: {  	s31 =	spop (v2sf)  }
0x177: {  	s30 =	sshll.u32 s31, $0x7  }
0x178: {  	s30 =	sand.u32 $0x1FFFFF80, s30  }
0x179: {  	s30 =	sadd.s32 s2, s30  }
0x17a: {  	[tilespmem:s20], [sflag:$0x1] =	stream.strided.gather [hbm4b:s30+s15], $0x2000, s13, s15, $0x38;
	[tilespmem:$0x18400] =	vst v63  }
0x17b: {  	v32 =	vld.idx.msk [tilespmem:v33+s4+$0x0], $0xffff;
	_ =	sdelay $0x4  }
0x17c: {  	v32 =	vxor.u32 $0x80000000, v32  }
0x17d: {  	(xrf0) =	vmax.scan.msk.u32 $0xffff, v32;
	_ =	sdelay $0x5  }
0x17e: {  	v32, _, _ =	vpop (xrf0)  }
0x17f: {  	(v2sf) =	vpush v32, $0xF;
	_ =	sdelay $0xe  }
0x180: {  	v32 =	vmov s26;
	s31 =	spop (v2sf)  }
0x181: {  	s30 =	sshll.u32 s31, $0x7  }
0x182: {  	s30 =	sand.u32 $0x1FFFFF80, s30  }
0x183: {  	s30 =	sadd.s32 s2, s30  }
0x184: {  	[tilespmem:s21], [sflag:$0x1] =	stream.strided.gather [hbm4b:s30+s15], $0x2000, s13, s15, $0x38;
	[tilespmem:$0x18400] =	vst v63  }
0x185: {  	v40 =	vld.idx.msk [tilespmem:v32+s4+$0x0], $0xffff;
	_ =	sdelay $0x4  }
0x186: {  	v40 =	vxor.u32 $0x80000000, v40  }
0x187: {  	(xrf0) =	vmax.scan.msk.u32 $0xffff, v40;
	_ =	sdelay $0x5  }
0x188: {  	v40, _, _ =	vpop (xrf0)  }
0x189: {  	(v2sf) =	vpush v40, $0xF;
	_ =	sdelay $0xe  }
0x18a: {  	s31 =	spop (v2sf)  }
0x18b: {  	s30 =	sshll.u32 s31, $0x7  }
0x18c: {  	s30 =	sand.u32 $0x1FFFFF80, s30  }
0x18d: {  	s30 =	sadd.s32 s2, s30  }
0x18e: {  	[tilespmem:s22], [sflag:$0x1] =	stream.strided.gather [hbm4b:s30+s15], $0x2000, s13, s15, $0x38;
	[tilespmem:$0x18400] =	vst v63  }
0x18f: {  	_ =	swait.ge [sflag:s23], $0x2000  }
0x190: {  	[sflag:s23] =	ssyncset.done $0x0  }
0x191: {  	[sflag:s23] =	ssyncadd.s32 $0xFFFFE000  }
0x192: {  	v36 =	vld.idx.msk [tilespmem:v36+s14+$0x0], $0xffff;
	_ =	sdelay $0x4  }
0x193: {  	v60 =	vadd.s32 v0, v36;
	_ =	sdelay $0x4  }
0x194: {  	v40 =	vld.idx.msk [tilespmem:v60+s15+$0x0], $0xffff  }
0x195: {  	v41 =	vadd.s32 v1, v36;
	_ =	sdelay $0x3  }
0x196: {  	[tilespmem:s29+$0xFFFFFF00] =	vst v40  }
0x197: {  	v40 =	vld.idx.msk [tilespmem:v41+s15+$0x0], $0xffff  }
0x198: {  	v61 =	vadd.s32 v2, v36;
	_ =	sdelay $0x3  }
0x199: {  	[tilespmem:s29+$0xFFFFFF10] =	vst v40  }
0x19a: {  	v40 =	vld.idx.msk [tilespmem:v61+s15+$0x0], $0xffff  }
0x19b: {  	v36 =	vadd.s32 v3, v36;
	_ =	sdelay $0x3  }
0x19c: {  	[tilespmem:s29+$0xFFFFFF20] =	vst v40  }
0x19d: {  	v36 =	vld.idx.msk [tilespmem:v36+s15+$0x0], $0xffff;
	_ =	sdelay $0x4  }
0x19e: {  	[tilespmem:s29+$0xFFFFFF30] =	vst v36  }
0x19f: {  	_ =	swait.ge [sflag:s23], $0x2000  }
0x1a0: {  	[sflag:s23] =	ssyncset.done $0x0  }
0x1a1: {  	[sflag:s23] =	ssyncadd.s32 $0xFFFFE000  }
0x1a2: {  	v62 =	vld.idx.msk [tilespmem:v37+s14+$0x0], $0xffff;
	_ =	sdelay $0x4  }
0x1a3: {  	v37 =	vadd.s32 v4, v62;
	_ =	sdelay $0x4  }
0x1a4: {  	v37 =	vld.idx.msk [tilespmem:v37+s15+$0x0], $0xffff  }
0x1a5: {  	v63 =	vadd.s32 v5, v62;
	_ =	sdelay $0x3  }
0x1a6: {  	[tilespmem:s29+$0xFFFFFF40] =	vst v37  }
0x1a7: {  	v37 =	vld.idx.msk [tilespmem:v63+s15+$0x0], $0xffff  }
0x1a8: {  	v44 =	vadd.s32 v6, v62;
	_ =	sdelay $0x1  }
0x1a9: {  	s30 =	sadd.s32 $0xFFFFFE80, s28  }
0x1aa: {  	s31 =	sor.u32 $0x50, s30  }
0x1ab: {  	[tilespmem:s31+$0x10400] =	vst v37  }
0x1ac: {  	v37 =	vld.idx.msk [tilespmem:v44+s15+$0x0], $0xffff  }
0x1ad: {  	v36 =	vadd.s32 v7, v62;
	_ =	sdelay $0x2  }
0x1ae: {  	s31 =	sor.u32 $0x60, s30  }
0x1af: {  	[tilespmem:s31+$0x10400] =	vst v37  }
0x1b0: {  	v36 =	vld.idx.msk [tilespmem:v36+s15+$0x0], $0xffff;
	_ =	sdelay $0x3  }
0x1b1: {  	s30 =	sor.u32 $0x70, s30  }
0x1b2: {  	[tilespmem:s30+$0x10400] =	vst v36  }
0x1b3: {  	_ =	swait.ge [sflag:s23], $0x2000  }
0x1b4: {  	[sflag:s23] =	ssyncset.done $0x0  }
0x1b5: {  	[sflag:s23] =	ssyncadd.s32 $0xFFFFE000  }
0x1b6: {  	v45 =	vld.idx.msk [tilespmem:v38+s14+$0x0], $0xffff;
	_ =	sdelay $0x4  }
0x1b7: {  	v46 =	vadd.s32 v8, v45;
	_ =	sdelay $0x4  }
0x1b8: {  	v37 =	vld.idx.msk [tilespmem:v46+s15+$0x0], $0xffff  }
0x1b9: {  	v38 =	vadd.s32 v9, v45;
	_ =	sdelay $0x3  }
0x1ba: {  	[tilespmem:s29+$0xFFFFFF80] =	vst v37  }
0x1bb: {  	v37 =	vld.idx.msk [tilespmem:v38+s15+$0x0], $0xffff  }
0x1bc: {  	v47 =	vadd.s32 v10, v45;
	_ =	sdelay $0x3  }
0x1bd: {  	[tilespmem:s29+$0xFFFFFF90] =	vst v37  }
0x1be: {  	v37 =	vld.idx.msk [tilespmem:v47+s15+$0x0], $0xffff  }
0x1bf: {  	v36 =	vadd.s32 v11, v45;
	_ =	sdelay $0x3  }
0x1c0: {  	[tilespmem:s29+$0xFFFFFFA0] =	vst v37  }
0x1c1: {  	v36 =	vld.idx.msk [tilespmem:v36+s15+$0x0], $0xffff;
	_ =	sdelay $0x4  }
0x1c2: {  	[tilespmem:s29+$0xFFFFFFB0] =	vst v36  }
0x1c3: {  	_ =	swait.ge [sflag:s23], $0x2000  }
0x1c4: {  	[sflag:s23] =	ssyncset.done $0x0  }
0x1c5: {  	[sflag:s23] =	ssyncadd.s32 $0xFFFFE000  }
0x1c6: {  	v48 =	vld.idx.msk [tilespmem:v39+s14+$0x0], $0xffff;
	_ =	sdelay $0x4  }
0x1c7: {  	v49 =	vadd.s32 v12, v48;
	_ =	sdelay $0x4  }
0x1c8: {  	v37 =	vld.idx.msk [tilespmem:v49+s15+$0x0], $0xffff  }
0x1c9: {  	v50 =	vadd.s32 v13, v48;
	_ =	sdelay $0x3  }
0x1ca: {  	[tilespmem:s29+$0xFFFFFFC0] =	vst v37  }
0x1cb: {  	v37 =	vld.idx.msk [tilespmem:v50+s15+$0x0], $0xffff  }
0x1cc: {  	v51 =	vadd.s32 v14, v48;
	_ =	sdelay $0x1  }
0x1cd: {  	s30 =	sadd.s32 $0xFFFFFF00, s28  }
0x1ce: {  	s31 =	sor.u32 $0x50, s30  }
0x1cf: {  	[tilespmem:s31+$0x10400] =	vst v37  }
0x1d0: {  	v37 =	vld.idx.msk [tilespmem:v51+s15+$0x0], $0xffff  }
0x1d1: {  	v36 =	vadd.s32 v15, v48;
	_ =	sdelay $0x2  }
0x1d2: {  	s31 =	sor.u32 $0x60, s30  }
0x1d3: {  	[tilespmem:s31+$0x10400] =	vst v37  }
0x1d4: {  	v36 =	vld.idx.msk [tilespmem:v36+s15+$0x0], $0xffff;
	_ =	sdelay $0x3  }
0x1d5: {  	s30 =	sor.u32 $0x70, s30  }
0x1d6: {  	[tilespmem:s30+$0x10400] =	vst v36  }
0x1d7: {  	_ =	swait.ge [sflag:s23], $0x2000  }
0x1d8: {  	[sflag:s23] =	ssyncset.done $0x0  }
0x1d9: {  	[sflag:s23] =	ssyncadd.s32 $0xFFFFE000  }
0x1da: {  	v35 =	vld.idx.msk [tilespmem:v35+s14+$0x0], $0xffff;
	_ =	sdelay $0x4  }
0x1db: {  	v52 =	vadd.s32 v16, v35;
	_ =	sdelay $0x4  }
0x1dc: {  	v36 =	vld.idx.msk [tilespmem:v52+s15+$0x0], $0xffff  }
0x1dd: {  	v53 =	vadd.s32 v17, v35;
	_ =	sdelay $0x3  }
0x1de: {  	[tilespmem:s29+$0x0] =	vst v36  }
0x1df: {  	v36 =	vld.idx.msk [tilespmem:v53+s15+$0x0], $0xffff  }
0x1e0: {  	v54 =	vadd.s32 v18, v35;
	_ =	sdelay $0x3  }
0x1e1: {  	[tilespmem:s29+$0x10] =	vst v36  }
0x1e2: {  	v36 =	vld.idx.msk [tilespmem:v54+s15+$0x0], $0xffff  }
0x1e3: {  	v35 =	vadd.s32 v19, v35;
	_ =	sdelay $0x3  }
0x1e4: {  	[tilespmem:s29+$0x20] =	vst v36  }
0x1e5: {  	v35 =	vld.idx.msk [tilespmem:v35+s15+$0x0], $0xffff;
	_ =	sdelay $0x4  }
0x1e6: {  	[tilespmem:s29+$0x30] =	vst v35  }
0x1e7: {  	_ =	swait.ge [sflag:s23], $0x2000  }
0x1e8: {  	[sflag:s23] =	ssyncset.done $0x0  }
0x1e9: {  	[sflag:s23] =	ssyncadd.s32 $0xFFFFE000  }
0x1ea: {  	v34 =	vld.idx.msk [tilespmem:v34+s14+$0x0], $0xffff;
	_ =	sdelay $0x4  }
0x1eb: {  	v55 =	vadd.s32 v20, v34;
	_ =	sdelay $0x4  }
0x1ec: {  	v35 =	vld.idx.msk [tilespmem:v55+s15+$0x0], $0xffff  }
0x1ed: {  	v56 =	vadd.s32 v21, v34;
	_ =	sdelay $0x3  }
0x1ee: {  	[tilespmem:s29+$0x40] =	vst v35  }
0x1ef: {  	v35 =	vld.idx.msk [tilespmem:v56+s15+$0x0], $0xffff  }
0x1f0: {  	v57 =	vadd.s32 v22, v34;
	_ =	sdelay $0x1  }
0x1f1: {  	s30 =	sadd.s32 $0xFFFFFF80, s28  }
0x1f2: {  	s31 =	sor.u32 $0x50, s30  }
0x1f3: {  	[tilespmem:s31+$0x10400] =	vst v35  }
0x1f4: {  	v35 =	vld.idx.msk [tilespmem:v57+s15+$0x0], $0xffff  }
0x1f5: {  	v34 =	vadd.s32 v23, v34;
	_ =	sdelay $0x2  }
0x1f6: {  	s31 =	sor.u32 $0x60, s30  }
0x1f7: {  	[tilespmem:s31+$0x10400] =	vst v35  }
0x1f8: {  	v34 =	vld.idx.msk [tilespmem:v34+s15+$0x0], $0xffff;
	_ =	sdelay $0x3  }
0x1f9: {  	s30 =	sor.u32 $0x70, s30  }
0x1fa: {  	[tilespmem:s30+$0x10400] =	vst v34  }
0x1fb: {  	_ =	swait.ge [sflag:s23], $0x2000  }
0x1fc: {  	[sflag:s23] =	ssyncset.done $0x0  }
0x1fd: {  	[sflag:s23] =	ssyncadd.s32 $0xFFFFE000  }
0x1fe: {  	v33 =	vld.idx.msk [tilespmem:v33+s14+$0x0], $0xffff;
	_ =	sdelay $0x4  }
0x1ff: {  	v58 =	vadd.s32 v24, v33;
	_ =	sdelay $0x4  }
0x200: {  	v34 =	vld.idx.msk [tilespmem:v58+s15+$0x0], $0xffff  }
0x201: {  	v59 =	vadd.s32 v25, v33;
	_ =	sdelay $0x3  }
0x202: {  	[tilespmem:s29+$0x80] =	vst v34  }
0x203: {  	v34 =	vld.idx.msk [tilespmem:v59+s15+$0x0], $0xffff  }
0x204: {  	v60 =	vadd.s32 v26, v33;
	_ =	sdelay $0x3  }
0x205: {  	[tilespmem:s29+$0x90] =	vst v34  }
0x206: {  	v34 =	vld.idx.msk [tilespmem:v60+s15+$0x0], $0xffff  }
0x207: {  	v33 =	vadd.s32 v27, v33;
	_ =	sdelay $0x3  }
0x208: {  	[tilespmem:s29+$0xA0] =	vst v34  }
0x209: {  	v33 =	vld.idx.msk [tilespmem:v33+s15+$0x0], $0xffff;
	_ =	sdelay $0x4  }
0x20a: {  	[tilespmem:s29+$0xB0] =	vst v33  }
0x20b: {  	_ =	swait.ge [sflag:s23], $0x2000  }
0x20c: {  	[sflag:s23] =	ssyncset.done $0x0  }
0x20d: {  	[sflag:s23] =	ssyncadd.s32 $0xFFFFE000  }
0x20e: {  	v32 =	vld.idx.msk [tilespmem:v32+s14+$0x0], $0xffff;
	_ =	sdelay $0x4  }
0x20f: {  	v61 =	vadd.s32 v28, v32;
	_ =	sdelay $0x4  }
0x210: {  	v33 =	vld.idx.msk [tilespmem:v61+s15+$0x0], $0xffff  }
0x211: {  	v62 =	vadd.s32 v29, v32;
	_ =	sdelay $0x3  }
0x212: {  	[tilespmem:s29+$0xC0] =	vst v33  }
0x213: {  	v33 =	vld.idx.msk [tilespmem:v62+s15+$0x0], $0xffff  }
0x214: {  	v63 =	vadd.s32 v30, v32;
	_ =	sdelay $0x2  }
0x215: {  	s31 =	sor.u32 $0x50, s28  }
0x216: {  	[tilespmem:s31+$0x10400] =	vst v33  }
0x217: {  	v33 =	vld.idx.msk [tilespmem:v63+s15+$0x0], $0xffff  }
0x218: {  	v32 =	vadd.s32 v31, v32;
	_ =	sdelay $0x2  }
0x219: {  	s31 =	sor.u32 $0x60, s28  }
0x21a: {  	[tilespmem:s31+$0x10400] =	vst v33  }
0x21b: {  	p0 =	sne.s32 s26, $0x1FF;
	v32 =	vld.idx.msk [tilespmem:v32+s15+$0x0], $0xffff  }
.Ltmp1:
0x21c: {  	_ = 	snop;
	(pc) =	sbr.rel @p0 .LBB2_4-.Ltmp1, $3  }
0x21d: {  	_ =	sdelay $0x1  }
0x21e: {  	s31 =	sor.u32 $0x70, s28  }
0x21f: {  	s26 =	sadd.s32 $0x8, s26;
	s29 =	sadd.s32 $0x200, s29;
	s28 =	sadd.s32 $0x200, s28;
	[tilespmem:s31+$0x10400] =	vst v32  }
0x220: {  	s25 =	sadd.s32 $0x1, s25  }
0x221: {  	p0 =	sne.s32 s25, s11  }
.Ltmp2:
0x222: {  	_ = 	snop;
	(pc) =	sbr.rel @p0 .LBB2_1-.Ltmp2, $4  }
0x223: {  	[hbm4b:s10+s4] =	stream.linear.scatter [tilespmem:s24], [sflag:$0x2], $0x8000, $0x38;
	[tilespmem:$0x18400] =	vst v63  }
0x224: {  	_ =	swait.ge [sflag:s12], $0x8000  }
0x225: {  	[sflag:s12] =	ssyncset.done $0x0  }
0x226: {  	[sflag:s12] =	ssyncadd.s32 $0xFFFF8000  }
0x227: {  	_ =	sfence.sel $0x180000  }
0x228: {  	[bflag:$0x0] =	sbarrier.arrive $0xFFFF  }
0x229: {  	p0 =	sne.s32 s3, $0x0;
	_ =	strace $0x90000047  }
0x22a: {  	s0 =	sadd.s32 @!p0 $0x100000, s0;
	[bflag:$0x2] =	sbarrier.arrive $0xFFFF  }
0x22b: {  	[sflag:s0] =	ssyncadd.tile.s32 @!p0 $0x1;
	_ =	shalt  }
.Lfunc_end2:
_tile_overlayer_lowered:
.L_overlay_start_2:
0x22c: {  	(tag) =	ssettag $0x2  }
0x22d: {  	s0 =	rddreg [dreg:$0x0];
	s2 =	stileid.u32  }
0x22e: {  	s1 =	rddreg [dreg:$0x1];
	p0 =	sne.s32 s2, $0x0  }
0x22f: {  	s3 =	rddreg [dreg:$0x2];
	[bflag:$0x3] =	sbarrier.arrive $0xFFFF;
	s2 =	simm.s32 @!p0 $0x1C02  }
0x230: {  	[timem:s3], [sflag:s2] =	dma.local @!p0 [hbm:s0], s1  }
0x231: {  	s0 =	simm.s32 @!p0 $0x2  }
0x232: {  	_ =	swait.ge @!p0 [sflag:s0], s1  }
0x233: {  	s1 =	ssub.s32 @!p0 $0x0, s1;
	[sflag:s0] =	ssyncset.done @!p0 $0x0  }
0x234: {  	[sflag:s0] =	ssyncadd.s32 @!p0 s1  }
0x235: {  	[bflag:$0x3] =	sbarrier.arrive $0xFFFF  }
0x236: {  	_ =	shalt  }

</sc_bundles>
